<compile_context>
chip_gen: v7x
topology: tpu7x:2x2x1
jax: 0.10.2.dev20260603
libtpu: 0.0.44.dev20260713+nightly
codegen_flags: <defaults>
</compile_context>

<pallas_src>
import functools

import jax
import jax.numpy as jnp
from jax import lax
from jax.experimental import pallas as pl
from jax.experimental.pallas import tpu as pltpu
from jax.experimental.pallas import tpu_sc as plsc

M = 24
OFFS = (0, 1, 5)
NUM_ITERS = 10
TEMP = 0.01
ALPHA = 100.0
NC, NS, LANES = 2, 16, 16
NW = NC * NS


def _tanh_alpha(x):
    t = jnp.exp((-2.0 * ALPHA) * jnp.abs(x))
    r = (1.0 - t) / (1.0 + t)
    return jnp.where(x >= 0, r, -r)


def _smin_pair(a, b):
    lo = jnp.minimum(a, b)
    hi = jnp.maximum(a, b)
    w = jnp.exp((lo - hi) * (1.0 / TEMP))
    return (lo + hi * w) / (1.0 + w)


def _bp_body(syn_hbm, prior_hbm, gamma_hbm, out_hbm,
             sv, c0, c1, c5, lv, pr, gm, pg):
    wid = lax.axis_index("s") * NC + lax.axis_index("c")
    bpw = sv.shape[1]
    nch = bpw // LANES

    pltpu.sync_copy(syn_hbm.at[wid], sv)
    pltpu.sync_copy(prior_hbm, pr)
    pltpu.sync_copy(gamma_hbm, gm)

    for i in range(M):
        pg[i, :] = (1.0 - gm[i, :]) * pr[i, :]

    @pl.loop(0, nch)
    def _init(c):
        sl = pl.ds(c * LANES, LANES)
        zero = jnp.zeros((LANES,), jnp.float32)
        for i in range(M):
            sv[i, sl] = 1.0 - 2.0 * sv[i, sl]
            lv[i, sl] = pr[i, :]
            c0[i, sl] = zero
            c1[i, sl] = zero
            c5[i, sl] = zero

    @pl.loop(0, NUM_ITERS)
    def _iter(_):
        @pl.loop(0, nch)
        def _chunk(c):
            sl = pl.ds(c * LANES, LANES)

            @pl.loop(0, M)
            def _check(i):
                i1 = jnp.where(i + 1 >= M, i + 1 - M, i + 1)
                i5 = jnp.where(i + 5 >= M, i + 5 - M, i + 5)
                s = sv[i, sl]
                m0 = lv[i, sl] - c0[i, sl]
                m1 = lv[i1, sl] - c1[i, sl]
                m5 = lv[i5, sl] - c5[i, sl]
                t0, t1, t5 = _tanh_alpha(m0), _tanh_alpha(m1), _tanh_alpha(m5)
                a0, a1, a5 = jnp.abs(m0), jnp.abs(m1), jnp.abs(m5)
                c0[i, sl] = s * (t1 * t5) * _smin_pair(a1, a5)
                c1[i, sl] = s * (t0 * t5) * _smin_pair(a0, a5)
                c5[i, sl] = s * (t0 * t1) * _smin_pair(a0, a1)

            @pl.loop(0, M)
            def _var(j):
                j1 = jnp.where(j - 1 < 0, j - 1 + M, j - 1)
                j5 = jnp.where(j - 5 < 0, j - 5 + M, j - 5)
                lv[j, sl] = (c0[j, sl] + c1[j1, sl] + c5[j5, sl]
                             + pg[j, :] + gm[j, :] * lv[j, sl])

    pltpu.sync_copy(lv, out_hbm.at[wid])


def _tc_body(syn_ref, prior_ref, gamma_ref, out_ref):
    p = prior_ref[...]
    g = gamma_ref[...]
    bb = syn_ref.shape[1]
    s = 1.0 - 2.0 * syn_ref[...]
    v0 = jnp.broadcast_to(p, (M, bb))
    v1 = jnp.broadcast_to(jnp.roll(p, -1, axis=0), (M, bb))
    v5 = jnp.broadcast_to(jnp.roll(p, -5, axis=0), (M, bb))
    lv = jnp.broadcast_to(p, (M, bb))
    for _ in range(NUM_ITERS):
        t0, t1, t5 = (jnp.tanh(ALPHA * v0), jnp.tanh(ALPHA * v1),
                      jnp.tanh(ALPHA * v5))
        a0, a1, a5 = jnp.abs(v0), jnp.abs(v1), jnp.abs(v5)
        c0 = s * (t1 * t5) * _smin_pair(a1, a5)
        c1 = s * (t0 * t5) * _smin_pair(a0, a5)
        c5 = s * (t0 * t1) * _smin_pair(a0, a1)
        inc = c0 + jnp.roll(c1, 1, axis=0) + jnp.roll(c5, 5, axis=0)
        lv = inc + (1.0 - g) * p + g * lv
        v0 = lv - c0
        v1 = jnp.roll(lv, -1, axis=0) - c1
        v5 = jnp.roll(lv, -5, axis=0) - c5
    out_ref[...] = lv


def _tc_forward(syn_t, prior_llr, gamma, block, interpret=False):
    batch_tc = syn_t.shape[1]
    assert batch_tc % block == 0, (batch_tc, block)
    return pl.pallas_call(
        _tc_body,
        grid=(batch_tc // block,),
        in_specs=[
            pl.BlockSpec((M, block), lambda i: (0, i)),
            pl.BlockSpec((M, 1), lambda i: (0, 0)),
            pl.BlockSpec((M, 1), lambda i: (0, 0)),
        ],
        out_specs=pl.BlockSpec((M, block), lambda i: (0, i)),
        out_shape=jax.ShapeDtypeStruct((M, batch_tc), jnp.float32),
        compiler_params=pltpu.CompilerParams(
            dimension_semantics=("parallel",)),
        interpret=interpret,
    )(syn_t, prior_llr.reshape(M, 1), gamma.reshape(M, 1))


def _sc_forward(syn_t, prior_llr, gamma):
    batch = syn_t.shape[1]
    assert batch % (NW * LANES) == 0, batch
    bpw = batch // NW

    syn_blocks = syn_t.reshape(M, NW, bpw).transpose(1, 0, 2)
    pr16 = jnp.broadcast_to(prior_llr[:, None], (M, LANES))
    gm16 = jnp.broadcast_to(gamma[:, None], (M, LANES))

    mesh = plsc.VectorSubcoreMesh(core_axis_name="c", subcore_axis_name="s")
    run = pl.kernel(
        _bp_body,
        out_type=jax.ShapeDtypeStruct((NW, M, bpw), jnp.float32),
        mesh=mesh,
        scratch_types=[pltpu.VMEM((M, bpw), jnp.float32)] * 5
                      + [pltpu.VMEM((M, LANES), jnp.float32)] * 3,
    )
    out_blocks = run(syn_blocks, pr16, gm16)
    return out_blocks.transpose(1, 0, 2).reshape(M, batch)


SC_BATCH = 512
TC_BLOCK = 512


def kernel(syndromes, gamma, prior_llr):
    batch = syndromes.shape[0]
    syn_t = syndromes.astype(jnp.float32).T
    sc_b = SC_BATCH if batch > SC_BATCH else batch
    out_sc = _sc_forward(syn_t[:, :sc_b], prior_llr, gamma)
    if sc_b < batch:
        syn_tc = lax.optimization_barrier(syn_t[:, sc_b:])
        out_tc = _tc_forward(syn_tc, prior_llr, gamma, TC_BLOCK)
        out = jnp.concatenate([out_sc, out_tc], axis=1)
    else:
        out = out_sc
    return out.T

# --- scband reference (transcript-rebuilt; emitter-appended) ---
"""Pipeline reference for scband-learned-dmem-bp-69561290326258 (READ-ONLY COPY).

The authoritative reference and input builder live on the scoring server;
editing this copy changes nothing except your own understanding.
"""

import jax, jax.numpy as jnp
import numpy as np

BIG = 100000000.0
EPS = 1e-06
M = 24
N = 24
NUM_ITERS = 10
BATCH = 8192

def _build_pcm():
    pcm = np.zeros((M, N), dtype=np.int64)
    for i in range(M):
        for off in (0, 1, 5):
            pcm[i, (i + off) % N] = 1
    return pcm

PCM = _build_pcm()
CHK_NBRS = tuple(tuple(np.nonzero(PCM[i])[0].tolist()) for i in range(M))
VAR_NBRS = tuple(tuple(np.nonzero(PCM[:, j])[0].tolist()) for j in range(N))
_prior = np.clip(np.full((N,), 0.05, dtype=np.float64), EPS, 1.0 - EPS)
PRIOR_LLR = np.log((1.0 - _prior) / _prior).astype(np.float32)

def smooth_min(x, axis, temp=0.01):
    return jnp.sum(x * jax.nn.softmax(-x / temp, axis=axis), axis=axis)

def smooth_sign(x, alpha=100.0):
    return jnp.tanh(alpha * x)

def _forward(syndromes, gamma, prior_llr):
    batch = syndromes.shape[0]
    syn_sgn = 1.0 - 2.0 * syndromes
    v2c = jnp.zeros((batch, N, M), dtype=jnp.float32)
    for j in range(N):
        v2c = v2c.at[:, j, np.array(VAR_NBRS[j])].set(prior_llr[j])
    llrs = None
    for it in range(NUM_ITERS):
        c2v = jnp.zeros((batch, M, N), dtype=jnp.float32)
        for i in range(M):
            nbrs = np.array(CHK_NBRS[i])
            k = len(nbrs)
            msgs = v2c[:, nbrs, i]
            msgs_abs = jnp.abs(msgs)
            msgs_sgn = smooth_sign(msgs)
            mask = np.eye(k, dtype=bool)[None, :, :]
            sgn_rep = jnp.broadcast_to(msgs_sgn[:, None, :], (batch, k, k))
            sgn_masked = jnp.where(mask, 1.0, sgn_rep)
            sgn_prod_excl = jnp.prod(sgn_masked, axis=2)
            abs_rep = jnp.broadcast_to(msgs_abs[:, None, :], (batch, k, k))
            abs_masked = jnp.where(mask, BIG, abs_rep)
            abs_min_excl = smooth_min(abs_masked, axis=2)
            c2v = c2v.at[:, i, nbrs].set(syn_sgn[:, i][:, None] * sgn_prod_excl * abs_min_excl)
        incoming_sum = jnp.sum(c2v, axis=1)
        if it == 0:
            llrs = incoming_sum + prior_llr[None, :]
        else:
            llrs = incoming_sum + (1.0 - gamma[None, :]) * prior_llr[None, :] + gamma[None, :] * llrs
        if it == NUM_ITERS - 1:
            break
        v2c = jnp.zeros((batch, N, M), dtype=jnp.float32)
        for j in range(N):
            nbrs = np.array(VAR_NBRS[j])
            v2c = v2c.at[:, j, nbrs].set(llrs[:, j][:, None] - c2v[:, nbrs, j])
    return llrs

def setup_inputs(seed: int = 0):
    key = jax.random.key(seed)
    k1, k2 = jax.random.split(key)
    syndromes = jax.random.randint(k1, (BATCH, M), 0, 2).astype(jnp.float32)
    gamma = jnp.zeros((N,), dtype=jnp.float32)
    prior_llr = jnp.asarray(PRIOR_LLR)
    return {"syndromes": syndromes, "gamma": gamma, "prior_llr": prior_llr}

def reference(syndromes, gamma, prior_llr):
    return _forward(syndromes, gamma, prior_llr)

if __name__ == "__main__":
    import jax
    _d = setup_inputs()
    print(jax.jit(kernel)(*tuple(_d.values())))

</pallas_src>

<mosaic_0001>
#map = affine_map<(d0, d1) -> (0, 0, 0)>
#map1 = affine_map<(d0, d1) -> (0, 0)>
module attributes {stable_mosaic.version = 14 : i64} {
  func.func @_bp_body(%arg0: i32, %arg1: i32, %arg2: memref<32x24x16xf32, #tpu.memory_space<hbm>>, %arg3: memref<24x16xf32, #tpu.memory_space<hbm>>, %arg4: memref<24x16xf32, #tpu.memory_space<hbm>>, %arg5: memref<32x24x16xf32, #tpu.memory_space<hbm>>, %arg6: memref<24x16xf32, #tpu.memory_space<vmem>>, %arg7: memref<24x16xf32, #tpu.memory_space<vmem>>, %arg8: memref<24x16xf32, #tpu.memory_space<vmem>>, %arg9: memref<24x16xf32, #tpu.memory_space<vmem>>, %arg10: memref<24x16xf32, #tpu.memory_space<vmem>>, %arg11: memref<24x16xf32, #tpu.memory_space<vmem>>, %arg12: memref<24x16xf32, #tpu.memory_space<vmem>>, %arg13: memref<24x16xf32, #tpu.memory_space<vmem>>) attributes {dimension_semantics = [#tpu.dimension_semantics<core_parallel>, #tpu.dimension_semantics<subcore_parallel>], iteration_bounds = array<i64: 2, 16>, scalar_prefetch = 0 : i64, scratch_operands = 8 : i64, tpu.core_type = #tpu.core_type<sc_vector_subcore>, window_params = [{transform_indices = #map}, {transform_indices = #map1}, {transform_indices = #map1}, {transform_indices = #map}]} {
    %mul3A = arith.constant 2 : i32
    %mul3A_0 = arith.muli %arg1, %mul3A : i32
    %add3A = arith.addi %mul3A_0, %arg0 : i32
    "tpu.region"() ({
      %run_scoped3A = tpu.sem_alloc : memref<!tpu.dma_semaphore, #tpu.memory_space<semaphore_mem>>
      %dma_start3A = arith.constant 0 : i32
      %dma_start3A_1595 = arith.constant 0 : i32
      %dma_start3A_1596 = tpu.memref_slice %arg2[%add3A, %dma_start3A, %dma_start3A_1595] : memref<32x24x16xf32, #tpu.memory_space<hbm>> -> memref<1x24x16xf32, #tpu.memory_space<hbm>>
      %dma_start3A_1597 = tpu.memref_squeeze %dma_start3A_1596 : memref<1x24x16xf32, #tpu.memory_space<hbm>> -> memref<24x16xf32, #tpu.memory_space<hbm>>
      %dma_start3A_1598 = arith.constant 0 : i32
      %dma_start3A_1599 = arith.constant 0 : i32
      %dma_start3A_1600 = tpu.memref_slice %arg2[%add3A, %dma_start3A_1598, %dma_start3A_1599] : memref<32x24x16xf32, #tpu.memory_space<hbm>> -> memref<1x24x16xf32, #tpu.memory_space<hbm>>
      %dma_start3A_1601 = tpu.memref_squeeze %dma_start3A_1600 : memref<1x24x16xf32, #tpu.memory_space<hbm>> -> memref<24x16xf32, #tpu.memory_space<hbm>>
      tpu.enqueue_dma source(%dma_start3A_1601 : memref<24x16xf32, #tpu.memory_space<hbm>>) target(%arg6 : memref<24x16xf32, #tpu.memory_space<vmem>>) target_semaphore(%run_scoped3A : memref<!tpu.dma_semaphore, #tpu.memory_space<semaphore_mem>>)
      %dma_wait3A = arith.constant 0 : i32
      %dma_wait3A_1602 = arith.constant 0 : i32
      %dma_wait3A_1603 = tpu.memref_slice %arg2[%add3A, %dma_wait3A, %dma_wait3A_1602] : memref<32x24x16xf32, #tpu.memory_space<hbm>> -> memref<1x24x16xf32, #tpu.memory_space<hbm>>
      %dma_wait3A_1604 = tpu.memref_squeeze %dma_wait3A_1603 : memref<1x24x16xf32, #tpu.memory_space<hbm>> -> memref<24x16xf32, #tpu.memory_space<hbm>>
      %dma_wait3A_1605 = arith.constant 0 : i32
      %dma_wait3A_1606 = arith.constant 0 : i32
      %dma_wait3A_1607 = tpu.memref_slice %arg2[%add3A, %dma_wait3A_1605, %dma_wait3A_1606] : memref<32x24x16xf32, #tpu.memory_space<hbm>> -> memref<1x24x16xf32, #tpu.memory_space<hbm>>
      %dma_wait3A_1608 = tpu.memref_squeeze %dma_wait3A_1607 : memref<1x24x16xf32, #tpu.memory_space<hbm>> -> memref<24x16xf32, #tpu.memory_space<hbm>>
      tpu.wait_dma2 semaphore(%run_scoped3A : memref<!tpu.dma_semaphore, #tpu.memory_space<semaphore_mem>>) src(%dma_wait3A_1608 : memref<24x16xf32, #tpu.memory_space<hbm>>) dst(%arg6 : memref<24x16xf32, #tpu.memory_space<vmem>>)
      tpu.yield
    }) : () -> ()
    "tpu.region"() ({
      %run_scoped3A = tpu.sem_alloc : memref<!tpu.dma_semaphore, #tpu.memory_space<semaphore_mem>>
      tpu.enqueue_dma source(%arg3 : memref<24x16xf32, #tpu.memory_space<hbm>>) target(%arg11 : memref<24x16xf32, #tpu.memory_space<vmem>>) target_semaphore(%run_scoped3A : memref<!tpu.dma_semaphore, #tpu.memory_space<semaphore_mem>>)
      tpu.wait_dma2 semaphore(%run_scoped3A : memref<!tpu.dma_semaphore, #tpu.memory_space<semaphore_mem>>) src(%arg3 : memref<24x16xf32, #tpu.memory_space<hbm>>) dst(%arg11 : memref<24x16xf32, #tpu.memory_space<vmem>>)
      tpu.yield
    }) : () -> ()
    "tpu.region"() ({
      %run_scoped3A = tpu.sem_alloc : memref<!tpu.dma_semaphore, #tpu.memory_space<semaphore_mem>>
      tpu.enqueue_dma source(%arg4 : memref<24x16xf32, #tpu.memory_space<hbm>>) target(%arg12 : memref<24x16xf32, #tpu.memory_space<vmem>>) target_semaphore(%run_scoped3A : memref<!tpu.dma_semaphore, #tpu.memory_space<semaphore_mem>>)
      tpu.wait_dma2 semaphore(%run_scoped3A : memref<!tpu.dma_semaphore, #tpu.memory_space<semaphore_mem>>) src(%arg4 : memref<24x16xf32, #tpu.memory_space<hbm>>) dst(%arg12 : memref<24x16xf32, #tpu.memory_space<vmem>>)
      tpu.yield
    }) : () -> ()
    %get3A = arith.constant 0 : i32
    %get3A_1 = arith.index_cast %get3A : i32 to index
    %get3A_2 = arith.constant 0 : index
    %get3A_3 = tpu.vector_load %arg12[%get3A_1, %get3A_2] {strides = array<i32>} : memref<24x16xf32, #tpu.memory_space<vmem>>, vector<1x16xf32>,
    %get3A_4 = vector.shape_cast %get3A_3 : vector<1x16xf32> to vector<16xf32>
    %sub3A = arith.constant 1.000000e+00 : f32
    %sub3A_5 = vector.broadcast %sub3A : f32 to vector<16xf32>
    %sub3A_6 = arith.subf %sub3A_5, %get3A_4 : vector<16xf32>
    %get3A_7 = arith.constant 0 : i32
    %get3A_8 = arith.index_cast %get3A_7 : i32 to index
    %get3A_9 = arith.constant 0 : index
    %get3A_10 = tpu.vector_load %arg11[%get3A_8, %get3A_9] {strides = array<i32>} : memref<24x16xf32, #tpu.memory_space<vmem>>, vector<1x16xf32>,
    %get3A_11 = vector.shape_cast %get3A_10 : vector<1x16xf32> to vector<16xf32>
    %mul3A_12 = arith.mulf %sub3A_6, %get3A_11 : vector<16xf32>
    %swap3A = arith.constant 0 : i32
    %swap3A_13 = arith.index_cast %swap3A : i32 to index
    %swap3A_14 = arith.constant 0 : index
    %swap3A_15 = tpu.vector_load %arg13[%swap3A_13, %swap3A_14] {strides = array<i32>} : memref<24x16xf32, #tpu.memory_space<vmem>>, vector<1x16xf32>,
    %swap3A_16 = vector.shape_cast %swap3A_15 : vector<1x16xf32> to vector<16xf32>
    %swap3A_17 = vector.shape_cast %mul3A_12 : vector<16xf32> to vector<1x16xf32>
    tpu.vector_store %arg13[%swap3A_13, %swap3A_14], %swap3A_17 {strides = array<i32>} : memref<24x16xf32, #tpu.memory_space<vmem>>, vector<1x16xf32>,
    %get3A_18 = arith.constant 1 : i32
    %get3A_19 = arith.index_cast %get3A_18 : i32 to index
    %get3A_20 = arith.constant 0 : index
    %get3A_21 = tpu.vector_load %arg12[%get3A_19, %get3A_20] {strides = array<i32>} : memref<24x16xf32, #tpu.memory_space<vmem>>, vector<1x16xf32>,
    %get3A_22 = vector.shape_cast %get3A_21 : vector<1x16xf32> to vector<16xf32>
    %sub3A_23 = arith.constant 1.000000e+00 : f32
    %sub3A_24 = vector.broadcast %sub3A_23 : f32 to vector<16xf32>
    %sub3A_25 = arith.subf %sub3A_24, %get3A_22 : vector<16xf32>
    %get3A_26 = arith.constant 1 : i32
    %get3A_27 = arith.index_cast %get3A_26 : i32 to index
    %get3A_28 = arith.constant 0 : index
    %get3A_29 = tpu.vector_load %arg11[%get3A_27, %get3A_28] {strides = array<i32>} : memref<24x16xf32, #tpu.memory_space<vmem>>, vector<1x16xf32>,
    %get3A_30 = vector.shape_cast %get3A_29 : vector<1x16xf32> to vector<16xf32>
    %mul3A_31 = arith.mulf %sub3A_25, %get3A_30 : vector<16xf32>
    %swap3A_32 = arith.constant 1 : i32
    %swap3A_33 = arith.index_cast %swap3A_32 : i32 to index
    %swap3A_34 = arith.constant 0 : index
    %swap3A_35 = tpu.vector_load %arg13[%swap3A_33, %swap3A_34] {strides = array<i32>} : memref<24x16xf32, #tpu.memory_space<vmem>>, vector<1x16xf32>,
    %swap3A_36 = vector.shape_cast %swap3A_35 : vector<1x16xf32> to vector<16xf32>
    %swap3A_37 = vector.shape_cast %mul3A_31 : vector<16xf32> to vector<1x16xf32>
    tpu.vector_store %arg13[%swap3A_33, %swap3A_34], %swap3A_37 {strides = array<i32>} : memref<24x16xf32, #tpu.memory_space<vmem>>, vector<1x16xf32>,
    %get3A_38 = arith.constant 2 : i32
    %get3A_39 = arith.index_cast %get3A_38 : i32 to index
    %get3A_40 = arith.constant 0 : index
    %get3A_41 = tpu.vector_load %arg12[%get3A_39, %get3A_40] {strides = array<i32>} : memref<24x16xf32, #tpu.memory_space<vmem>>, vector<1x16xf32>,
    %get3A_42 = vector.shape_cast %get3A_41 : vector<1x16xf32> to vector<16xf32>
    %sub3A_43 = arith.constant 1.000000e+00 : f32
    %sub3A_44 = vector.broadcast %sub3A_43 : f32 to vector<16xf32>
    %sub3A_45 = arith.subf %sub3A_44, %get3A_42 : vector<16xf32>
    %get3A_46 = arith.constant 2 : i32
    %get3A_47 = arith.index_cast %get3A_46 : i32 to index
    %get3A_48 = arith.constant 0 : index
    %get3A_49 = tpu.vector_load %arg11[%get3A_47, %get3A_48] {strides = array<i32>} : memref<24x16xf32, #tpu.memory_space<vmem>>, vector<1x16xf32>,
    %get3A_50 = vector.shape_cast %get3A_49 : vector<1x16xf32> to vector<16xf32>
    %mul3A_51 = arith.mulf %sub3A_45, %get3A_50 : vector<16xf32>
    %swap3A_52 = arith.constant 2 : i32
    %swap3A_53 = arith.index_cast %swap3A_52 : i32 to index
    %swap3A_54 = arith.constant 0 : index
    %swap3A_55 = tpu.vector_load %arg13[%swap3A_53, %swap3A_54] {strides = array<i32>} : memref<24x16xf32, #tpu.memory_space<vmem>>, vector<1x16xf32>,
    %swap3A_56 = vector.shape_cast %swap3A_55 : vector<1x16xf32> to vector<16xf32>
    %swap3A_57 = vector.shape_cast %mul3A_51 : vector<16xf32> to vector<1x16xf32>
    tpu.vector_store %arg13[%swap3A_53, %swap3A_54], %swap3A_57 {strides = array<i32>} : memref<24x16xf32, #tpu.memory_space<vmem>>, vector<1x16xf32>,
    %get3A_58 = arith.constant 3 : i32
    %get3A_59 = arith.index_cast %get3A_58 : i32 to index
    %get3A_60 = arith.constant 0 : index
    %get3A_61 = tpu.vector_load %arg12[%get3A_59, %get3A_60] {strides = array<i32>} : memref<24x16xf32, #tpu.memory_space<vmem>>, vector<1x16xf32>,
    %get3A_62 = vector.shape_cast %get3A_61 : vector<1x16xf32> to vector<16xf32>
    %sub3A_63 = arith.constant 1.000000e+00 : f32
    %sub3A_64 = vector.broadcast %sub3A_63 : f32 to vector<16xf32>
    %sub3A_65 = arith.subf %sub3A_64, %get3A_62 : vector<16xf32>
    %get3A_66 = arith.constant 3 : i32
    %get3A_67 = arith.index_cast %get3A_66 : i32 to index
    %get3A_68 = arith.constant 0 : index
    %get3A_69 = tpu.vector_load %arg11[%get3A_67, %get3A_68] {strides = array<i32>} : memref<24x16xf32, #tpu.memory_space<vmem>>, vector<1x16xf32>,
    %get3A_70 = vector.shape_cast %get3A_69 : vector<1x16xf32> to vector<16xf32>
    %mul3A_71 = arith.mulf %sub3A_65, %get3A_70 : vector<16xf32>
    %swap3A_72 = arith.constant 3 : i32
    %swap3A_73 = arith.index_cast %swap3A_72 : i32 to index
    %swap3A_74 = arith.constant 0 : index
    %swap3A_75 = tpu.vector_load %arg13[%swap3A_73, %swap3A_74] {strides = array<i32>} : memref<24x16xf32, #tpu.memory_space<vmem>>, vector<1x16xf32>,
    %swap3A_76 = vector.shape_cast %swap3A_75 : vector<1x16xf32> to vector<16xf32>
    %swap3A_77 = vector.shape_cast %mul3A_71 : vector<16xf32> to vector<1x16xf32>
    tpu.vector_store %arg13[%swap3A_73, %swap3A_74], %swap3A_77 {strides = array<i32>} : memref<24x16xf32, #tpu.memory_space<vmem>>, vector<1x16xf32>,
    %get3A_78 = arith.constant 4 : i32
    %get3A_79 = arith.index_cast %get3A_78 : i32 to index
    %get3A_80 = arith.constant 0 : index
    %get3A_81 = tpu.vector_load %arg12[%get3A_79, %get3A_80] {strides = array<i32>} : memref<24x16xf32, #tpu.memory_space<vmem>>, vector<1x16xf32>,
    %get3A_82 = vector.shape_cast %get3A_81 : vector<1x16xf32> to vector<16xf32>
    %sub3A_83 = arith.constant 1.000000e+00 : f32
    %sub3A_84 = vector.broadcast %sub3A_83 : f32 to vector<16xf32>
    %sub3A_85 = arith.subf %sub3A_84, %get3A_82 : vector<16xf32>
    %get3A_86 = arith.constant 4 : i32
    %get3A_87 = arith.index_cast %get3A_86 : i32 to index
    %get3A_88 = arith.constant 0 : index
    %get3A_89 = tpu.vector_load %arg11[%get3A_87, %get3A_88] {strides = array<i32>} : memref<24x16xf32, #tpu.memory_space<vmem>>, vector<1x16xf32>,
    %get3A_90 = vector.shape_cast %get3A_89 : vector<1x16xf32> to vector<16xf32>
    %mul3A_91 = arith.mulf %sub3A_85, %get3A_90 : vector<16xf32>
    %swap3A_92 = arith.constant 4 : i32
    %swap3A_93 = arith.index_cast %swap3A_92 : i32 to index
    %swap3A_94 = arith.constant 0 : index
    %swap3A_95 = tpu.vector_load %arg13[%swap3A_93, %swap3A_94] {strides = array<i32>} : memref<24x16xf32, #tpu.memory_space<vmem>>, vector<1x16xf32>,
    %swap3A_96 = vector.shape_cast %swap3A_95 : vector<1x16xf32> to vector<16xf32>
    %swap3A_97 = vector.shape_cast %mul3A_91 : vector<16xf32> to vector<1x16xf32>
    tpu.vector_store %arg13[%swap3A_93, %swap3A_94], %swap3A_97 {strides = array<i32>} : memref<24x16xf32, #tpu.memory_space<vmem>>, vector<1x16xf32>,
    %get3A_98 = arith.constant 5 : i32
    %get3A_99 = arith.index_cast %get3A_98 : i32 to index
    %get3A_100 = arith.constant 0 : index
    %get3A_101 = tpu.vector_load %arg12[%get3A_99, %get3A_100] {strides = array<i32>} : memref<24x16xf32, #tpu.memory_space<vmem>>, vector<1x16xf32>,
    %get3A_102 = vector.shape_cast %get3A_101 : vector<1x16xf32> to vector<16xf32>
    %sub3A_103 = arith.constant 1.000000e+00 : f32
    %sub3A_104 = vector.broadcast %sub3A_103 : f32 to vector<16xf32>
    %sub3A_105 = arith.subf %sub3A_104, %get3A_102 : vector<16xf32>
    %get3A_106 = arith.constant 5 : i32
    %get3A_107 = arith.index_cast %get3A_106 : i32 to index
    %get3A_108 = arith.constant 0 : index
    %get3A_109 = tpu.vector_load %arg11[%get3A_107, %get3A_108] {strides = array<i32>} : memref<24x16xf32, #tpu.memory_space<vmem>>, vector<1x16xf32>,
    %get3A_110 = vector.shape_cast %get3A_109 : vector<1x16xf32> to vector<16xf32>
    %mul3A_111 = arith.mulf %sub3A_105, %get3A_110 : vector<16xf32>
    %swap3A_112 = arith.constant 5 : i32
    %swap3A_113 = arith.index_cast %swap3A_112 : i32 to index
    %swap3A_114 = arith.constant 0 : index
    %swap3A_115 = tpu.vector_load %arg13[%swap3A_113, %swap3A_114] {strides = array<i32>} : memref<24x16xf32, #tpu.memory_space<vmem>>, vector<1x16xf32>,
    %swap3A_116 = vector.shape_cast %swap3A_115 : vector<1x16xf32> to vector<16xf32>
    %swap3A_117 = vector.shape_cast %mul3A_111 : vector<16xf32> to vector<1x16xf32>
    tpu.vector_store %arg13[%swap3A_113, %swap3A_114], %swap3A_117 {strides = array<i32>} : memref<24x16xf32, #tpu.memory_space<vmem>>, vector<1x16xf32>,
    %get3A_118 = arith.constant 6 : i32
    %get3A_119 = arith.index_cast %get3A_118 : i32 to index
    %get3A_120 = arith.constant 0 : index
    %get3A_121 = tpu.vector_load %arg12[%get3A_119, %get3A_120] {strides = array<i32>} : memref<24x16xf32, #tpu.memory_space<vmem>>, vector<1x16xf32>,
    %get3A_122 = vector.shape_cast %get3A_121 : vector<1x16xf32> to vector<16xf32>
    %sub3A_123 = arith.constant 1.000000e+00 : f32
    %sub3A_124 = vector.broadcast %sub3A_123 : f32 to vector<16xf32>
    %sub3A_125 = arith.subf %sub3A_124, %get3A_122 : vector<16xf32>
    %get3A_126 = arith.constant 6 : i32
    %get3A_127 = arith.index_cast %get3A_126 : i32 to index
    %get3A_128 = arith.constant 0 : index
    %get3A_129 = tpu.vector_load %arg11[%get3A_127, %get3A_128] {strides = array<i32>} : memref<24x16xf32, #tpu.memory_space<vmem>>, vector<1x16xf32>,
    %get3A_130 = vector.shape_cast %get3A_129 : vector<1x16xf32> to vector<16xf32>
    %mul3A_131 = arith.mulf %sub3A_125, %get3A_130 : vector<16xf32>
    %swap3A_132 = arith.constant 6 : i32
    %swap3A_133 = arith.index_cast %swap3A_132 : i32 to index
    %swap3A_134 = arith.constant 0 : index
    %swap3A_135 = tpu.vector_load %arg13[%swap3A_133, %swap3A_134] {strides = array<i32>} : memref<24x16xf32, #tpu.memory_space<vmem>>, vector<1x16xf32>,
    %swap3A_136 = vector.shape_cast %swap3A_135 : vector<1x16xf32> to vector<16xf32>
    %swap3A_137 = vector.shape_cast %mul3A_131 : vector<16xf32> to vector<1x16xf32>
    tpu.vector_store %arg13[%swap3A_133, %swap3A_134], %swap3A_137 {strides = array<i32>} : memref<24x16xf32, #tpu.memory_space<vmem>>, vector<1x16xf32>,
    %get3A_138 = arith.constant 7 : i32
    %get3A_139 = arith.index_cast %get3A_138 : i32 to index
    %get3A_140 = arith.constant 0 : index
    %get3A_141 = tpu.vector_load %arg12[%get3A_139, %get3A_140] {strides = array<i32>} : memref<24x16xf32, #tpu.memory_space<vmem>>, vector<1x16xf32>,
    %get3A_142 = vector.shape_cast %get3A_141 : vector<1x16xf32> to vector<16xf32>
    %sub3A_143 = arith.constant 1.000000e+00 : f32
    %sub3A_144 = vector.broadcast %sub3A_143 : f32 to vector<16xf32>
    %sub3A_145 = arith.subf %sub3A_144, %get3A_142 : vector<16xf32>
    %get3A_146 = arith.constant 7 : i32
    %get3A_147 = arith.index_cast %get3A_146 : i32 to index
    %get3A_148 = arith.constant 0 : index
    %get3A_149 = tpu.vector_load %arg11[%get3A_147, %get3A_148] {strides = array<i32>} : memref<24x16xf32, #tpu.memory_space<vmem>>, vector<1x16xf32>,
    %get3A_150 = vector.shape_cast %get3A_149 : vector<1x16xf32> to vector<16xf32>
    %mul3A_151 = arith.mulf %sub3A_145, %get3A_150 : vector<16xf32>
    %swap3A_152 = arith.constant 7 : i32
    %swap3A_153 = arith.index_cast %swap3A_152 : i32 to index
    %swap3A_154 = arith.constant 0 : index
    %swap3A_155 = tpu.vector_load %arg13[%swap3A_153, %swap3A_154] {strides = array<i32>} : memref<24x16xf32, #tpu.memory_space<vmem>>, vector<1x16xf32>,
    %swap3A_156 = vector.shape_cast %swap3A_155 : vector<1x16xf32> to vector<16xf32>
    %swap3A_157 = vector.shape_cast %mul3A_151 : vector<16xf32> to vector<1x16xf32>
    tpu.vector_store %arg13[%swap3A_153, %swap3A_154], %swap3A_157 {strides = array<i32>} : memref<24x16xf32, #tpu.memory_space<vmem>>, vector<1x16xf32>,
    %get3A_158 = arith.constant 8 : i32
    %get3A_159 = arith.index_cast %get3A_158 : i32 to index
    %get3A_160 = arith.constant 0 : index
    %get3A_161 = tpu.vector_load %arg12[%get3A_159, %get3A_160] {strides = array<i32>} : memref<24x16xf32, #tpu.memory_space<vmem>>, vector<1x16xf32>,
    %get3A_162 = vector.shape_cast %get3A_161 : vector<1x16xf32> to vector<16xf32>
    %sub3A_163 = arith.constant 1.000000e+00 : f32
    %sub3A_164 = vector.broadcast %sub3A_163 : f32 to vector<16xf32>
    %sub3A_165 = arith.subf %sub3A_164, %get3A_162 : vector<16xf32>
    %get3A_166 = arith.constant 8 : i32
    %get3A_167 = arith.index_cast %get3A_166 : i32 to index
    %get3A_168 = arith.constant 0 : index
    %get3A_169 = tpu.vector_load %arg11[%get3A_167, %get3A_168] {strides = array<i32>} : memref<24x16xf32, #tpu.memory_space<vmem>>, vector<1x16xf32>,
    %get3A_170 = vector.shape_cast %get3A_169 : vector<1x16xf32> to vector<16xf32>
    %mul3A_171 = arith.mulf %sub3A_165, %get3A_170 : vector<16xf32>
    %swap3A_172 = arith.constant 8 : i32
    %swap3A_173 = arith.index_cast %swap3A_172 : i32 to index
    %swap3A_174 = arith.constant 0 : index
    %swap3A_175 = tpu.vector_load %arg13[%swap3A_173, %swap3A_174] {strides = array<i32>} : memref<24x16xf32, #tpu.memory_space<vmem>>, vector<1x16xf32>,
    %swap3A_176 = vector.shape_cast %swap3A_175 : vector<1x16xf32> to vector<16xf32>
    %swap3A_177 = vector.shape_cast %mul3A_171 : vector<16xf32> to vector<1x16xf32>
    tpu.vector_store %arg13[%swap3A_173, %swap3A_174], %swap3A_177 {strides = array<i32>} : memref<24x16xf32, #tpu.memory_space<vmem>>, vector<1x16xf32>,
    %get3A_178 = arith.constant 9 : i32
    %get3A_179 = arith.index_cast %get3A_178 : i32 to index
    %get3A_180 = arith.constant 0 : index
    %get3A_181 = tpu.vector_load %arg12[%get3A_179, %get3A_180] {strides = array<i32>} : memref<24x16xf32, #tpu.memory_space<vmem>>, vector<1x16xf32>,
    %get3A_182 = vector.shape_cast %get3A_181 : vector<1x16xf32> to vector<16xf32>
    %sub3A_183 = arith.constant 1.000000e+00 : f32
    %sub3A_184 = vector.broadcast %sub3A_183 : f32 to vector<16xf32>
    %sub3A_185 = arith.subf %sub3A_184, %get3A_182 : vector<16xf32>
    %get3A_186 = arith.constant 9 : i32
    %get3A_187 = arith.index_cast %get3A_186 : i32 to index
    %get3A_188 = arith.constant 0 : index
    %get3A_189 = tpu.vector_load %arg11[%get3A_187, %get3A_188] {strides = array<i32>} : memref<24x16xf32, #tpu.memory_space<vmem>>, vector<1x16xf32>,
    %get3A_190 = vector.shape_cast %get3A_189 : vector<1x16xf32> to vector<16xf32>
    %mul3A_191 = arith.mulf %sub3A_185, %get3A_190 : vector<16xf32>
    %swap3A_192 = arith.constant 9 : i32
    %swap3A_193 = arith.index_cast %swap3A_192 : i32 to index
    %swap3A_194 = arith.constant 0 : index
    %swap3A_195 = tpu.vector_load %arg13[%swap3A_193, %swap3A_194] {strides = array<i32>} : memref<24x16xf32, #tpu.memory_space<vmem>>, vector<1x16xf32>,
    %swap3A_196 = vector.shape_cast %swap3A_195 : vector<1x16xf32> to vector<16xf32>
    %swap3A_197 = vector.shape_cast %mul3A_191 : vector<16xf32> to vector<1x16xf32>
    tpu.vector_store %arg13[%swap3A_193, %swap3A_194], %swap3A_197 {strides = array<i32>} : memref<24x16xf32, #tpu.memory_space<vmem>>, vector<1x16xf32>,
    %get3A_198 = arith.constant 10 : i32
    %get3A_199 = arith.index_cast %get3A_198 : i32 to index
    %get3A_200 = arith.constant 0 : index
    %get3A_201 = tpu.vector_load %arg12[%get3A_199, %get3A_200] {strides = array<i32>} : memref<24x16xf32, #tpu.memory_space<vmem>>, vector<1x16xf32>,
    %get3A_202 = vector.shape_cast %get3A_201 : vector<1x16xf32> to vector<16xf32>
    %sub3A_203 = arith.constant 1.000000e+00 : f32
    %sub3A_204 = vector.broadcast %sub3A_203 : f32 to vector<16xf32>
    %sub3A_205 = arith.subf %sub3A_204, %get3A_202 : vector<16xf32>
    %get3A_206 = arith.constant 10 : i32
    %get3A_207 = arith.index_cast %get3A_206 : i32 to index
    %get3A_208 = arith.constant 0 : index
    %get3A_209 = tpu.vector_load %arg11[%get3A_207, %get3A_208] {strides = array<i32>} : memref<24x16xf32, #tpu.memory_space<vmem>>, vector<1x16xf32>,
    %get3A_210 = vector.shape_cast %get3A_209 : vector<1x16xf32> to vector<16xf32>
    %mul3A_211 = arith.mulf %sub3A_205, %get3A_210 : vector<16xf32>
    %swap3A_212 = arith.constant 10 : i32
    %swap3A_213 = arith.index_cast %swap3A_212 : i32 to index
    %swap3A_214 = arith.constant 0 : index
    %swap3A_215 = tpu.vector_load %arg13[%swap3A_213, %swap3A_214] {strides = array<i32>} : memref<24x16xf32, #tpu.memory_space<vmem>>, vector<1x16xf32>,
    %swap3A_216 = vector.shape_cast %swap3A_215 : vector<1x16xf32> to vector<16xf32>
    %swap3A_217 = vector.shape_cast %mul3A_211 : vector<16xf32> to vector<1x16xf32>
    tpu.vector_store %arg13[%swap3A_213, %swap3A_214], %swap3A_217 {strides = array<i32>} : memref<24x16xf32, #tpu.memory_space<vmem>>, vector<1x16xf32>,
    %get3A_218 = arith.constant 11 : i32
    %get3A_219 = arith.index_cast %get3A_218 : i32 to index
    %get3A_220 = arith.constant 0 : index
    %get3A_221 = tpu.vector_load %arg12[%get3A_219, %get3A_220] {strides = array<i32>} : memref<24x16xf32, #tpu.memory_space<vmem>>, vector<1x16xf32>,
    %get3A_222 = vector.shape_cast %get3A_221 : vector<1x16xf32> to vector<16xf32>
    %sub3A_223 = arith.constant 1.000000e+00 : f32
    %sub3A_224 = vector.broadcast %sub3A_223 : f32 to vector<16xf32>
    %sub3A_225 = arith.subf %sub3A_224, %get3A_222 : vector<16xf32>
    %get3A_226 = arith.constant 11 : i32
    %get3A_227 = arith.index_cast %get3A_226 : i32 to index
    %get3A_228 = arith.constant 0 : index
    %get3A_229 = tpu.vector_load %arg11[%get3A_227, %get3A_228] {strides = array<i32>} : memref<24x16xf32, #tpu.memory_space<vmem>>, vector<1x16xf32>,
    %get3A_230 = vector.shape_cast %get3A_229 : vector<1x16xf32> to vector<16xf32>
    %mul3A_231 = arith.mulf %sub3A_225, %get3A_230 : vector<16xf32>
    %swap3A_232 = arith.constant 11 : i32
    %swap3A_233 = arith.index_cast %swap3A_232 : i32 to index
    %swap3A_234 = arith.constant 0 : index
    %swap3A_235 = tpu.vector_load %arg13[%swap3A_233, %swap3A_234] {strides = array<i32>} : memref<24x16xf32, #tpu.memory_space<vmem>>, vector<1x16xf32>,
    %swap3A_236 = vector.shape_cast %swap3A_235 : vector<1x16xf32> to vector<16xf32>
    %swap3A_237 = vector.shape_cast %mul3A_231 : vector<16xf32> to vector<1x16xf32>
    tpu.vector_store %arg13[%swap3A_233, %swap3A_234], %swap3A_237 {strides = array<i32>} : memref<24x16xf32, #tpu.memory_space<vmem>>, vector<1x16xf32>,
    %get3A_238 = arith.constant 12 : i32
    %get3A_239 = arith.index_cast %get3A_238 : i32 to index
    %get3A_240 = arith.constant 0 : index
    %get3A_241 = tpu.vector_load %arg12[%get3A_239, %get3A_240] {strides = array<i32>} : memref<24x16xf32, #tpu.memory_space<vmem>>, vector<1x16xf32>,
    %get3A_242 = vector.shape_cast %get3A_241 : vector<1x16xf32> to vector<16xf32>
    %sub3A_243 = arith.constant 1.000000e+00 : f32
    %sub3A_244 = vector.broadcast %sub3A_243 : f32 to vector<16xf32>
    %sub3A_245 = arith.subf %sub3A_244, %get3A_242 : vector<16xf32>
    %get3A_246 = arith.constant 12 : i32
    %get3A_247 = arith.index_cast %get3A_246 : i32 to index
    %get3A_248 = arith.constant 0 : index
    %get3A_249 = tpu.vector_load %arg11[%get3A_247, %get3A_248] {strides = array<i32>} : memref<24x16xf32, #tpu.memory_space<vmem>>, vector<1x16xf32>,
    %get3A_250 = vector.shape_cast %get3A_249 : vector<1x16xf32> to vector<16xf32>
    %mul3A_251 = arith.mulf %sub3A_245, %get3A_250 : vector<16xf32>
    %swap3A_252 = arith.constant 12 : i32
    %swap3A_253 = arith.index_cast %swap3A_252 : i32 to index
    %swap3A_254 = arith.constant 0 : index
    %swap3A_255 = tpu.vector_load %arg13[%swap3A_253, %swap3A_254] {strides = array<i32>} : memref<24x16xf32, #tpu.memory_space<vmem>>, vector<1x16xf32>,
    %swap3A_256 = vector.shape_cast %swap3A_255 : vector<1x16xf32> to vector<16xf32>
    %swap3A_257 = vector.shape_cast %mul3A_251 : vector<16xf32> to vector<1x16xf32>
    tpu.vector_store %arg13[%swap3A_253, %swap3A_254], %swap3A_257 {strides = array<i32>} : memref<24x16xf32, #tpu.memory_space<vmem>>, vector<1x16xf32>,
    %get3A_258 = arith.constant 13 : i32
    %get3A_259 = arith.index_cast %get3A_258 : i32 to index
    %get3A_260 = arith.constant 0 : index
    %get3A_261 = tpu.vector_load %arg12[%get3A_259, %get3A_260] {strides = array<i32>} : memref<24x16xf32, #tpu.memory_space<vmem>>, vector<1x16xf32>,
    %get3A_262 = vector.shape_cast %get3A_261 : vector<1x16xf32> to vector<16xf32>
    %sub3A_263 = arith.constant 1.000000e+00 : f32
    %sub3A_264 = vector.broadcast %sub3A_263 : f32 to vector<16xf32>
    %sub3A_265 = arith.subf %sub3A_264, %get3A_262 : vector<16xf32>
    %get3A_266 = arith.constant 13 : i32
    %get3A_267 = arith.index_cast %get3A_266 : i32 to index
    %get3A_268 = arith.constant 0 : index
    %get3A_269 = tpu.vector_load %arg11[%get3A_267, %get3A_268] {strides = array<i32>} : memref<24x16xf32, #tpu.memory_space<vmem>>, vector<1x16xf32>,
    %get3A_270 = vector.shape_cast %get3A_269 : vector<1x16xf32> to vector<16xf32>
    %mul3A_271 = arith.mulf %sub3A_265, %get3A_270 : vector<16xf32>
    %swap3A_272 = arith.constant 13 : i32
    %swap3A_273 = arith.index_cast %swap3A_272 : i32 to index
    %swap3A_274 = arith.constant 0 : index
    %swap3A_275 = tpu.vector_load %arg13[%swap3A_273, %swap3A_274] {strides = array<i32>} : memref<24x16xf32, #tpu.memory_space<vmem>>, vector<1x16xf32>,
    %swap3A_276 = vector.shape_cast %swap3A_275 : vector<1x16xf32> to vector<16xf32>
    %swap3A_277 = vector.shape_cast %mul3A_271 : vector<16xf32> to vector<1x16xf32>
    tpu.vector_store %arg13[%swap3A_273, %swap3A_274], %swap3A_277 {strides = array<i32>} : memref<24x16xf32, #tpu.memory_space<vmem>>, vector<1x16xf32>,
    %get3A_278 = arith.constant 14 : i32
    %get3A_279 = arith.index_cast %get3A_278 : i32 to index
    %get3A_280 = arith.constant 0 : index
    %get3A_281 = tpu.vector_load %arg12[%get3A_279, %get3A_280] {strides = array<i32>} : memref<24x16xf32, #tpu.memory_space<vmem>>, vector<1x16xf32>,
    %get3A_282 = vector.shape_cast %get3A_281 : vector<1x16xf32> to vector<16xf32>
    %sub3A_283 = arith.constant 1.000000e+00 : f32
    %sub3A_284 = vector.broadcast %sub3A_283 : f32 to vector<16xf32>
    %sub3A_285 = arith.subf %sub3A_284, %get3A_282 : vector<16xf32>
    %get3A_286 = arith.constant 14 : i32
    %get3A_287 = arith.index_cast %get3A_286 : i32 to index
    %get3A_288 = arith.constant 0 : index
    %get3A_289 = tpu.vector_load %arg11[%get3A_287, %get3A_288] {strides = array<i32>} : memref<24x16xf32, #tpu.memory_space<vmem>>, vector<1x16xf32>,
    %get3A_290 = vector.shape_cast %get3A_289 : vector<1x16xf32> to vector<16xf32>
    %mul3A_291 = arith.mulf %sub3A_285, %get3A_290 : vector<16xf32>
    %swap3A_292 = arith.constant 14 : i32
    %swap3A_293 = arith.index_cast %swap3A_292 : i32 to index
    %swap3A_294 = arith.constant 0 : index
    %swap3A_295 = tpu.vector_load %arg13[%swap3A_293, %swap3A_294] {strides = array<i32>} : memref<24x16xf32, #tpu.memory_space<vmem>>, vector<1x16xf32>,
    %swap3A_296 = vector.shape_cast %swap3A_295 : vector<1x16xf32> to vector<16xf32>
    %swap3A_297 = vector.shape_cast %mul3A_291 : vector<16xf32> to vector<1x16xf32>
    tpu.vector_store %arg13[%swap3A_293, %swap3A_294], %swap3A_297 {strides = array<i32>} : memref<24x16xf32, #tpu.memory_space<vmem>>, vector<1x16xf32>,
    %get3A_298 = arith.constant 15 : i32
    %get3A_299 = arith.index_cast %get3A_298 : i32 to index
    %get3A_300 = arith.constant 0 : index
    %get3A_301 = tpu.vector_load %arg12[%get3A_299, %get3A_300] {strides = array<i32>} : memref<24x16xf32, #tpu.memory_space<vmem>>, vector<1x16xf32>,
    %get3A_302 = vector.shape_cast %get3A_301 : vector<1x16xf32> to vector<16xf32>
    %sub3A_303 = arith.constant 1.000000e+00 : f32
    %sub3A_304 = vector.broadcast %sub3A_303 : f32 to vector<16xf32>
    %sub3A_305 = arith.subf %sub3A_304, %get3A_302 : vector<16xf32>
    %get3A_306 = arith.constant 15 : i32
    %get3A_307 = arith.index_cast %get3A_306 : i32 to index
    %get3A_308 = arith.constant 0 : index
    %get3A_309 = tpu.vector_load %arg11[%get3A_307, %get3A_308] {strides = array<i32>} : memref<24x16xf32, #tpu.memory_space<vmem>>, vector<1x16xf32>,
    %get3A_310 = vector.shape_cast %get3A_309 : vector<1x16xf32> to vector<16xf32>
    %mul3A_311 = arith.mulf %sub3A_305, %get3A_310 : vector<16xf32>
    %swap3A_312 = arith.constant 15 : i32
    %swap3A_313 = arith.index_cast %swap3A_312 : i32 to index
    %swap3A_314 = arith.constant 0 : index
    %swap3A_315 = tpu.vector_load %arg13[%swap3A_313, %swap3A_314] {strides = array<i32>} : memref<24x16xf32, #tpu.memory_space<vmem>>, vector<1x16xf32>,
    %swap3A_316 = vector.shape_cast %swap3A_315 : vector<1x16xf32> to vector<16xf32>
    %swap3A_317 = vector.shape_cast %mul3A_311 : vector<16xf32> to vector<1x16xf32>
    tpu.vector_store %arg13[%swap3A_313, %swap3A_314], %swap3A_317 {strides = array<i32>} : memref<24x16xf32, #tpu.memory_space<vmem>>, vector<1x16xf32>,
    %get3A_318 = arith.constant 16 : i32
    %get3A_319 = arith.index_cast %get3A_318 : i32 to index
    %get3A_320 = arith.constant 0 : index
    %get3A_321 = tpu.vector_load %arg12[%get3A_319, %get3A_320] {strides = array<i32>} : memref<24x16xf32, #tpu.memory_space<vmem>>, vector<1x16xf32>,
    %get3A_322 = vector.shape_cast %get3A_321 : vector<1x16xf32> to vector<16xf32>
    %sub3A_323 = arith.constant 1.000000e+00 : f32
    %sub3A_324 = vector.broadcast %sub3A_323 : f32 to vector<16xf32>
    %sub3A_325 = arith.subf %sub3A_324, %get3A_322 : vector<16xf32>
    %get3A_326 = arith.constant 16 : i32
    %get3A_327 = arith.index_cast %get3A_326 : i32 to index
    %get3A_328 = arith.constant 0 : index
    %get3A_329 = tpu.vector_load %arg11[%get3A_327, %get3A_328] {strides = array<i32>} : memref<24x16xf32, #tpu.memory_space<vmem>>, vector<1x16xf32>,
    %get3A_330 = vector.shape_cast %get3A_329 : vector<1x16xf32> to vector<16xf32>
    %mul3A_331 = arith.mulf %sub3A_325, %get3A_330 : vector<16xf32>
    %swap3A_332 = arith.constant 16 : i32
    %swap3A_333 = arith.index_cast %swap3A_332 : i32 to index
    %swap3A_334 = arith.constant 0 : index
    %swap3A_335 = tpu.vector_load %arg13[%swap3A_333, %swap3A_334] {strides = array<i32>} : memref<24x16xf32, #tpu.memory_space<vmem>>, vector<1x16xf32>,
    %swap3A_336 = vector.shape_cast %swap3A_335 : vector<1x16xf32> to vector<16xf32>
    %swap3A_337 = vector.shape_cast %mul3A_331 : vector<16xf32> to vector<1x16xf32>
    tpu.vector_store %arg13[%swap3A_333, %swap3A_334], %swap3A_337 {strides = array<i32>} : memref<24x16xf32, #tpu.memory_space<vmem>>, vector<1x16xf32>,
    %get3A_338 = arith.constant 17 : i32
    %get3A_339 = arith.index_cast %get3A_338 : i32 to index
    %get3A_340 = arith.constant 0 : index
    %get3A_341 = tpu.vector_load %arg12[%get3A_339, %get3A_340] {strides = array<i32>} : memref<24x16xf32, #tpu.memory_space<vmem>>, vector<1x16xf32>,
    %get3A_342 = vector.shape_cast %get3A_341 : vector<1x16xf32> to vector<16xf32>
    %sub3A_343 = arith.constant 1.000000e+00 : f32
    %sub3A_344 = vector.broadcast %sub3A_343 : f32 to vector<16xf32>
    %sub3A_345 = arith.subf %sub3A_344, %get3A_342 : vector<16xf32>
    %get3A_346 = arith.constant 17 : i32
    %get3A_347 = arith.index_cast %get3A_346 : i32 to index
    %get3A_348 = arith.constant 0 : index
    %get3A_349 = tpu.vector_load %arg11[%get3A_347, %get3A_348] {strides = array<i32>} : memref<24x16xf32, #tpu.memory_space<vmem>>, vector<1x16xf32>,
    %get3A_350 = vector.shape_cast %get3A_349 : vector<1x16xf32> to vector<16xf32>
    %mul3A_351 = arith.mulf %sub3A_345, %get3A_350 : vector<16xf32>
    %swap3A_352 = arith.constant 17 : i32
    %swap3A_353 = arith.index_cast %swap3A_352 : i32 to index
    %swap3A_354 = arith.constant 0 : index
    %swap3A_355 = tpu.vector_load %arg13[%swap3A_353, %swap3A_354] {strides = array<i32>} : memref<24x16xf32, #tpu.memory_space<vmem>>, vector<1x16xf32>,
    %swap3A_356 = vector.shape_cast %swap3A_355 : vector<1x16xf32> to vector<16xf32>
    %swap3A_357 = vector.shape_cast %mul3A_351 : vector<16xf32> to vector<1x16xf32>
    tpu.vector_store %arg13[%swap3A_353, %swap3A_354], %swap3A_357 {strides = array<i32>} : memref<24x16xf32, #tpu.memory_space<vmem>>, vector<1x16xf32>,
    %get3A_358 = arith.constant 18 : i32
    %get3A_359 = arith.index_cast %get3A_358 : i32 to index
    %get3A_360 = arith.constant 0 : index
    %get3A_361 = tpu.vector_load %arg12[%get3A_359, %get3A_360] {strides = array<i32>} : memref<24x16xf32, #tpu.memory_space<vmem>>, vector<1x16xf32>,
    %get3A_362 = vector.shape_cast %get3A_361 : vector<1x16xf32> to vector<16xf32>
    %sub3A_363 = arith.constant 1.000000e+00 : f32
    %sub3A_364 = vector.broadcast %sub3A_363 : f32 to vector<16xf32>
    %sub3A_365 = arith.subf %sub3A_364, %get3A_362 : vector<16xf32>
    %get3A_366 = arith.constant 18 : i32
    %get3A_367 = arith.index_cast %get3A_366 : i32 to index
    %get3A_368 = arith.constant 0 : index
    %get3A_369 = tpu.vector_load %arg11[%get3A_367, %get3A_368] {strides = array<i32>} : memref<24x16xf32, #tpu.memory_space<vmem>>, vector<1x16xf32>,
    %get3A_370 = vector.shape_cast %get3A_369 : vector<1x16xf32> to vector<16xf32>
    %mul3A_371 = arith.mulf %sub3A_365, %get3A_370 : vector<16xf32>
    %swap3A_372 = arith.constant 18 : i32
    %swap3A_373 = arith.index_cast %swap3A_372 : i32 to index
    %swap3A_374 = arith.constant 0 : index
    %swap3A_375 = tpu.vector_load %arg13[%swap3A_373, %swap3A_374] {strides = array<i32>} : memref<24x16xf32, #tpu.memory_space<vmem>>, vector<1x16xf32>,
    %swap3A_376 = vector.shape_cast %swap3A_375 : vector<1x16xf32> to vector<16xf32>
    %swap3A_377 = vector.shape_cast %mul3A_371 : vector<16xf32> to vector<1x16xf32>
    tpu.vector_store %arg13[%swap3A_373, %swap3A_374], %swap3A_377 {strides = array<i32>} : memref<24x16xf32, #tpu.memory_space<vmem>>, vector<1x16xf32>,
    %get3A_378 = arith.constant 19 : i32
    %get3A_379 = arith.index_cast %get3A_378 : i32 to index
    %get3A_380 = arith.constant 0 : index
    %get3A_381 = tpu.vector_load %arg12[%get3A_379, %get3A_380] {strides = array<i32>} : memref<24x16xf32, #tpu.memory_space<vmem>>, vector<1x16xf32>,
    %get3A_382 = vector.shape_cast %get3A_381 : vector<1x16xf32> to vector<16xf32>
    %sub3A_383 = arith.constant 1.000000e+00 : f32
    %sub3A_384 = vector.broadcast %sub3A_383 : f32 to vector<16xf32>
    %sub3A_385 = arith.subf %sub3A_384, %get3A_382 : vector<16xf32>
    %get3A_386 = arith.constant 19 : i32
    %get3A_387 = arith.index_cast %get3A_386 : i32 to index
    %get3A_388 = arith.constant 0 : index
    %get3A_389 = tpu.vector_load %arg11[%get3A_387, %get3A_388] {strides = array<i32>} : memref<24x16xf32, #tpu.memory_space<vmem>>, vector<1x16xf32>,
    %get3A_390 = vector.shape_cast %get3A_389 : vector<1x16xf32> to vector<16xf32>
    %mul3A_391 = arith.mulf %sub3A_385, %get3A_390 : vector<16xf32>
    %swap3A_392 = arith.constant 19 : i32
    %swap3A_393 = arith.index_cast %swap3A_392 : i32 to index
    %swap3A_394 = arith.constant 0 : index
    %swap3A_395 = tpu.vector_load %arg13[%swap3A_393, %swap3A_394] {strides = array<i32>} : memref<24x16xf32, #tpu.memory_space<vmem>>, vector<1x16xf32>,
    %swap3A_396 = vector.shape_cast %swap3A_395 : vector<1x16xf32> to vector<16xf32>
    %swap3A_397 = vector.shape_cast %mul3A_391 : vector<16xf32> to vector<1x16xf32>
    tpu.vector_store %arg13[%swap3A_393, %swap3A_394], %swap3A_397 {strides = array<i32>} : memref<24x16xf32, #tpu.memory_space<vmem>>, vector<1x16xf32>,
    %get3A_398 = arith.constant 20 : i32
    %get3A_399 = arith.index_cast %get3A_398 : i32 to index
    %get3A_400 = arith.constant 0 : index
    %get3A_401 = tpu.vector_load %arg12[%get3A_399, %get3A_400] {strides = array<i32>} : memref<24x16xf32, #tpu.memory_space<vmem>>, vector<1x16xf32>,
    %get3A_402 = vector.shape_cast %get3A_401 : vector<1x16xf32> to vector<16xf32>
    %sub3A_403 = arith.constant 1.000000e+00 : f32
    %sub3A_404 = vector.broadcast %sub3A_403 : f32 to vector<16xf32>
    %sub3A_405 = arith.subf %sub3A_404, %get3A_402 : vector<16xf32>
    %get3A_406 = arith.constant 20 : i32
    %get3A_407 = arith.index_cast %get3A_406 : i32 to index
    %get3A_408 = arith.constant 0 : index
    %get3A_409 = tpu.vector_load %arg11[%get3A_407, %get3A_408] {strides = array<i32>} : memref<24x16xf32, #tpu.memory_space<vmem>>, vector<1x16xf32>,
    %get3A_410 = vector.shape_cast %get3A_409 : vector<1x16xf32> to vector<16xf32>
    %mul3A_411 = arith.mulf %sub3A_405, %get3A_410 : vector<16xf32>
    %swap3A_412 = arith.constant 20 : i32
    %swap3A_413 = arith.index_cast %swap3A_412 : i32 to index
    %swap3A_414 = arith.constant 0 : index
    %swap3A_415 = tpu.vector_load %arg13[%swap3A_413, %swap3A_414] {strides = array<i32>} : memref<24x16xf32, #tpu.memory_space<vmem>>, vector<1x16xf32>,
    %swap3A_416 = vector.shape_cast %swap3A_415 : vector<1x16xf32> to vector<16xf32>
    %swap3A_417 = vector.shape_cast %mul3A_411 : vector<16xf32> to vector<1x16xf32>
    tpu.vector_store %arg13[%swap3A_413, %swap3A_414], %swap3A_417 {strides = array<i32>} : memref<24x16xf32, #tpu.memory_space<vmem>>, vector<1x16xf32>,
    %get3A_418 = arith.constant 21 : i32
    %get3A_419 = arith.index_cast %get3A_418 : i32 to index
    %get3A_420 = arith.constant 0 : index
    %get3A_421 = tpu.vector_load %arg12[%get3A_419, %get3A_420] {strides = array<i32>} : memref<24x16xf32, #tpu.memory_space<vmem>>, vector<1x16xf32>,
    %get3A_422 = vector.shape_cast %get3A_421 : vector<1x16xf32> to vector<16xf32>
    %sub3A_423 = arith.constant 1.000000e+00 : f32
    %sub3A_424 = vector.broadcast %sub3A_423 : f32 to vector<16xf32>
    %sub3A_425 = arith.subf %sub3A_424, %get3A_422 : vector<16xf32>
    %get3A_426 = arith.constant 21 : i32
    %get3A_427 = arith.index_cast %get3A_426 : i32 to index
    %get3A_428 = arith.constant 0 : index
    %get3A_429 = tpu.vector_load %arg11[%get3A_427, %get3A_428] {strides = array<i32>} : memref<24x16xf32, #tpu.memory_space<vmem>>, vector<1x16xf32>,
    %get3A_430 = vector.shape_cast %get3A_429 : vector<1x16xf32> to vector<16xf32>
    %mul3A_431 = arith.mulf %sub3A_425, %get3A_430 : vector<16xf32>
    %swap3A_432 = arith.constant 21 : i32
    %swap3A_433 = arith.index_cast %swap3A_432 : i32 to index
    %swap3A_434 = arith.constant 0 : index
    %swap3A_435 = tpu.vector_load %arg13[%swap3A_433, %swap3A_434] {strides = array<i32>} : memref<24x16xf32, #tpu.memory_space<vmem>>, vector<1x16xf32>,
    %swap3A_436 = vector.shape_cast %swap3A_435 : vector<1x16xf32> to vector<16xf32>
    %swap3A_437 = vector.shape_cast %mul3A_431 : vector<16xf32> to vector<1x16xf32>
    tpu.vector_store %arg13[%swap3A_433, %swap3A_434], %swap3A_437 {strides = array<i32>} : memref<24x16xf32, #tpu.memory_space<vmem>>, vector<1x16xf32>,
    %get3A_438 = arith.constant 22 : i32
    %get3A_439 = arith.index_cast %get3A_438 : i32 to index
    %get3A_440 = arith.constant 0 : index
    %get3A_441 = tpu.vector_load %arg12[%get3A_439, %get3A_440] {strides = array<i32>} : memref<24x16xf32, #tpu.memory_space<vmem>>, vector<1x16xf32>,
    %get3A_442 = vector.shape_cast %get3A_441 : vector<1x16xf32> to vector<16xf32>
    %sub3A_443 = arith.constant 1.000000e+00 : f32
    %sub3A_444 = vector.broadcast %sub3A_443 : f32 to vector<16xf32>
    %sub3A_445 = arith.subf %sub3A_444, %get3A_442 : vector<16xf32>
    %get3A_446 = arith.constant 22 : i32
    %get3A_447 = arith.index_cast %get3A_446 : i32 to index
    %get3A_448 = arith.constant 0 : index
    %get3A_449 = tpu.vector_load %arg11[%get3A_447, %get3A_448] {strides = array<i32>} : memref<24x16xf32, #tpu.memory_space<vmem>>, vector<1x16xf32>,
    %get3A_450 = vector.shape_cast %get3A_449 : vector<1x16xf32> to vector<16xf32>
    %mul3A_451 = arith.mulf %sub3A_445, %get3A_450 : vector<16xf32>
    %swap3A_452 = arith.constant 22 : i32
    %swap3A_453 = arith.index_cast %swap3A_452 : i32 to index
    %swap3A_454 = arith.constant 0 : index
    %swap3A_455 = tpu.vector_load %arg13[%swap3A_453, %swap3A_454] {strides = array<i32>} : memref<24x16xf32, #tpu.memory_space<vmem>>, vector<1x16xf32>,
    %swap3A_456 = vector.shape_cast %swap3A_455 : vector<1x16xf32> to vector<16xf32>
    %swap3A_457 = vector.shape_cast %mul3A_451 : vector<16xf32> to vector<1x16xf32>
    tpu.vector_store %arg13[%swap3A_453, %swap3A_454], %swap3A_457 {strides = array<i32>} : memref<24x16xf32, #tpu.memory_space<vmem>>, vector<1x16xf32>,
    %get3A_458 = arith.constant 23 : i32
    %get3A_459 = arith.index_cast %get3A_458 : i32 to index
    %get3A_460 = arith.constant 0 : index
    %get3A_461 = tpu.vector_load %arg12[%get3A_459, %get3A_460] {strides = array<i32>} : memref<24x16xf32, #tpu.memory_space<vmem>>, vector<1x16xf32>,
    %get3A_462 = vector.shape_cast %get3A_461 : vector<1x16xf32> to vector<16xf32>
    %sub3A_463 = arith.constant 1.000000e+00 : f32
    %sub3A_464 = vector.broadcast %sub3A_463 : f32 to vector<16xf32>
    %sub3A_465 = arith.subf %sub3A_464, %get3A_462 : vector<16xf32>
    %get3A_466 = arith.constant 23 : i32
    %get3A_467 = arith.index_cast %get3A_466 : i32 to index
    %get3A_468 = arith.constant 0 : index
    %get3A_469 = tpu.vector_load %arg11[%get3A_467, %get3A_468] {strides = array<i32>} : memref<24x16xf32, #tpu.memory_space<vmem>>, vector<1x16xf32>,
    %get3A_470 = vector.shape_cast %get3A_469 : vector<1x16xf32> to vector<16xf32>
    %mul3A_471 = arith.mulf %sub3A_465, %get3A_470 : vector<16xf32>
    %swap3A_472 = arith.constant 23 : i32
    %swap3A_473 = arith.index_cast %swap3A_472 : i32 to index
    %swap3A_474 = arith.constant 0 : index
    %swap3A_475 = tpu.vector_load %arg13[%swap3A_473, %swap3A_474] {strides = array<i32>} : memref<24x16xf32, #tpu.memory_space<vmem>>, vector<1x16xf32>,
    %swap3A_476 = vector.shape_cast %swap3A_475 : vector<1x16xf32> to vector<16xf32>
    %swap3A_477 = vector.shape_cast %mul3A_471 : vector<16xf32> to vector<1x16xf32>
    tpu.vector_store %arg13[%swap3A_473, %swap3A_474], %swap3A_477 {strides = array<i32>} : memref<24x16xf32, #tpu.memory_space<vmem>>, vector<1x16xf32>,
    %scan3A = arith.constant 0 : i32
    %mul3A_478 = arith.constant 1 : i32
    %mul3A_479 = arith.muli %scan3A, %mul3A_478 : i32
    %add3A_480 = arith.constant 0 : i32
    %add3A_481 = arith.addi %add3A_480, %mul3A_479 : i32
    %mul3A_482 = arith.constant 16 : i32
    %mul3A_483 = arith.muli %add3A_481, %mul3A_482 : i32
    %broadcast_in_dim3A = arith.constant 0.000000e+00 : f32
    %broadcast_in_dim3A_484 = vector.broadcast %broadcast_in_dim3A : f32 to vector<16xf32>
    %get3A_485 = arith.constant 0 : i32
    %get3A_486 = arith.index_cast %get3A_485 : i32 to index
    %get3A_487 = arith.index_cast %mul3A_483 : i32 to index
    %get3A_488 = tpu.vector_load %arg6[%get3A_486, %get3A_487] {strides = array<i32>} : memref<24x16xf32, #tpu.memory_space<vmem>>, vector<1x16xf32>,
    %get3A_489 = vector.shape_cast %get3A_488 : vector<1x16xf32> to vector<16xf32>
    %mul3A_490 = arith.constant 2.000000e+00 : f32
    %mul3A_491 = vector.broadcast %mul3A_490 : f32 to vector<16xf32>
    %mul3A_492 = arith.mulf %mul3A_491, %get3A_489 : vector<16xf32>
    %sub3A_493 = arith.constant 1.000000e+00 : f32
    %sub3A_494 = vector.broadcast %sub3A_493 : f32 to vector<16xf32>
    %sub3A_495 = arith.subf %sub3A_494, %mul3A_492 : vector<16xf32>
    %swap3A_496 = arith.constant 0 : i32
    %swap3A_497 = arith.index_cast %swap3A_496 : i32 to index
    %swap3A_498 = arith.index_cast %mul3A_483 : i32 to index
    %swap3A_499 = tpu.vector_load %arg6[%swap3A_497, %swap3A_498] {strides = array<i32>} : memref<24x16xf32, #tpu.memory_space<vmem>>, vector<1x16xf32>,
    %swap3A_500 = vector.shape_cast %swap3A_499 : vector<1x16xf32> to vector<16xf32>
    %swap3A_501 = vector.shape_cast %sub3A_495 : vector<16xf32> to vector<1x16xf32>
    tpu.vector_store %arg6[%swap3A_497, %swap3A_498], %swap3A_501 {strides = array<i32>} : memref<24x16xf32, #tpu.memory_space<vmem>>, vector<1x16xf32>,
    %get3A_502 = arith.constant 0 : i32
    %get3A_503 = arith.index_cast %get3A_502 : i32 to index
    %get3A_504 = arith.constant 0 : index
    %get3A_505 = tpu.vector_load %arg11[%get3A_503, %get3A_504] {strides = array<i32>} : memref<24x16xf32, #tpu.memory_space<vmem>>, vector<1x16xf32>,
    %get3A_506 = vector.shape_cast %get3A_505 : vector<1x16xf32> to vector<16xf32>
    %swap3A_507 = arith.constant 0 : i32
    %swap3A_508 = arith.index_cast %swap3A_507 : i32 to index
    %swap3A_509 = arith.index_cast %mul3A_483 : i32 to index
    %swap3A_510 = tpu.vector_load %arg10[%swap3A_508, %swap3A_509] {strides = array<i32>} : memref<24x16xf32, #tpu.memory_space<vmem>>, vector<1x16xf32>,
    %swap3A_511 = vector.shape_cast %swap3A_510 : vector<1x16xf32> to vector<16xf32>
    %swap3A_512 = vector.shape_cast %get3A_506 : vector<16xf32> to vector<1x16xf32>
    tpu.vector_store %arg10[%swap3A_508, %swap3A_509], %swap3A_512 {strides = array<i32>} : memref<24x16xf32, #tpu.memory_space<vmem>>, vector<1x16xf32>,
    %swap3A_513 = arith.constant 0 : i32
    %swap3A_514 = arith.index_cast %swap3A_513 : i32 to index
    %swap3A_515 = arith.index_cast %mul3A_483 : i32 to index
    %swap3A_516 = tpu.vector_load %arg7[%swap3A_514, %swap3A_515] {strides = array<i32>} : memref<24x16xf32, #tpu.memory_space<vmem>>, vector<1x16xf32>,
    %swap3A_517 = vector.shape_cast %swap3A_516 : vector<1x16xf32> to vector<16xf32>
    %swap3A_518 = vector.shape_cast %broadcast_in_dim3A_484 : vector<16xf32> to vector<1x16xf32>
    tpu.vector_store %arg7[%swap3A_514, %swap3A_515], %swap3A_518 {strides = array<i32>} : memref<24x16xf32, #tpu.memory_space<vmem>>, vector<1x16xf32>,
    %swap3A_519 = arith.constant 0 : i32
    %swap3A_520 = arith.index_cast %swap3A_519 : i32 to index
    %swap3A_521 = arith.index_cast %mul3A_483 : i32 to index
    %swap3A_522 = tpu.vector_load %arg8[%swap3A_520, %swap3A_521] {strides = array<i32>} : memref<24x16xf32, #tpu.memory_space<vmem>>, vector<1x16xf32>,
    %swap3A_523 = vector.shape_cast %swap3A_522 : vector<1x16xf32> to vector<16xf32>
    %swap3A_524 = vector.shape_cast %broadcast_in_dim3A_484 : vector<16xf32> to vector<1x16xf32>
    tpu.vector_store %arg8[%swap3A_520, %swap3A_521], %swap3A_524 {strides = array<i32>} : memref<24x16xf32, #tpu.memory_space<vmem>>, vector<1x16xf32>,
    %swap3A_525 = arith.constant 0 : i32
    %swap3A_526 = arith.index_cast %swap3A_525 : i32 to index
    %swap3A_527 = arith.index_cast %mul3A_483 : i32 to index
    %swap3A_528 = tpu.vector_load %arg9[%swap3A_526, %swap3A_527] {strides = array<i32>} : memref<24x16xf32, #tpu.memory_space<vmem>>, vector<1x16xf32>,
    %swap3A_529 = vector.shape_cast %swap3A_528 : vector<1x16xf32> to vector<16xf32>
    %swap3A_530 = vector.shape_cast %broadcast_in_dim3A_484 : vector<16xf32> to vector<1x16xf32>
    tpu.vector_store %arg9[%swap3A_526, %swap3A_527], %swap3A_530 {strides = array<i32>} : memref<24x16xf32, #tpu.memory_space<vmem>>, vector<1x16xf32>,
    %get3A_531 = arith.constant 1 : i32
    %get3A_532 = arith.index_cast %get3A_531 : i32 to index
    %get3A_533 = arith.index_cast %mul3A_483 : i32 to index
    %get3A_534 = tpu.vector_load %arg6[%get3A_532, %get3A_533] {strides = array<i32>} : memref<24x16xf32, #tpu.memory_space<vmem>>, vector<1x16xf32>,
    %get3A_535 = vector.shape_cast %get3A_534 : vector<1x16xf32> to vector<16xf32>
    %mul3A_536 = arith.constant 2.000000e+00 : f32
    %mul3A_537 = vector.broadcast %mul3A_536 : f32 to vector<16xf32>
    %mul3A_538 = arith.mulf %mul3A_537, %get3A_535 : vector<16xf32>
    %sub3A_539 = arith.constant 1.000000e+00 : f32
    %sub3A_540 = vector.broadcast %sub3A_539 : f32 to vector<16xf32>
    %sub3A_541 = arith.subf %sub3A_540, %mul3A_538 : vector<16xf32>
    %swap3A_542 = arith.constant 1 : i32
    %swap3A_543 = arith.index_cast %swap3A_542 : i32 to index
    %swap3A_544 = arith.index_cast %mul3A_483 : i32 to index
    %swap3A_545 = tpu.vector_load %arg6[%swap3A_543, %swap3A_544] {strides = array<i32>} : memref<24x16xf32, #tpu.memory_space<vmem>>, vector<1x16xf32>,
    %swap3A_546 = vector.shape_cast %swap3A_545 : vector<1x16xf32> to vector<16xf32>
    %swap3A_547 = vector.shape_cast %sub3A_541 : vector<16xf32> to vector<1x16xf32>
    tpu.vector_store %arg6[%swap3A_543, %swap3A_544], %swap3A_547 {strides = array<i32>} : memref<24x16xf32, #tpu.memory_space<vmem>>, vector<1x16xf32>,
    %get3A_548 = arith.constant 1 : i32
    %get3A_549 = arith.index_cast %get3A_548 : i32 to index
    %get3A_550 = arith.constant 0 : index
    %get3A_551 = tpu.vector_load %arg11[%get3A_549, %get3A_550] {strides = array<i32>} : memref<24x16xf32, #tpu.memory_space<vmem>>, vector<1x16xf32>,
    %get3A_552 = vector.shape_cast %get3A_551 : vector<1x16xf32> to vector<16xf32>
    %swap3A_553 = arith.constant 1 : i32
    %swap3A_554 = arith.index_cast %swap3A_553 : i32 to index
    %swap3A_555 = arith.index_cast %mul3A_483 : i32 to index
    %swap3A_556 = tpu.vector_load %arg10[%swap3A_554, %swap3A_555] {strides = array<i32>} : memref<24x16xf32, #tpu.memory_space<vmem>>, vector<1x16xf32>,
    %swap3A_557 = vector.shape_cast %swap3A_556 : vector<1x16xf32> to vector<16xf32>
    %swap3A_558 = vector.shape_cast %get3A_552 : vector<16xf32> to vector<1x16xf32>
    tpu.vector_store %arg10[%swap3A_554, %swap3A_555], %swap3A_558 {strides = array<i32>} : memref<24x16xf32, #tpu.memory_space<vmem>>, vector<1x16xf32>,
    %swap3A_559 = arith.constant 1 : i32
    %swap3A_560 = arith.index_cast %swap3A_559 : i32 to index
    %swap3A_561 = arith.index_cast %mul3A_483 : i32 to index
    %swap3A_562 = tpu.vector_load %arg7[%swap3A_560, %swap3A_561] {strides = array<i32>} : memref<24x16xf32, #tpu.memory_space<vmem>>, vector<1x16xf32>,
    %swap3A_563 = vector.shape_cast %swap3A_562 : vector<1x16xf32> to vector<16xf32>
    %swap3A_564 = vector.shape_cast %broadcast_in_dim3A_484 : vector<16xf32> to vector<1x16xf32>
    tpu.vector_store %arg7[%swap3A_560, %swap3A_561], %swap3A_564 {strides = array<i32>} : memref<24x16xf32, #tpu.memory_space<vmem>>, vector<1x16xf32>,
    %swap3A_565 = arith.constant 1 : i32
    %swap3A_566 = arith.index_cast %swap3A_565 : i32 to index
    %swap3A_567 = arith.index_cast %mul3A_483 : i32 to index
    %swap3A_568 = tpu.vector_load %arg8[%swap3A_566, %swap3A_567] {strides = array<i32>} : memref<24x16xf32, #tpu.memory_space<vmem>>, vector<1x16xf32>,
    %swap3A_569 = vector.shape_cast %swap3A_568 : vector<1x16xf32> to vector<16xf32>
    %swap3A_570 = vector.shape_cast %broadcast_in_dim3A_484 : vector<16xf32> to vector<1x16xf32>
    tpu.vector_store %arg8[%swap3A_566, %swap3A_567], %swap3A_570 {strides = array<i32>} : memref<24x16xf32, #tpu.memory_space<vmem>>, vector<1x16xf32>,
    %swap3A_571 = arith.constant 1 : i32
    %swap3A_572 = arith.index_cast %swap3A_571 : i32 to index
    %swap3A_573 = arith.index_cast %mul3A_483 : i32 to index
    %swap3A_574 = tpu.vector_load %arg9[%swap3A_572, %swap3A_573] {strides = array<i32>} : memref<24x16xf32, #tpu.memory_space<vmem>>, vector<1x16xf32>,
    %swap3A_575 = vector.shape_cast %swap3A_574 : vector<1x16xf32> to vector<16xf32>
    %swap3A_576 = vector.shape_cast %broadcast_in_dim3A_484 : vector<16xf32> to vector<1x16xf32>
    tpu.vector_store %arg9[%swap3A_572, %swap3A_573], %swap3A_576 {strides = array<i32>} : memref<24x16xf32, #tpu.memory_space<vmem>>, vector<1x16xf32>,
    %get3A_577 = arith.constant 2 : i32
    %get3A_578 = arith.index_cast %get3A_577 : i32 to index
    %get3A_579 = arith.index_cast %mul3A_483 : i32 to index
    %get3A_580 = tpu.vector_load %arg6[%get3A_578, %get3A_579] {strides = array<i32>} : memref<24x16xf32, #tpu.memory_space<vmem>>, vector<1x16xf32>,
    %get3A_581 = vector.shape_cast %get3A_580 : vector<1x16xf32> to vector<16xf32>
    %mul3A_582 = arith.constant 2.000000e+00 : f32
    %mul3A_583 = vector.broadcast %mul3A_582 : f32 to vector<16xf32>
    %mul3A_584 = arith.mulf %mul3A_583, %get3A_581 : vector<16xf32>
    %sub3A_585 = arith.constant 1.000000e+00 : f32
    %sub3A_586 = vector.broadcast %sub3A_585 : f32 to vector<16xf32>
    %sub3A_587 = arith.subf %sub3A_586, %mul3A_584 : vector<16xf32>
    %swap3A_588 = arith.constant 2 : i32
    %swap3A_589 = arith.index_cast %swap3A_588 : i32 to index
    %swap3A_590 = arith.index_cast %mul3A_483 : i32 to index
    %swap3A_591 = tpu.vector_load %arg6[%swap3A_589, %swap3A_590] {strides = array<i32>} : memref<24x16xf32, #tpu.memory_space<vmem>>, vector<1x16xf32>,
    %swap3A_592 = vector.shape_cast %swap3A_591 : vector<1x16xf32> to vector<16xf32>
    %swap3A_593 = vector.shape_cast %sub3A_587 : vector<16xf32> to vector<1x16xf32>
    tpu.vector_store %arg6[%swap3A_589, %swap3A_590], %swap3A_593 {strides = array<i32>} : memref<24x16xf32, #tpu.memory_space<vmem>>, vector<1x16xf32>,
    %get3A_594 = arith.constant 2 : i32
    %get3A_595 = arith.index_cast %get3A_594 : i32 to index
    %get3A_596 = arith.constant 0 : index
    %get3A_597 = tpu.vector_load %arg11[%get3A_595, %get3A_596] {strides = array<i32>} : memref<24x16xf32, #tpu.memory_space<vmem>>, vector<1x16xf32>,
    %get3A_598 = vector.shape_cast %get3A_597 : vector<1x16xf32> to vector<16xf32>
    %swap3A_599 = arith.constant 2 : i32
    %swap3A_600 = arith.index_cast %swap3A_599 : i32 to index
    %swap3A_601 = arith.index_cast %mul3A_483 : i32 to index
    %swap3A_602 = tpu.vector_load %arg10[%swap3A_600, %swap3A_601] {strides = array<i32>} : memref<24x16xf32, #tpu.memory_space<vmem>>, vector<1x16xf32>,
    %swap3A_603 = vector.shape_cast %swap3A_602 : vector<1x16xf32> to vector<16xf32>
    %swap3A_604 = vector.shape_cast %get3A_598 : vector<16xf32> to vector<1x16xf32>
    tpu.vector_store %arg10[%swap3A_600, %swap3A_601], %swap3A_604 {strides = array<i32>} : memref<24x16xf32, #tpu.memory_space<vmem>>, vector<1x16xf32>,
    %swap3A_605 = arith.constant 2 : i32
    %swap3A_606 = arith.index_cast %swap3A_605 : i32 to index
    %swap3A_607 = arith.index_cast %mul3A_483 : i32 to index
    %swap3A_608 = tpu.vector_load %arg7[%swap3A_606, %swap3A_607] {strides = array<i32>} : memref<24x16xf32, #tpu.memory_space<vmem>>, vector<1x16xf32>,
    %swap3A_609 = vector.shape_cast %swap3A_608 : vector<1x16xf32> to vector<16xf32>
    %swap3A_610 = vector.shape_cast %broadcast_in_dim3A_484 : vector<16xf32> to vector<1x16xf32>
    tpu.vector_store %arg7[%swap3A_606, %swap3A_607], %swap3A_610 {strides = array<i32>} : memref<24x16xf32, #tpu.memory_space<vmem>>, vector<1x16xf32>,
    %swap3A_611 = arith.constant 2 : i32
    %swap3A_612 = arith.index_cast %swap3A_611 : i32 to index
    %swap3A_613 = arith.index_cast %mul3A_483 : i32 to index
    %swap3A_614 = tpu.vector_load %arg8[%swap3A_612, %swap3A_613] {strides = array<i32>} : memref<24x16xf32, #tpu.memory_space<vmem>>, vector<1x16xf32>,
    %swap3A_615 = vector.shape_cast %swap3A_614 : vector<1x16xf32> to vector<16xf32>
    %swap3A_616 = vector.shape_cast %broadcast_in_dim3A_484 : vector<16xf32> to vector<1x16xf32>
    tpu.vector_store %arg8[%swap3A_612, %swap3A_613], %swap3A_616 {strides = array<i32>} : memref<24x16xf32, #tpu.memory_space<vmem>>, vector<1x16xf32>,
    %swap3A_617 = arith.constant 2 : i32
    %swap3A_618 = arith.index_cast %swap3A_617 : i32 to index
    %swap3A_619 = arith.index_cast %mul3A_483 : i32 to index
    %swap3A_620 = tpu.vector_load %arg9[%swap3A_618, %swap3A_619] {strides = array<i32>} : memref<24x16xf32, #tpu.memory_space<vmem>>, vector<1x16xf32>,
    %swap3A_621 = vector.shape_cast %swap3A_620 : vector<1x16xf32> to vector<16xf32>
    %swap3A_622 = vector.shape_cast %broadcast_in_dim3A_484 : vector<16xf32> to vector<1x16xf32>
    tpu.vector_store %arg9[%swap3A_618, %swap3A_619], %swap3A_622 {strides = array<i32>} : memref<24x16xf32, #tpu.memory_space<vmem>>, vector<1x16xf32>,
    %get3A_623 = arith.constant 3 : i32
    %get3A_624 = arith.index_cast %get3A_623 : i32 to index
    %get3A_625 = arith.index_cast %mul3A_483 : i32 to index
    %get3A_626 = tpu.vector_load %arg6[%get3A_624, %get3A_625] {strides = array<i32>} : memref<24x16xf32, #tpu.memory_space<vmem>>, vector<1x16xf32>,
    %get3A_627 = vector.shape_cast %get3A_626 : vector<1x16xf32> to vector<16xf32>
    %mul3A_628 = arith.constant 2.000000e+00 : f32
    %mul3A_629 = vector.broadcast %mul3A_628 : f32 to vector<16xf32>
    %mul3A_630 = arith.mulf %mul3A_629, %get3A_627 : vector<16xf32>
    %sub3A_631 = arith.constant 1.000000e+00 : f32
    %sub3A_632 = vector.broadcast %sub3A_631 : f32 to vector<16xf32>
    %sub3A_633 = arith.subf %sub3A_632, %mul3A_630 : vector<16xf32>
    %swap3A_634 = arith.constant 3 : i32
    %swap3A_635 = arith.index_cast %swap3A_634 : i32 to index
    %swap3A_636 = arith.index_cast %mul3A_483 : i32 to index
    %swap3A_637 = tpu.vector_load %arg6[%swap3A_635, %swap3A_636] {strides = array<i32>} : memref<24x16xf32, #tpu.memory_space<vmem>>, vector<1x16xf32>,
    %swap3A_638 = vector.shape_cast %swap3A_637 : vector<1x16xf32> to vector<16xf32>
    %swap3A_639 = vector.shape_cast %sub3A_633 : vector<16xf32> to vector<1x16xf32>
    tpu.vector_store %arg6[%swap3A_635, %swap3A_636], %swap3A_639 {strides = array<i32>} : memref<24x16xf32, #tpu.memory_space<vmem>>, vector<1x16xf32>,
    %get3A_640 = arith.constant 3 : i32
    %get3A_641 = arith.index_cast %get3A_640 : i32 to index
    %get3A_642 = arith.constant 0 : index
    %get3A_643 = tpu.vector_load %arg11[%get3A_641, %get3A_642] {strides = array<i32>} : memref<24x16xf32, #tpu.memory_space<vmem>>, vector<1x16xf32>,
    %get3A_644 = vector.shape_cast %get3A_643 : vector<1x16xf32> to vector<16xf32>
    %swap3A_645 = arith.constant 3 : i32
    %swap3A_646 = arith.index_cast %swap3A_645 : i32 to index
    %swap3A_647 = arith.index_cast %mul3A_483 : i32 to index
    %swap3A_648 = tpu.vector_load %arg10[%swap3A_646, %swap3A_647] {strides = array<i32>} : memref<24x16xf32, #tpu.memory_space<vmem>>, vector<1x16xf32>,
    %swap3A_649 = vector.shape_cast %swap3A_648 : vector<1x16xf32> to vector<16xf32>
    %swap3A_650 = vector.shape_cast %get3A_644 : vector<16xf32> to vector<1x16xf32>
    tpu.vector_store %arg10[%swap3A_646, %swap3A_647], %swap3A_650 {strides = array<i32>} : memref<24x16xf32, #tpu.memory_space<vmem>>, vector<1x16xf32>,
    %swap3A_651 = arith.constant 3 : i32
    %swap3A_652 = arith.index_cast %swap3A_651 : i32 to index
    %swap3A_653 = arith.index_cast %mul3A_483 : i32 to index
    %swap3A_654 = tpu.vector_load %arg7[%swap3A_652, %swap3A_653] {strides = array<i32>} : memref<24x16xf32, #tpu.memory_space<vmem>>, vector<1x16xf32>,
    %swap3A_655 = vector.shape_cast %swap3A_654 : vector<1x16xf32> to vector<16xf32>
    %swap3A_656 = vector.shape_cast %broadcast_in_dim3A_484 : vector<16xf32> to vector<1x16xf32>
    tpu.vector_store %arg7[%swap3A_652, %swap3A_653], %swap3A_656 {strides = array<i32>} : memref<24x16xf32, #tpu.memory_space<vmem>>, vector<1x16xf32>,
    %swap3A_657 = arith.constant 3 : i32
    %swap3A_658 = arith.index_cast %swap3A_657 : i32 to index
    %swap3A_659 = arith.index_cast %mul3A_483 : i32 to index
    %swap3A_660 = tpu.vector_load %arg8[%swap3A_658, %swap3A_659] {strides = array<i32>} : memref<24x16xf32, #tpu.memory_space<vmem>>, vector<1x16xf32>,
    %swap3A_661 = vector.shape_cast %swap3A_660 : vector<1x16xf32> to vector<16xf32>
    %swap3A_662 = vector.shape_cast %broadcast_in_dim3A_484 : vector<16xf32> to vector<1x16xf32>
    tpu.vector_store %arg8[%swap3A_658, %swap3A_659], %swap3A_662 {strides = array<i32>} : memref<24x16xf32, #tpu.memory_space<vmem>>, vector<1x16xf32>,
    %swap3A_663 = arith.constant 3 : i32
    %swap3A_664 = arith.index_cast %swap3A_663 : i32 to index
    %swap3A_665 = arith.index_cast %mul3A_483 : i32 to index
    %swap3A_666 = tpu.vector_load %arg9[%swap3A_664, %swap3A_665] {strides = array<i32>} : memref<24x16xf32, #tpu.memory_space<vmem>>, vector<1x16xf32>,
    %swap3A_667 = vector.shape_cast %swap3A_666 : vector<1x16xf32> to vector<16xf32>
    %swap3A_668 = vector.shape_cast %broadcast_in_dim3A_484 : vector<16xf32> to vector<1x16xf32>
    tpu.vector_store %arg9[%swap3A_664, %swap3A_665], %swap3A_668 {strides = array<i32>} : memref<24x16xf32, #tpu.memory_space<vmem>>, vector<1x16xf32>,
    %get3A_669 = arith.constant 4 : i32
    %get3A_670 = arith.index_cast %get3A_669 : i32 to index
    %get3A_671 = arith.index_cast %mul3A_483 : i32 to index
    %get3A_672 = tpu.vector_load %arg6[%get3A_670, %get3A_671] {strides = array<i32>} : memref<24x16xf32, #tpu.memory_space<vmem>>, vector<1x16xf32>,
    %get3A_673 = vector.shape_cast %get3A_672 : vector<1x16xf32> to vector<16xf32>
    %mul3A_674 = arith.constant 2.000000e+00 : f32
    %mul3A_675 = vector.broadcast %mul3A_674 : f32 to vector<16xf32>
    %mul3A_676 = arith.mulf %mul3A_675, %get3A_673 : vector<16xf32>
    %sub3A_677 = arith.constant 1.000000e+00 : f32
    %sub3A_678 = vector.broadcast %sub3A_677 : f32 to vector<16xf32>
    %sub3A_679 = arith.subf %sub3A_678, %mul3A_676 : vector<16xf32>
    %swap3A_680 = arith.constant 4 : i32
    %swap3A_681 = arith.index_cast %swap3A_680 : i32 to index
    %swap3A_682 = arith.index_cast %mul3A_483 : i32 to index
    %swap3A_683 = tpu.vector_load %arg6[%swap3A_681, %swap3A_682] {strides = array<i32>} : memref<24x16xf32, #tpu.memory_space<vmem>>, vector<1x16xf32>,
    %swap3A_684 = vector.shape_cast %swap3A_683 : vector<1x16xf32> to vector<16xf32>
    %swap3A_685 = vector.shape_cast %sub3A_679 : vector<16xf32> to vector<1x16xf32>
    tpu.vector_store %arg6[%swap3A_681, %swap3A_682], %swap3A_685 {strides = array<i32>} : memref<24x16xf32, #tpu.memory_space<vmem>>, vector<1x16xf32>,
    %get3A_686 = arith.constant 4 : i32
    %get3A_687 = arith.index_cast %get3A_686 : i32 to index
    %get3A_688 = arith.constant 0 : index
    %get3A_689 = tpu.vector_load %arg11[%get3A_687, %get3A_688] {strides = array<i32>} : memref<24x16xf32, #tpu.memory_space<vmem>>, vector<1x16xf32>,
    %get3A_690 = vector.shape_cast %get3A_689 : vector<1x16xf32> to vector<16xf32>
    %swap3A_691 = arith.constant 4 : i32
    %swap3A_692 = arith.index_cast %swap3A_691 : i32 to index
    %swap3A_693 = arith.index_cast %mul3A_483 : i32 to index
    %swap3A_694 = tpu.vector_load %arg10[%swap3A_692, %swap3A_693] {strides = array<i32>} : memref<24x16xf32, #tpu.memory_space<vmem>>, vector<1x16xf32>,
    %swap3A_695 = vector.shape_cast %swap3A_694 : vector<1x16xf32> to vector<16xf32>
    %swap3A_696 = vector.shape_cast %get3A_690 : vector<16xf32> to vector<1x16xf32>
    tpu.vector_store %arg10[%swap3A_692, %swap3A_693], %swap3A_696 {strides = array<i32>} : memref<24x16xf32, #tpu.memory_space<vmem>>, vector<1x16xf32>,
    %swap3A_697 = arith.constant 4 : i32
    %swap3A_698 = arith.index_cast %swap3A_697 : i32 to index
    %swap3A_699 = arith.index_cast %mul3A_483 : i32 to index
    %swap3A_700 = tpu.vector_load %arg7[%swap3A_698, %swap3A_699] {strides = array<i32>} : memref<24x16xf32, #tpu.memory_space<vmem>>, vector<1x16xf32>,
    %swap3A_701 = vector.shape_cast %swap3A_700 : vector<1x16xf32> to vector<16xf32>
    %swap3A_702 = vector.shape_cast %broadcast_in_dim3A_484 : vector<16xf32> to vector<1x16xf32>
    tpu.vector_store %arg7[%swap3A_698, %swap3A_699], %swap3A_702 {strides = array<i32>} : memref<24x16xf32, #tpu.memory_space<vmem>>, vector<1x16xf32>,
    %swap3A_703 = arith.constant 4 : i32
    %swap3A_704 = arith.index_cast %swap3A_703 : i32 to index
    %swap3A_705 = arith.index_cast %mul3A_483 : i32 to index
    %swap3A_706 = tpu.vector_load %arg8[%swap3A_704, %swap3A_705] {strides = array<i32>} : memref<24x16xf32, #tpu.memory_space<vmem>>, vector<1x16xf32>,
    %swap3A_707 = vector.shape_cast %swap3A_706 : vector<1x16xf32> to vector<16xf32>
    %swap3A_708 = vector.shape_cast %broadcast_in_dim3A_484 : vector<16xf32> to vector<1x16xf32>
    tpu.vector_store %arg8[%swap3A_704, %swap3A_705], %swap3A_708 {strides = array<i32>} : memref<24x16xf32, #tpu.memory_space<vmem>>, vector<1x16xf32>,
    %swap3A_709 = arith.constant 4 : i32
    %swap3A_710 = arith.index_cast %swap3A_709 : i32 to index
    %swap3A_711 = arith.index_cast %mul3A_483 : i32 to index
    %swap3A_712 = tpu.vector_load %arg9[%swap3A_710, %swap3A_711] {strides = array<i32>} : memref<24x16xf32, #tpu.memory_space<vmem>>, vector<1x16xf32>,
    %swap3A_713 = vector.shape_cast %swap3A_712 : vector<1x16xf32> to vector<16xf32>
    %swap3A_714 = vector.shape_cast %broadcast_in_dim3A_484 : vector<16xf32> to vector<1x16xf32>
    tpu.vector_store %arg9[%swap3A_710, %swap3A_711], %swap3A_714 {strides = array<i32>} : memref<24x16xf32, #tpu.memory_space<vmem>>, vector<1x16xf32>,
    %get3A_715 = arith.constant 5 : i32
    %get3A_716 = arith.index_cast %get3A_715 : i32 to index
    %get3A_717 = arith.index_cast %mul3A_483 : i32 to index
    %get3A_718 = tpu.vector_load %arg6[%get3A_716, %get3A_717] {strides = array<i32>} : memref<24x16xf32, #tpu.memory_space<vmem>>, vector<1x16xf32>,
    %get3A_719 = vector.shape_cast %get3A_718 : vector<1x16xf32> to vector<16xf32>
    %mul3A_720 = arith.constant 2.000000e+00 : f32
    %mul3A_721 = vector.broadcast %mul3A_720 : f32 to vector<16xf32>
    %mul3A_722 = arith.mulf %mul3A_721, %get3A_719 : vector<16xf32>
    %sub3A_723 = arith.constant 1.000000e+00 : f32
    %sub3A_724 = vector.broadcast %sub3A_723 : f32 to vector<16xf32>
    %sub3A_725 = arith.subf %sub3A_724, %mul3A_722 : vector<16xf32>
    %swap3A_726 = arith.constant 5 : i32
    %swap3A_727 = arith.index_cast %swap3A_726 : i32 to index
    %swap3A_728 = arith.index_cast %mul3A_483 : i32 to index
    %swap3A_729 = tpu.vector_load %arg6[%swap3A_727, %swap3A_728] {strides = array<i32>} : memref<24x16xf32, #tpu.memory_space<vmem>>, vector<1x16xf32>,
    %swap3A_730 = vector.shape_cast %swap3A_729 : vector<1x16xf32> to vector<16xf32>
    %swap3A_731 = vector.shape_cast %sub3A_725 : vector<16xf32> to vector<1x16xf32>
    tpu.vector_store %arg6[%swap3A_727, %swap3A_728], %swap3A_731 {strides = array<i32>} : memref<24x16xf32, #tpu.memory_space<vmem>>, vector<1x16xf32>,
    %get3A_732 = arith.constant 5 : i32
    %get3A_733 = arith.index_cast %get3A_732 : i32 to index
    %get3A_734 = arith.constant 0 : index
    %get3A_735 = tpu.vector_load %arg11[%get3A_733, %get3A_734] {strides = array<i32>} : memref<24x16xf32, #tpu.memory_space<vmem>>, vector<1x16xf32>,
    %get3A_736 = vector.shape_cast %get3A_735 : vector<1x16xf32> to vector<16xf32>
    %swap3A_737 = arith.constant 5 : i32
    %swap3A_738 = arith.index_cast %swap3A_737 : i32 to index
    %swap3A_739 = arith.index_cast %mul3A_483 : i32 to index
    %swap3A_740 = tpu.vector_load %arg10[%swap3A_738, %swap3A_739] {strides = array<i32>} : memref<24x16xf32, #tpu.memory_space<vmem>>, vector<1x16xf32>,
    %swap3A_741 = vector.shape_cast %swap3A_740 : vector<1x16xf32> to vector<16xf32>
    %swap3A_742 = vector.shape_cast %get3A_736 : vector<16xf32> to vector<1x16xf32>
    tpu.vector_store %arg10[%swap3A_738, %swap3A_739], %swap3A_742 {strides = array<i32>} : memref<24x16xf32, #tpu.memory_space<vmem>>, vector<1x16xf32>,
    %swap3A_743 = arith.constant 5 : i32
    %swap3A_744 = arith.index_cast %swap3A_743 : i32 to index
    %swap3A_745 = arith.index_cast %mul3A_483 : i32 to index
    %swap3A_746 = tpu.vector_load %arg7[%swap3A_744, %swap3A_745] {strides = array<i32>} : memref<24x16xf32, #tpu.memory_space<vmem>>, vector<1x16xf32>,
    %swap3A_747 = vector.shape_cast %swap3A_746 : vector<1x16xf32> to vector<16xf32>
    %swap3A_748 = vector.shape_cast %broadcast_in_dim3A_484 : vector<16xf32> to vector<1x16xf32>
    tpu.vector_store %arg7[%swap3A_744, %swap3A_745], %swap3A_748 {strides = array<i32>} : memref<24x16xf32, #tpu.memory_space<vmem>>, vector<1x16xf32>,
    %swap3A_749 = arith.constant 5 : i32
    %swap3A_750 = arith.index_cast %swap3A_749 : i32 to index
    %swap3A_751 = arith.index_cast %mul3A_483 : i32 to index
    %swap3A_752 = tpu.vector_load %arg8[%swap3A_750, %swap3A_751] {strides = array<i32>} : memref<24x16xf32, #tpu.memory_space<vmem>>, vector<1x16xf32>,
    %swap3A_753 = vector.shape_cast %swap3A_752 : vector<1x16xf32> to vector<16xf32>
    %swap3A_754 = vector.shape_cast %broadcast_in_dim3A_484 : vector<16xf32> to vector<1x16xf32>
    tpu.vector_store %arg8[%swap3A_750, %swap3A_751], %swap3A_754 {strides = array<i32>} : memref<24x16xf32, #tpu.memory_space<vmem>>, vector<1x16xf32>,
    %swap3A_755 = arith.constant 5 : i32
    %swap3A_756 = arith.index_cast %swap3A_755 : i32 to index
    %swap3A_757 = arith.index_cast %mul3A_483 : i32 to index
    %swap3A_758 = tpu.vector_load %arg9[%swap3A_756, %swap3A_757] {strides = array<i32>} : memref<24x16xf32, #tpu.memory_space<vmem>>, vector<1x16xf32>,
    %swap3A_759 = vector.shape_cast %swap3A_758 : vector<1x16xf32> to vector<16xf32>
    %swap3A_760 = vector.shape_cast %broadcast_in_dim3A_484 : vector<16xf32> to vector<1x16xf32>
    tpu.vector_store %arg9[%swap3A_756, %swap3A_757], %swap3A_760 {strides = array<i32>} : memref<24x16xf32, #tpu.memory_space<vmem>>, vector<1x16xf32>,
    %get3A_761 = arith.constant 6 : i32
    %get3A_762 = arith.index_cast %get3A_761 : i32 to index
    %get3A_763 = arith.index_cast %mul3A_483 : i32 to index
    %get3A_764 = tpu.vector_load %arg6[%get3A_762, %get3A_763] {strides = array<i32>} : memref<24x16xf32, #tpu.memory_space<vmem>>, vector<1x16xf32>,
    %get3A_765 = vector.shape_cast %get3A_764 : vector<1x16xf32> to vector<16xf32>
    %mul3A_766 = arith.constant 2.000000e+00 : f32
    %mul3A_767 = vector.broadcast %mul3A_766 : f32 to vector<16xf32>
    %mul3A_768 = arith.mulf %mul3A_767, %get3A_765 : vector<16xf32>
    %sub3A_769 = arith.constant 1.000000e+00 : f32
    %sub3A_770 = vector.broadcast %sub3A_769 : f32 to vector<16xf32>
    %sub3A_771 = arith.subf %sub3A_770, %mul3A_768 : vector<16xf32>
    %swap3A_772 = arith.constant 6 : i32
    %swap3A_773 = arith.index_cast %swap3A_772 : i32 to index
    %swap3A_774 = arith.index_cast %mul3A_483 : i32 to index
    %swap3A_775 = tpu.vector_load %arg6[%swap3A_773, %swap3A_774] {strides = array<i32>} : memref<24x16xf32, #tpu.memory_space<vmem>>, vector<1x16xf32>,
    %swap3A_776 = vector.shape_cast %swap3A_775 : vector<1x16xf32> to vector<16xf32>
    %swap3A_777 = vector.shape_cast %sub3A_771 : vector<16xf32> to vector<1x16xf32>
    tpu.vector_store %arg6[%swap3A_773, %swap3A_774], %swap3A_777 {strides = array<i32>} : memref<24x16xf32, #tpu.memory_space<vmem>>, vector<1x16xf32>,
    %get3A_778 = arith.constant 6 : i32
    %get3A_779 = arith.index_cast %get3A_778 : i32 to index
    %get3A_780 = arith.constant 0 : index
    %get3A_781 = tpu.vector_load %arg11[%get3A_779, %get3A_780] {strides = array<i32>} : memref<24x16xf32, #tpu.memory_space<vmem>>, vector<1x16xf32>,
    %get3A_782 = vector.shape_cast %get3A_781 : vector<1x16xf32> to vector<16xf32>
    %swap3A_783 = arith.constant 6 : i32
    %swap3A_784 = arith.index_cast %swap3A_783 : i32 to index
    %swap3A_785 = arith.index_cast %mul3A_483 : i32 to index
    %swap3A_786 = tpu.vector_load %arg10[%swap3A_784, %swap3A_785] {strides = array<i32>} : memref<24x16xf32, #tpu.memory_space<vmem>>, vector<1x16xf32>,
    %swap3A_787 = vector.shape_cast %swap3A_786 : vector<1x16xf32> to vector<16xf32>
    %swap3A_788 = vector.shape_cast %get3A_782 : vector<16xf32> to vector<1x16xf32>
    tpu.vector_store %arg10[%swap3A_784, %swap3A_785], %swap3A_788 {strides = array<i32>} : memref<24x16xf32, #tpu.memory_space<vmem>>, vector<1x16xf32>,
    %swap3A_789 = arith.constant 6 : i32
    %swap3A_790 = arith.index_cast %swap3A_789 : i32 to index
    %swap3A_791 = arith.index_cast %mul3A_483 : i32 to index
    %swap3A_792 = tpu.vector_load %arg7[%swap3A_790, %swap3A_791] {strides = array<i32>} : memref<24x16xf32, #tpu.memory_space<vmem>>, vector<1x16xf32>,
    %swap3A_793 = vector.shape_cast %swap3A_792 : vector<1x16xf32> to vector<16xf32>
    %swap3A_794 = vector.shape_cast %broadcast_in_dim3A_484 : vector<16xf32> to vector<1x16xf32>
    tpu.vector_store %arg7[%swap3A_790, %swap3A_791], %swap3A_794 {strides = array<i32>} : memref<24x16xf32, #tpu.memory_space<vmem>>, vector<1x16xf32>,
    %swap3A_795 = arith.constant 6 : i32
    %swap3A_796 = arith.index_cast %swap3A_795 : i32 to index
    %swap3A_797 = arith.index_cast %mul3A_483 : i32 to index
    %swap3A_798 = tpu.vector_load %arg8[%swap3A_796, %swap3A_797] {strides = array<i32>} : memref<24x16xf32, #tpu.memory_space<vmem>>, vector<1x16xf32>,
    %swap3A_799 = vector.shape_cast %swap3A_798 : vector<1x16xf32> to vector<16xf32>
    %swap3A_800 = vector.shape_cast %broadcast_in_dim3A_484 : vector<16xf32> to vector<1x16xf32>
    tpu.vector_store %arg8[%swap3A_796, %swap3A_797], %swap3A_800 {strides = array<i32>} : memref<24x16xf32, #tpu.memory_space<vmem>>, vector<1x16xf32>,
    %swap3A_801 = arith.constant 6 : i32
    %swap3A_802 = arith.index_cast %swap3A_801 : i32 to index
    %swap3A_803 = arith.index_cast %mul3A_483 : i32 to index
    %swap3A_804 = tpu.vector_load %arg9[%swap3A_802, %swap3A_803] {strides = array<i32>} : memref<24x16xf32, #tpu.memory_space<vmem>>, vector<1x16xf32>,
    %swap3A_805 = vector.shape_cast %swap3A_804 : vector<1x16xf32> to vector<16xf32>
    %swap3A_806 = vector.shape_cast %broadcast_in_dim3A_484 : vector<16xf32> to vector<1x16xf32>
    tpu.vector_store %arg9[%swap3A_802, %swap3A_803], %swap3A_806 {strides = array<i32>} : memref<24x16xf32, #tpu.memory_space<vmem>>, vector<1x16xf32>,
    %get3A_807 = arith.constant 7 : i32
    %get3A_808 = arith.index_cast %get3A_807 : i32 to index
    %get3A_809 = arith.index_cast %mul3A_483 : i32 to index
    %get3A_810 = tpu.vector_load %arg6[%get3A_808, %get3A_809] {strides = array<i32>} : memref<24x16xf32, #tpu.memory_space<vmem>>, vector<1x16xf32>,
    %get3A_811 = vector.shape_cast %get3A_810 : vector<1x16xf32> to vector<16xf32>
    %mul3A_812 = arith.constant 2.000000e+00 : f32
    %mul3A_813 = vector.broadcast %mul3A_812 : f32 to vector<16xf32>
    %mul3A_814 = arith.mulf %mul3A_813, %get3A_811 : vector<16xf32>
    %sub3A_815 = arith.constant 1.000000e+00 : f32
    %sub3A_816 = vector.broadcast %sub3A_815 : f32 to vector<16xf32>
    %sub3A_817 = arith.subf %sub3A_816, %mul3A_814 : vector<16xf32>
    %swap3A_818 = arith.constant 7 : i32
    %swap3A_819 = arith.index_cast %swap3A_818 : i32 to index
    %swap3A_820 = arith.index_cast %mul3A_483 : i32 to index
    %swap3A_821 = tpu.vector_load %arg6[%swap3A_819, %swap3A_820] {strides = array<i32>} : memref<24x16xf32, #tpu.memory_space<vmem>>, vector<1x16xf32>,
    %swap3A_822 = vector.shape_cast %swap3A_821 : vector<1x16xf32> to vector<16xf32>
    %swap3A_823 = vector.shape_cast %sub3A_817 : vector<16xf32> to vector<1x16xf32>
    tpu.vector_store %arg6[%swap3A_819, %swap3A_820], %swap3A_823 {strides = array<i32>} : memref<24x16xf32, #tpu.memory_space<vmem>>, vector<1x16xf32>,
    %get3A_824 = arith.constant 7 : i32
    %get3A_825 = arith.index_cast %get3A_824 : i32 to index
    %get3A_826 = arith.constant 0 : index
    %get3A_827 = tpu.vector_load %arg11[%get3A_825, %get3A_826] {strides = array<i32>} : memref<24x16xf32, #tpu.memory_space<vmem>>, vector<1x16xf32>,
    %get3A_828 = vector.shape_cast %get3A_827 : vector<1x16xf32> to vector<16xf32>
    %swap3A_829 = arith.constant 7 : i32
    %swap3A_830 = arith.index_cast %swap3A_829 : i32 to index
    %swap3A_831 = arith.index_cast %mul3A_483 : i32 to index
    %swap3A_832 = tpu.vector_load %arg10[%swap3A_830, %swap3A_831] {strides = array<i32>} : memref<24x16xf32, #tpu.memory_space<vmem>>, vector<1x16xf32>,
    %swap3A_833 = vector.shape_cast %swap3A_832 : vector<1x16xf32> to vector<16xf32>
    %swap3A_834 = vector.shape_cast %get3A_828 : vector<16xf32> to vector<1x16xf32>
    tpu.vector_store %arg10[%swap3A_830, %swap3A_831], %swap3A_834 {strides = array<i32>} : memref<24x16xf32, #tpu.memory_space<vmem>>, vector<1x16xf32>,
    %swap3A_835 = arith.constant 7 : i32
    %swap3A_836 = arith.index_cast %swap3A_835 : i32 to index
    %swap3A_837 = arith.index_cast %mul3A_483 : i32 to index
    %swap3A_838 = tpu.vector_load %arg7[%swap3A_836, %swap3A_837] {strides = array<i32>} : memref<24x16xf32, #tpu.memory_space<vmem>>, vector<1x16xf32>,
    %swap3A_839 = vector.shape_cast %swap3A_838 : vector<1x16xf32> to vector<16xf32>
    %swap3A_840 = vector.shape_cast %broadcast_in_dim3A_484 : vector<16xf32> to vector<1x16xf32>
    tpu.vector_store %arg7[%swap3A_836, %swap3A_837], %swap3A_840 {strides = array<i32>} : memref<24x16xf32, #tpu.memory_space<vmem>>, vector<1x16xf32>,
    %swap3A_841 = arith.constant 7 : i32
    %swap3A_842 = arith.index_cast %swap3A_841 : i32 to index
    %swap3A_843 = arith.index_cast %mul3A_483 : i32 to index
    %swap3A_844 = tpu.vector_load %arg8[%swap3A_842, %swap3A_843] {strides = array<i32>} : memref<24x16xf32, #tpu.memory_space<vmem>>, vector<1x16xf32>,
    %swap3A_845 = vector.shape_cast %swap3A_844 : vector<1x16xf32> to vector<16xf32>
    %swap3A_846 = vector.shape_cast %broadcast_in_dim3A_484 : vector<16xf32> to vector<1x16xf32>
    tpu.vector_store %arg8[%swap3A_842, %swap3A_843], %swap3A_846 {strides = array<i32>} : memref<24x16xf32, #tpu.memory_space<vmem>>, vector<1x16xf32>,
    %swap3A_847 = arith.constant 7 : i32
    %swap3A_848 = arith.index_cast %swap3A_847 : i32 to index
    %swap3A_849 = arith.index_cast %mul3A_483 : i32 to index
    %swap3A_850 = tpu.vector_load %arg9[%swap3A_848, %swap3A_849] {strides = array<i32>} : memref<24x16xf32, #tpu.memory_space<vmem>>, vector<1x16xf32>,
    %swap3A_851 = vector.shape_cast %swap3A_850 : vector<1x16xf32> to vector<16xf32>
    %swap3A_852 = vector.shape_cast %broadcast_in_dim3A_484 : vector<16xf32> to vector<1x16xf32>
    tpu.vector_store %arg9[%swap3A_848, %swap3A_849], %swap3A_852 {strides = array<i32>} : memref<24x16xf32, #tpu.memory_space<vmem>>, vector<1x16xf32>,
    %get3A_853 = arith.constant 8 : i32
    %get3A_854 = arith.index_cast %get3A_853 : i32 to index
    %get3A_855 = arith.index_cast %mul3A_483 : i32 to index
    %get3A_856 = tpu.vector_load %arg6[%get3A_854, %get3A_855] {strides = array<i32>} : memref<24x16xf32, #tpu.memory_space<vmem>>, vector<1x16xf32>,
    %get3A_857 = vector.shape_cast %get3A_856 : vector<1x16xf32> to vector<16xf32>
    %mul3A_858 = arith.constant 2.000000e+00 : f32
    %mul3A_859 = vector.broadcast %mul3A_858 : f32 to vector<16xf32>
    %mul3A_860 = arith.mulf %mul3A_859, %get3A_857 : vector<16xf32>
    %sub3A_861 = arith.constant 1.000000e+00 : f32
    %sub3A_862 = vector.broadcast %sub3A_861 : f32 to vector<16xf32>
    %sub3A_863 = arith.subf %sub3A_862, %mul3A_860 : vector<16xf32>
    %swap3A_864 = arith.constant 8 : i32
    %swap3A_865 = arith.index_cast %swap3A_864 : i32 to index
    %swap3A_866 = arith.index_cast %mul3A_483 : i32 to index
    %swap3A_867 = tpu.vector_load %arg6[%swap3A_865, %swap3A_866] {strides = array<i32>} : memref<24x16xf32, #tpu.memory_space<vmem>>, vector<1x16xf32>,
    %swap3A_868 = vector.shape_cast %swap3A_867 : vector<1x16xf32> to vector<16xf32>
    %swap3A_869 = vector.shape_cast %sub3A_863 : vector<16xf32> to vector<1x16xf32>
    tpu.vector_store %arg6[%swap3A_865, %swap3A_866], %swap3A_869 {strides = array<i32>} : memref<24x16xf32, #tpu.memory_space<vmem>>, vector<1x16xf32>,
    %get3A_870 = arith.constant 8 : i32
    %get3A_871 = arith.index_cast %get3A_870 : i32 to index
    %get3A_872 = arith.constant 0 : index
    %get3A_873 = tpu.vector_load %arg11[%get3A_871, %get3A_872] {strides = array<i32>} : memref<24x16xf32, #tpu.memory_space<vmem>>, vector<1x16xf32>,
    %get3A_874 = vector.shape_cast %get3A_873 : vector<1x16xf32> to vector<16xf32>
    %swap3A_875 = arith.constant 8 : i32
    %swap3A_876 = arith.index_cast %swap3A_875 : i32 to index
    %swap3A_877 = arith.index_cast %mul3A_483 : i32 to index
    %swap3A_878 = tpu.vector_load %arg10[%swap3A_876, %swap3A_877] {strides = array<i32>} : memref<24x16xf32, #tpu.memory_space<vmem>>, vector<1x16xf32>,
    %swap3A_879 = vector.shape_cast %swap3A_878 : vector<1x16xf32> to vector<16xf32>
    %swap3A_880 = vector.shape_cast %get3A_874 : vector<16xf32> to vector<1x16xf32>
    tpu.vector_store %arg10[%swap3A_876, %swap3A_877], %swap3A_880 {strides = array<i32>} : memref<24x16xf32, #tpu.memory_space<vmem>>, vector<1x16xf32>,
    %swap3A_881 = arith.constant 8 : i32
    %swap3A_882 = arith.index_cast %swap3A_881 : i32 to index
    %swap3A_883 = arith.index_cast %mul3A_483 : i32 to index
    %swap3A_884 = tpu.vector_load %arg7[%swap3A_882, %swap3A_883] {strides = array<i32>} : memref<24x16xf32, #tpu.memory_space<vmem>>, vector<1x16xf32>,
    %swap3A_885 = vector.shape_cast %swap3A_884 : vector<1x16xf32> to vector<16xf32>
    %swap3A_886 = vector.shape_cast %broadcast_in_dim3A_484 : vector<16xf32> to vector<1x16xf32>
    tpu.vector_store %arg7[%swap3A_882, %swap3A_883], %swap3A_886 {strides = array<i32>} : memref<24x16xf32, #tpu.memory_space<vmem>>, vector<1x16xf32>,
    %swap3A_887 = arith.constant 8 : i32
    %swap3A_888 = arith.index_cast %swap3A_887 : i32 to index
    %swap3A_889 = arith.index_cast %mul3A_483 : i32 to index
    %swap3A_890 = tpu.vector_load %arg8[%swap3A_888, %swap3A_889] {strides = array<i32>} : memref<24x16xf32, #tpu.memory_space<vmem>>, vector<1x16xf32>,
    %swap3A_891 = vector.shape_cast %swap3A_890 : vector<1x16xf32> to vector<16xf32>
    %swap3A_892 = vector.shape_cast %broadcast_in_dim3A_484 : vector<16xf32> to vector<1x16xf32>
    tpu.vector_store %arg8[%swap3A_888, %swap3A_889], %swap3A_892 {strides = array<i32>} : memref<24x16xf32, #tpu.memory_space<vmem>>, vector<1x16xf32>,
    %swap3A_893 = arith.constant 8 : i32
    %swap3A_894 = arith.index_cast %swap3A_893 : i32 to index
    %swap3A_895 = arith.index_cast %mul3A_483 : i32 to index
    %swap3A_896 = tpu.vector_load %arg9[%swap3A_894, %swap3A_895] {strides = array<i32>} : memref<24x16xf32, #tpu.memory_space<vmem>>, vector<1x16xf32>,
    %swap3A_897 = vector.shape_cast %swap3A_896 : vector<1x16xf32> to vector<16xf32>
    %swap3A_898 = vector.shape_cast %broadcast_in_dim3A_484 : vector<16xf32> to vector<1x16xf32>
    tpu.vector_store %arg9[%swap3A_894, %swap3A_895], %swap3A_898 {strides = array<i32>} : memref<24x16xf32, #tpu.memory_space<vmem>>, vector<1x16xf32>,
    %get3A_899 = arith.constant 9 : i32
    %get3A_900 = arith.index_cast %get3A_899 : i32 to index
    %get3A_901 = arith.index_cast %mul3A_483 : i32 to index
    %get3A_902 = tpu.vector_load %arg6[%get3A_900, %get3A_901] {strides = array<i32>} : memref<24x16xf32, #tpu.memory_space<vmem>>, vector<1x16xf32>,
    %get3A_903 = vector.shape_cast %get3A_902 : vector<1x16xf32> to vector<16xf32>
    %mul3A_904 = arith.constant 2.000000e+00 : f32
    %mul3A_905 = vector.broadcast %mul3A_904 : f32 to vector<16xf32>
    %mul3A_906 = arith.mulf %mul3A_905, %get3A_903 : vector<16xf32>
    %sub3A_907 = arith.constant 1.000000e+00 : f32
    %sub3A_908 = vector.broadcast %sub3A_907 : f32 to vector<16xf32>
    %sub3A_909 = arith.subf %sub3A_908, %mul3A_906 : vector<16xf32>
    %swap3A_910 = arith.constant 9 : i32
    %swap3A_911 = arith.index_cast %swap3A_910 : i32 to index
    %swap3A_912 = arith.index_cast %mul3A_483 : i32 to index
    %swap3A_913 = tpu.vector_load %arg6[%swap3A_911, %swap3A_912] {strides = array<i32>} : memref<24x16xf32, #tpu.memory_space<vmem>>, vector<1x16xf32>,
    %swap3A_914 = vector.shape_cast %swap3A_913 : vector<1x16xf32> to vector<16xf32>
    %swap3A_915 = vector.shape_cast %sub3A_909 : vector<16xf32> to vector<1x16xf32>
    tpu.vector_store %arg6[%swap3A_911, %swap3A_912], %swap3A_915 {strides = array<i32>} : memref<24x16xf32, #tpu.memory_space<vmem>>, vector<1x16xf32>,
    %get3A_916 = arith.constant 9 : i32
    %get3A_917 = arith.index_cast %get3A_916 : i32 to index
    %get3A_918 = arith.constant 0 : index
    %get3A_919 = tpu.vector_load %arg11[%get3A_917, %get3A_918] {strides = array<i32>} : memref<24x16xf32, #tpu.memory_space<vmem>>, vector<1x16xf32>,
    %get3A_920 = vector.shape_cast %get3A_919 : vector<1x16xf32> to vector<16xf32>
    %swap3A_921 = arith.constant 9 : i32
    %swap3A_922 = arith.index_cast %swap3A_921 : i32 to index
    %swap3A_923 = arith.index_cast %mul3A_483 : i32 to index
    %swap3A_924 = tpu.vector_load %arg10[%swap3A_922, %swap3A_923] {strides = array<i32>} : memref<24x16xf32, #tpu.memory_space<vmem>>, vector<1x16xf32>,
    %swap3A_925 = vector.shape_cast %swap3A_924 : vector<1x16xf32> to vector<16xf32>
    %swap3A_926 = vector.shape_cast %get3A_920 : vector<16xf32> to vector<1x16xf32>
    tpu.vector_store %arg10[%swap3A_922, %swap3A_923], %swap3A_926 {strides = array<i32>} : memref<24x16xf32, #tpu.memory_space<vmem>>, vector<1x16xf32>,
    %swap3A_927 = arith.constant 9 : i32
    %swap3A_928 = arith.index_cast %swap3A_927 : i32 to index
    %swap3A_929 = arith.index_cast %mul3A_483 : i32 to index
    %swap3A_930 = tpu.vector_load %arg7[%swap3A_928, %swap3A_929] {strides = array<i32>} : memref<24x16xf32, #tpu.memory_space<vmem>>, vector<1x16xf32>,
    %swap3A_931 = vector.shape_cast %swap3A_930 : vector<1x16xf32> to vector<16xf32>
    %swap3A_932 = vector.shape_cast %broadcast_in_dim3A_484 : vector<16xf32> to vector<1x16xf32>
    tpu.vector_store %arg7[%swap3A_928, %swap3A_929], %swap3A_932 {strides = array<i32>} : memref<24x16xf32, #tpu.memory_space<vmem>>, vector<1x16xf32>,
    %swap3A_933 = arith.constant 9 : i32
    %swap3A_934 = arith.index_cast %swap3A_933 : i32 to index
    %swap3A_935 = arith.index_cast %mul3A_483 : i32 to index
    %swap3A_936 = tpu.vector_load %arg8[%swap3A_934, %swap3A_935] {strides = array<i32>} : memref<24x16xf32, #tpu.memory_space<vmem>>, vector<1x16xf32>,
    %swap3A_937 = vector.shape_cast %swap3A_936 : vector<1x16xf32> to vector<16xf32>
    %swap3A_938 = vector.shape_cast %broadcast_in_dim3A_484 : vector<16xf32> to vector<1x16xf32>
    tpu.vector_store %arg8[%swap3A_934, %swap3A_935], %swap3A_938 {strides = array<i32>} : memref<24x16xf32, #tpu.memory_space<vmem>>, vector<1x16xf32>,
    %swap3A_939 = arith.constant 9 : i32
    %swap3A_940 = arith.index_cast %swap3A_939 : i32 to index
    %swap3A_941 = arith.index_cast %mul3A_483 : i32 to index
    %swap3A_942 = tpu.vector_load %arg9[%swap3A_940, %swap3A_941] {strides = array<i32>} : memref<24x16xf32, #tpu.memory_space<vmem>>, vector<1x16xf32>,
    %swap3A_943 = vector.shape_cast %swap3A_942 : vector<1x16xf32> to vector<16xf32>
    %swap3A_944 = vector.shape_cast %broadcast_in_dim3A_484 : vector<16xf32> to vector<1x16xf32>
    tpu.vector_store %arg9[%swap3A_940, %swap3A_941], %swap3A_944 {strides = array<i32>} : memref<24x16xf32, #tpu.memory_space<vmem>>, vector<1x16xf32>,
    %get3A_945 = arith.constant 10 : i32
    %get3A_946 = arith.index_cast %get3A_945 : i32 to index
    %get3A_947 = arith.index_cast %mul3A_483 : i32 to index
    %get3A_948 = tpu.vector_load %arg6[%get3A_946, %get3A_947] {strides = array<i32>} : memref<24x16xf32, #tpu.memory_space<vmem>>, vector<1x16xf32>,
    %get3A_949 = vector.shape_cast %get3A_948 : vector<1x16xf32> to vector<16xf32>
    %mul3A_950 = arith.constant 2.000000e+00 : f32
    %mul3A_951 = vector.broadcast %mul3A_950 : f32 to vector<16xf32>
    %mul3A_952 = arith.mulf %mul3A_951, %get3A_949 : vector<16xf32>
    %sub3A_953 = arith.constant 1.000000e+00 : f32
    %sub3A_954 = vector.broadcast %sub3A_953 : f32 to vector<16xf32>
    %sub3A_955 = arith.subf %sub3A_954, %mul3A_952 : vector<16xf32>
    %swap3A_956 = arith.constant 10 : i32
    %swap3A_957 = arith.index_cast %swap3A_956 : i32 to index
    %swap3A_958 = arith.index_cast %mul3A_483 : i32 to index
    %swap3A_959 = tpu.vector_load %arg6[%swap3A_957, %swap3A_958] {strides = array<i32>} : memref<24x16xf32, #tpu.memory_space<vmem>>, vector<1x16xf32>,
    %swap3A_960 = vector.shape_cast %swap3A_959 : vector<1x16xf32> to vector<16xf32>
    %swap3A_961 = vector.shape_cast %sub3A_955 : vector<16xf32> to vector<1x16xf32>
    tpu.vector_store %arg6[%swap3A_957, %swap3A_958], %swap3A_961 {strides = array<i32>} : memref<24x16xf32, #tpu.memory_space<vmem>>, vector<1x16xf32>,
    %get3A_962 = arith.constant 10 : i32
    %get3A_963 = arith.index_cast %get3A_962 : i32 to index
    %get3A_964 = arith.constant 0 : index
    %get3A_965 = tpu.vector_load %arg11[%get3A_963, %get3A_964] {strides = array<i32>} : memref<24x16xf32, #tpu.memory_space<vmem>>, vector<1x16xf32>,
    %get3A_966 = vector.shape_cast %get3A_965 : vector<1x16xf32> to vector<16xf32>
    %swap3A_967 = arith.constant 10 : i32
    %swap3A_968 = arith.index_cast %swap3A_967 : i32 to index
    %swap3A_969 = arith.index_cast %mul3A_483 : i32 to index
    %swap3A_970 = tpu.vector_load %arg10[%swap3A_968, %swap3A_969] {strides = array<i32>} : memref<24x16xf32, #tpu.memory_space<vmem>>, vector<1x16xf32>,
    %swap3A_971 = vector.shape_cast %swap3A_970 : vector<1x16xf32> to vector<16xf32>
    %swap3A_972 = vector.shape_cast %get3A_966 : vector<16xf32> to vector<1x16xf32>
    tpu.vector_store %arg10[%swap3A_968, %swap3A_969], %swap3A_972 {strides = array<i32>} : memref<24x16xf32, #tpu.memory_space<vmem>>, vector<1x16xf32>,
    %swap3A_973 = arith.constant 10 : i32
    %swap3A_974 = arith.index_cast %swap3A_973 : i32 to index
    %swap3A_975 = arith.index_cast %mul3A_483 : i32 to index
    %swap3A_976 = tpu.vector_load %arg7[%swap3A_974, %swap3A_975] {strides = array<i32>} : memref<24x16xf32, #tpu.memory_space<vmem>>, vector<1x16xf32>,
    %swap3A_977 = vector.shape_cast %swap3A_976 : vector<1x16xf32> to vector<16xf32>
    %swap3A_978 = vector.shape_cast %broadcast_in_dim3A_484 : vector<16xf32> to vector<1x16xf32>
    tpu.vector_store %arg7[%swap3A_974, %swap3A_975], %swap3A_978 {strides = array<i32>} : memref<24x16xf32, #tpu.memory_space<vmem>>, vector<1x16xf32>,
    %swap3A_979 = arith.constant 10 : i32
    %swap3A_980 = arith.index_cast %swap3A_979 : i32 to index
    %swap3A_981 = arith.index_cast %mul3A_483 : i32 to index
    %swap3A_982 = tpu.vector_load %arg8[%swap3A_980, %swap3A_981] {strides = array<i32>} : memref<24x16xf32, #tpu.memory_space<vmem>>, vector<1x16xf32>,
    %swap3A_983 = vector.shape_cast %swap3A_982 : vector<1x16xf32> to vector<16xf32>
    %swap3A_984 = vector.shape_cast %broadcast_in_dim3A_484 : vector<16xf32> to vector<1x16xf32>
    tpu.vector_store %arg8[%swap3A_980, %swap3A_981], %swap3A_984 {strides = array<i32>} : memref<24x16xf32, #tpu.memory_space<vmem>>, vector<1x16xf32>,
    %swap3A_985 = arith.constant 10 : i32
    %swap3A_986 = arith.index_cast %swap3A_985 : i32 to index
    %swap3A_987 = arith.index_cast %mul3A_483 : i32 to index
    %swap3A_988 = tpu.vector_load %arg9[%swap3A_986, %swap3A_987] {strides = array<i32>} : memref<24x16xf32, #tpu.memory_space<vmem>>, vector<1x16xf32>,
    %swap3A_989 = vector.shape_cast %swap3A_988 : vector<1x16xf32> to vector<16xf32>
    %swap3A_990 = vector.shape_cast %broadcast_in_dim3A_484 : vector<16xf32> to vector<1x16xf32>
    tpu.vector_store %arg9[%swap3A_986, %swap3A_987], %swap3A_990 {strides = array<i32>} : memref<24x16xf32, #tpu.memory_space<vmem>>, vector<1x16xf32>,
    %get3A_991 = arith.constant 11 : i32
    %get3A_992 = arith.index_cast %get3A_991 : i32 to index
    %get3A_993 = arith.index_cast %mul3A_483 : i32 to index
    %get3A_994 = tpu.vector_load %arg6[%get3A_992, %get3A_993] {strides = array<i32>} : memref<24x16xf32, #tpu.memory_space<vmem>>, vector<1x16xf32>,
    %get3A_995 = vector.shape_cast %get3A_994 : vector<1x16xf32> to vector<16xf32>
    %mul3A_996 = arith.constant 2.000000e+00 : f32
    %mul3A_997 = vector.broadcast %mul3A_996 : f32 to vector<16xf32>
    %mul3A_998 = arith.mulf %mul3A_997, %get3A_995 : vector<16xf32>
    %sub3A_999 = arith.constant 1.000000e+00 : f32
    %sub3A_1000 = vector.broadcast %sub3A_999 : f32 to vector<16xf32>
    %sub3A_1001 = arith.subf %sub3A_1000, %mul3A_998 : vector<16xf32>
    %swap3A_1002 = arith.constant 11 : i32
    %swap3A_1003 = arith.index_cast %swap3A_1002 : i32 to index
    %swap3A_1004 = arith.index_cast %mul3A_483 : i32 to index
    %swap3A_1005 = tpu.vector_load %arg6[%swap3A_1003, %swap3A_1004] {strides = array<i32>} : memref<24x16xf32, #tpu.memory_space<vmem>>, vector<1x16xf32>,
    %swap3A_1006 = vector.shape_cast %swap3A_1005 : vector<1x16xf32> to vector<16xf32>
    %swap3A_1007 = vector.shape_cast %sub3A_1001 : vector<16xf32> to vector<1x16xf32>
    tpu.vector_store %arg6[%swap3A_1003, %swap3A_1004], %swap3A_1007 {strides = array<i32>} : memref<24x16xf32, #tpu.memory_space<vmem>>, vector<1x16xf32>,
    %get3A_1008 = arith.constant 11 : i32
    %get3A_1009 = arith.index_cast %get3A_1008 : i32 to index
    %get3A_1010 = arith.constant 0 : index
    %get3A_1011 = tpu.vector_load %arg11[%get3A_1009, %get3A_1010] {strides = array<i32>} : memref<24x16xf32, #tpu.memory_space<vmem>>, vector<1x16xf32>,
    %get3A_1012 = vector.shape_cast %get3A_1011 : vector<1x16xf32> to vector<16xf32>
    %swap3A_1013 = arith.constant 11 : i32
    %swap3A_1014 = arith.index_cast %swap3A_1013 : i32 to index
    %swap3A_1015 = arith.index_cast %mul3A_483 : i32 to index
    %swap3A_1016 = tpu.vector_load %arg10[%swap3A_1014, %swap3A_1015] {strides = array<i32>} : memref<24x16xf32, #tpu.memory_space<vmem>>, vector<1x16xf32>,
    %swap3A_1017 = vector.shape_cast %swap3A_1016 : vector<1x16xf32> to vector<16xf32>
    %swap3A_1018 = vector.shape_cast %get3A_1012 : vector<16xf32> to vector<1x16xf32>
    tpu.vector_store %arg10[%swap3A_1014, %swap3A_1015], %swap3A_1018 {strides = array<i32>} : memref<24x16xf32, #tpu.memory_space<vmem>>, vector<1x16xf32>,
    %swap3A_1019 = arith.constant 11 : i32
    %swap3A_1020 = arith.index_cast %swap3A_1019 : i32 to index
    %swap3A_1021 = arith.index_cast %mul3A_483 : i32 to index
    %swap3A_1022 = tpu.vector_load %arg7[%swap3A_1020, %swap3A_1021] {strides = array<i32>} : memref<24x16xf32, #tpu.memory_space<vmem>>, vector<1x16xf32>,
    %swap3A_1023 = vector.shape_cast %swap3A_1022 : vector<1x16xf32> to vector<16xf32>
    %swap3A_1024 = vector.shape_cast %broadcast_in_dim3A_484 : vector<16xf32> to vector<1x16xf32>
    tpu.vector_store %arg7[%swap3A_1020, %swap3A_1021], %swap3A_1024 {strides = array<i32>} : memref<24x16xf32, #tpu.memory_space<vmem>>, vector<1x16xf32>,
    %swap3A_1025 = arith.constant 11 : i32
    %swap3A_1026 = arith.index_cast %swap3A_1025 : i32 to index
    %swap3A_1027 = arith.index_cast %mul3A_483 : i32 to index
    %swap3A_1028 = tpu.vector_load %arg8[%swap3A_1026, %swap3A_1027] {strides = array<i32>} : memref<24x16xf32, #tpu.memory_space<vmem>>, vector<1x16xf32>,
    %swap3A_1029 = vector.shape_cast %swap3A_1028 : vector<1x16xf32> to vector<16xf32>
    %swap3A_1030 = vector.shape_cast %broadcast_in_dim3A_484 : vector<16xf32> to vector<1x16xf32>
    tpu.vector_store %arg8[%swap3A_1026, %swap3A_1027], %swap3A_1030 {strides = array<i32>} : memref<24x16xf32, #tpu.memory_space<vmem>>, vector<1x16xf32>,
    %swap3A_1031 = arith.constant 11 : i32
    %swap3A_1032 = arith.index_cast %swap3A_1031 : i32 to index
    %swap3A_1033 = arith.index_cast %mul3A_483 : i32 to index
    %swap3A_1034 = tpu.vector_load %arg9[%swap3A_1032, %swap3A_1033] {strides = array<i32>} : memref<24x16xf32, #tpu.memory_space<vmem>>, vector<1x16xf32>,
    %swap3A_1035 = vector.shape_cast %swap3A_1034 : vector<1x16xf32> to vector<16xf32>
    %swap3A_1036 = vector.shape_cast %broadcast_in_dim3A_484 : vector<16xf32> to vector<1x16xf32>
    tpu.vector_store %arg9[%swap3A_1032, %swap3A_1033], %swap3A_1036 {strides = array<i32>} : memref<24x16xf32, #tpu.memory_space<vmem>>, vector<1x16xf32>,
    %get3A_1037 = arith.constant 12 : i32
    %get3A_1038 = arith.index_cast %get3A_1037 : i32 to index
    %get3A_1039 = arith.index_cast %mul3A_483 : i32 to index
    %get3A_1040 = tpu.vector_load %arg6[%get3A_1038, %get3A_1039] {strides = array<i32>} : memref<24x16xf32, #tpu.memory_space<vmem>>, vector<1x16xf32>,
    %get3A_1041 = vector.shape_cast %get3A_1040 : vector<1x16xf32> to vector<16xf32>
    %mul3A_1042 = arith.constant 2.000000e+00 : f32
    %mul3A_1043 = vector.broadcast %mul3A_1042 : f32 to vector<16xf32>
    %mul3A_1044 = arith.mulf %mul3A_1043, %get3A_1041 : vector<16xf32>
    %sub3A_1045 = arith.constant 1.000000e+00 : f32
    %sub3A_1046 = vector.broadcast %sub3A_1045 : f32 to vector<16xf32>
    %sub3A_1047 = arith.subf %sub3A_1046, %mul3A_1044 : vector<16xf32>
    %swap3A_1048 = arith.constant 12 : i32
    %swap3A_1049 = arith.index_cast %swap3A_1048 : i32 to index
    %swap3A_1050 = arith.index_cast %mul3A_483 : i32 to index
    %swap3A_1051 = tpu.vector_load %arg6[%swap3A_1049, %swap3A_1050] {strides = array<i32>} : memref<24x16xf32, #tpu.memory_space<vmem>>, vector<1x16xf32>,
    %swap3A_1052 = vector.shape_cast %swap3A_1051 : vector<1x16xf32> to vector<16xf32>
    %swap3A_1053 = vector.shape_cast %sub3A_1047 : vector<16xf32> to vector<1x16xf32>
    tpu.vector_store %arg6[%swap3A_1049, %swap3A_1050], %swap3A_1053 {strides = array<i32>} : memref<24x16xf32, #tpu.memory_space<vmem>>, vector<1x16xf32>,
    %get3A_1054 = arith.constant 12 : i32
    %get3A_1055 = arith.index_cast %get3A_1054 : i32 to index
    %get3A_1056 = arith.constant 0 : index
    %get3A_1057 = tpu.vector_load %arg11[%get3A_1055, %get3A_1056] {strides = array<i32>} : memref<24x16xf32, #tpu.memory_space<vmem>>, vector<1x16xf32>,
    %get3A_1058 = vector.shape_cast %get3A_1057 : vector<1x16xf32> to vector<16xf32>
    %swap3A_1059 = arith.constant 12 : i32
    %swap3A_1060 = arith.index_cast %swap3A_1059 : i32 to index
    %swap3A_1061 = arith.index_cast %mul3A_483 : i32 to index
    %swap3A_1062 = tpu.vector_load %arg10[%swap3A_1060, %swap3A_1061] {strides = array<i32>} : memref<24x16xf32, #tpu.memory_space<vmem>>, vector<1x16xf32>,
    %swap3A_1063 = vector.shape_cast %swap3A_1062 : vector<1x16xf32> to vector<16xf32>
    %swap3A_1064 = vector.shape_cast %get3A_1058 : vector<16xf32> to vector<1x16xf32>
    tpu.vector_store %arg10[%swap3A_1060, %swap3A_1061], %swap3A_1064 {strides = array<i32>} : memref<24x16xf32, #tpu.memory_space<vmem>>, vector<1x16xf32>,
    %swap3A_1065 = arith.constant 12 : i32
    %swap3A_1066 = arith.index_cast %swap3A_1065 : i32 to index
    %swap3A_1067 = arith.index_cast %mul3A_483 : i32 to index
    %swap3A_1068 = tpu.vector_load %arg7[%swap3A_1066, %swap3A_1067] {strides = array<i32>} : memref<24x16xf32, #tpu.memory_space<vmem>>, vector<1x16xf32>,
    %swap3A_1069 = vector.shape_cast %swap3A_1068 : vector<1x16xf32> to vector<16xf32>
    %swap3A_1070 = vector.shape_cast %broadcast_in_dim3A_484 : vector<16xf32> to vector<1x16xf32>
    tpu.vector_store %arg7[%swap3A_1066, %swap3A_1067], %swap3A_1070 {strides = array<i32>} : memref<24x16xf32, #tpu.memory_space<vmem>>, vector<1x16xf32>,
    %swap3A_1071 = arith.constant 12 : i32
    %swap3A_1072 = arith.index_cast %swap3A_1071 : i32 to index
    %swap3A_1073 = arith.index_cast %mul3A_483 : i32 to index
    %swap3A_1074 = tpu.vector_load %arg8[%swap3A_1072, %swap3A_1073] {strides = array<i32>} : memref<24x16xf32, #tpu.memory_space<vmem>>, vector<1x16xf32>,
    %swap3A_1075 = vector.shape_cast %swap3A_1074 : vector<1x16xf32> to vector<16xf32>
    %swap3A_1076 = vector.shape_cast %broadcast_in_dim3A_484 : vector<16xf32> to vector<1x16xf32>
    tpu.vector_store %arg8[%swap3A_1072, %swap3A_1073], %swap3A_1076 {strides = array<i32>} : memref<24x16xf32, #tpu.memory_space<vmem>>, vector<1x16xf32>,
    %swap3A_1077 = arith.constant 12 : i32
    %swap3A_1078 = arith.index_cast %swap3A_1077 : i32 to index
    %swap3A_1079 = arith.index_cast %mul3A_483 : i32 to index
    %swap3A_1080 = tpu.vector_load %arg9[%swap3A_1078, %swap3A_1079] {strides = array<i32>} : memref<24x16xf32, #tpu.memory_space<vmem>>, vector<1x16xf32>,
    %swap3A_1081 = vector.shape_cast %swap3A_1080 : vector<1x16xf32> to vector<16xf32>
    %swap3A_1082 = vector.shape_cast %broadcast_in_dim3A_484 : vector<16xf32> to vector<1x16xf32>
    tpu.vector_store %arg9[%swap3A_1078, %swap3A_1079], %swap3A_1082 {strides = array<i32>} : memref<24x16xf32, #tpu.memory_space<vmem>>, vector<1x16xf32>,
    %get3A_1083 = arith.constant 13 : i32
    %get3A_1084 = arith.index_cast %get3A_1083 : i32 to index
    %get3A_1085 = arith.index_cast %mul3A_483 : i32 to index
    %get3A_1086 = tpu.vector_load %arg6[%get3A_1084, %get3A_1085] {strides = array<i32>} : memref<24x16xf32, #tpu.memory_space<vmem>>, vector<1x16xf32>,
    %get3A_1087 = vector.shape_cast %get3A_1086 : vector<1x16xf32> to vector<16xf32>
    %mul3A_1088 = arith.constant 2.000000e+00 : f32
    %mul3A_1089 = vector.broadcast %mul3A_1088 : f32 to vector<16xf32>
    %mul3A_1090 = arith.mulf %mul3A_1089, %get3A_1087 : vector<16xf32>
    %sub3A_1091 = arith.constant 1.000000e+00 : f32
    %sub3A_1092 = vector.broadcast %sub3A_1091 : f32 to vector<16xf32>
    %sub3A_1093 = arith.subf %sub3A_1092, %mul3A_1090 : vector<16xf32>
    %swap3A_1094 = arith.constant 13 : i32
    %swap3A_1095 = arith.index_cast %swap3A_1094 : i32 to index
    %swap3A_1096 = arith.index_cast %mul3A_483 : i32 to index
    %swap3A_1097 = tpu.vector_load %arg6[%swap3A_1095, %swap3A_1096] {strides = array<i32>} : memref<24x16xf32, #tpu.memory_space<vmem>>, vector<1x16xf32>,
    %swap3A_1098 = vector.shape_cast %swap3A_1097 : vector<1x16xf32> to vector<16xf32>
    %swap3A_1099 = vector.shape_cast %sub3A_1093 : vector<16xf32> to vector<1x16xf32>
    tpu.vector_store %arg6[%swap3A_1095, %swap3A_1096], %swap3A_1099 {strides = array<i32>} : memref<24x16xf32, #tpu.memory_space<vmem>>, vector<1x16xf32>,
    %get3A_1100 = arith.constant 13 : i32
    %get3A_1101 = arith.index_cast %get3A_1100 : i32 to index
    %get3A_1102 = arith.constant 0 : index
    %get3A_1103 = tpu.vector_load %arg11[%get3A_1101, %get3A_1102] {strides = array<i32>} : memref<24x16xf32, #tpu.memory_space<vmem>>, vector<1x16xf32>,
    %get3A_1104 = vector.shape_cast %get3A_1103 : vector<1x16xf32> to vector<16xf32>
    %swap3A_1105 = arith.constant 13 : i32
    %swap3A_1106 = arith.index_cast %swap3A_1105 : i32 to index
    %swap3A_1107 = arith.index_cast %mul3A_483 : i32 to index
    %swap3A_1108 = tpu.vector_load %arg10[%swap3A_1106, %swap3A_1107] {strides = array<i32>} : memref<24x16xf32, #tpu.memory_space<vmem>>, vector<1x16xf32>,
    %swap3A_1109 = vector.shape_cast %swap3A_1108 : vector<1x16xf32> to vector<16xf32>
    %swap3A_1110 = vector.shape_cast %get3A_1104 : vector<16xf32> to vector<1x16xf32>
    tpu.vector_store %arg10[%swap3A_1106, %swap3A_1107], %swap3A_1110 {strides = array<i32>} : memref<24x16xf32, #tpu.memory_space<vmem>>, vector<1x16xf32>,
    %swap3A_1111 = arith.constant 13 : i32
    %swap3A_1112 = arith.index_cast %swap3A_1111 : i32 to index
    %swap3A_1113 = arith.index_cast %mul3A_483 : i32 to index
    %swap3A_1114 = tpu.vector_load %arg7[%swap3A_1112, %swap3A_1113] {strides = array<i32>} : memref<24x16xf32, #tpu.memory_space<vmem>>, vector<1x16xf32>,
    %swap3A_1115 = vector.shape_cast %swap3A_1114 : vector<1x16xf32> to vector<16xf32>
    %swap3A_1116 = vector.shape_cast %broadcast_in_dim3A_484 : vector<16xf32> to vector<1x16xf32>
    tpu.vector_store %arg7[%swap3A_1112, %swap3A_1113], %swap3A_1116 {strides = array<i32>} : memref<24x16xf32, #tpu.memory_space<vmem>>, vector<1x16xf32>,
    %swap3A_1117 = arith.constant 13 : i32
    %swap3A_1118 = arith.index_cast %swap3A_1117 : i32 to index
    %swap3A_1119 = arith.index_cast %mul3A_483 : i32 to index
    %swap3A_1120 = tpu.vector_load %arg8[%swap3A_1118, %swap3A_1119] {strides = array<i32>} : memref<24x16xf32, #tpu.memory_space<vmem>>, vector<1x16xf32>,
    %swap3A_1121 = vector.shape_cast %swap3A_1120 : vector<1x16xf32> to vector<16xf32>
    %swap3A_1122 = vector.shape_cast %broadcast_in_dim3A_484 : vector<16xf32> to vector<1x16xf32>
    tpu.vector_store %arg8[%swap3A_1118, %swap3A_1119], %swap3A_1122 {strides = array<i32>} : memref<24x16xf32, #tpu.memory_space<vmem>>, vector<1x16xf32>,
    %swap3A_1123 = arith.constant 13 : i32
    %swap3A_1124 = arith.index_cast %swap3A_1123 : i32 to index
    %swap3A_1125 = arith.index_cast %mul3A_483 : i32 to index
    %swap3A_1126 = tpu.vector_load %arg9[%swap3A_1124, %swap3A_1125] {strides = array<i32>} : memref<24x16xf32, #tpu.memory_space<vmem>>, vector<1x16xf32>,
    %swap3A_1127 = vector.shape_cast %swap3A_1126 : vector<1x16xf32> to vector<16xf32>
    %swap3A_1128 = vector.shape_cast %broadcast_in_dim3A_484 : vector<16xf32> to vector<1x16xf32>
    tpu.vector_store %arg9[%swap3A_1124, %swap3A_1125], %swap3A_1128 {strides = array<i32>} : memref<24x16xf32, #tpu.memory_space<vmem>>, vector<1x16xf32>,
    %get3A_1129 = arith.constant 14 : i32
    %get3A_1130 = arith.index_cast %get3A_1129 : i32 to index
    %get3A_1131 = arith.index_cast %mul3A_483 : i32 to index
    %get3A_1132 = tpu.vector_load %arg6[%get3A_1130, %get3A_1131] {strides = array<i32>} : memref<24x16xf32, #tpu.memory_space<vmem>>, vector<1x16xf32>,
    %get3A_1133 = vector.shape_cast %get3A_1132 : vector<1x16xf32> to vector<16xf32>
    %mul3A_1134 = arith.constant 2.000000e+00 : f32
    %mul3A_1135 = vector.broadcast %mul3A_1134 : f32 to vector<16xf32>
    %mul3A_1136 = arith.mulf %mul3A_1135, %get3A_1133 : vector<16xf32>
    %sub3A_1137 = arith.constant 1.000000e+00 : f32
    %sub3A_1138 = vector.broadcast %sub3A_1137 : f32 to vector<16xf32>
    %sub3A_1139 = arith.subf %sub3A_1138, %mul3A_1136 : vector<16xf32>
    %swap3A_1140 = arith.constant 14 : i32
    %swap3A_1141 = arith.index_cast %swap3A_1140 : i32 to index
    %swap3A_1142 = arith.index_cast %mul3A_483 : i32 to index
    %swap3A_1143 = tpu.vector_load %arg6[%swap3A_1141, %swap3A_1142] {strides = array<i32>} : memref<24x16xf32, #tpu.memory_space<vmem>>, vector<1x16xf32>,
    %swap3A_1144 = vector.shape_cast %swap3A_1143 : vector<1x16xf32> to vector<16xf32>
    %swap3A_1145 = vector.shape_cast %sub3A_1139 : vector<16xf32> to vector<1x16xf32>
    tpu.vector_store %arg6[%swap3A_1141, %swap3A_1142], %swap3A_1145 {strides = array<i32>} : memref<24x16xf32, #tpu.memory_space<vmem>>, vector<1x16xf32>,
    %get3A_1146 = arith.constant 14 : i32
    %get3A_1147 = arith.index_cast %get3A_1146 : i32 to index
    %get3A_1148 = arith.constant 0 : index
    %get3A_1149 = tpu.vector_load %arg11[%get3A_1147, %get3A_1148] {strides = array<i32>} : memref<24x16xf32, #tpu.memory_space<vmem>>, vector<1x16xf32>,
    %get3A_1150 = vector.shape_cast %get3A_1149 : vector<1x16xf32> to vector<16xf32>
    %swap3A_1151 = arith.constant 14 : i32
    %swap3A_1152 = arith.index_cast %swap3A_1151 : i32 to index
    %swap3A_1153 = arith.index_cast %mul3A_483 : i32 to index
    %swap3A_1154 = tpu.vector_load %arg10[%swap3A_1152, %swap3A_1153] {strides = array<i32>} : memref<24x16xf32, #tpu.memory_space<vmem>>, vector<1x16xf32>,
    %swap3A_1155 = vector.shape_cast %swap3A_1154 : vector<1x16xf32> to vector<16xf32>
    %swap3A_1156 = vector.shape_cast %get3A_1150 : vector<16xf32> to vector<1x16xf32>
    tpu.vector_store %arg10[%swap3A_1152, %swap3A_1153], %swap3A_1156 {strides = array<i32>} : memref<24x16xf32, #tpu.memory_space<vmem>>, vector<1x16xf32>,
    %swap3A_1157 = arith.constant 14 : i32
    %swap3A_1158 = arith.index_cast %swap3A_1157 : i32 to index
    %swap3A_1159 = arith.index_cast %mul3A_483 : i32 to index
    %swap3A_1160 = tpu.vector_load %arg7[%swap3A_1158, %swap3A_1159] {strides = array<i32>} : memref<24x16xf32, #tpu.memory_space<vmem>>, vector<1x16xf32>,
    %swap3A_1161 = vector.shape_cast %swap3A_1160 : vector<1x16xf32> to vector<16xf32>
    %swap3A_1162 = vector.shape_cast %broadcast_in_dim3A_484 : vector<16xf32> to vector<1x16xf32>
    tpu.vector_store %arg7[%swap3A_1158, %swap3A_1159], %swap3A_1162 {strides = array<i32>} : memref<24x16xf32, #tpu.memory_space<vmem>>, vector<1x16xf32>,
    %swap3A_1163 = arith.constant 14 : i32
    %swap3A_1164 = arith.index_cast %swap3A_1163 : i32 to index
    %swap3A_1165 = arith.index_cast %mul3A_483 : i32 to index
    %swap3A_1166 = tpu.vector_load %arg8[%swap3A_1164, %swap3A_1165] {strides = array<i32>} : memref<24x16xf32, #tpu.memory_space<vmem>>, vector<1x16xf32>,
    %swap3A_1167 = vector.shape_cast %swap3A_1166 : vector<1x16xf32> to vector<16xf32>
    %swap3A_1168 = vector.shape_cast %broadcast_in_dim3A_484 : vector<16xf32> to vector<1x16xf32>
    tpu.vector_store %arg8[%swap3A_1164, %swap3A_1165], %swap3A_1168 {strides = array<i32>} : memref<24x16xf32, #tpu.memory_space<vmem>>, vector<1x16xf32>,
    %swap3A_1169 = arith.constant 14 : i32
    %swap3A_1170 = arith.index_cast %swap3A_1169 : i32 to index
    %swap3A_1171 = arith.index_cast %mul3A_483 : i32 to index
    %swap3A_1172 = tpu.vector_load %arg9[%swap3A_1170, %swap3A_1171] {strides = array<i32>} : memref<24x16xf32, #tpu.memory_space<vmem>>, vector<1x16xf32>,
    %swap3A_1173 = vector.shape_cast %swap3A_1172 : vector<1x16xf32> to vector<16xf32>
    %swap3A_1174 = vector.shape_cast %broadcast_in_dim3A_484 : vector<16xf32> to vector<1x16xf32>
    tpu.vector_store %arg9[%swap3A_1170, %swap3A_1171], %swap3A_1174 {strides = array<i32>} : memref<24x16xf32, #tpu.memory_space<vmem>>, vector<1x16xf32>,
    %get3A_1175 = arith.constant 15 : i32
    %get3A_1176 = arith.index_cast %get3A_1175 : i32 to index
    %get3A_1177 = arith.index_cast %mul3A_483 : i32 to index
    %get3A_1178 = tpu.vector_load %arg6[%get3A_1176, %get3A_1177] {strides = array<i32>} : memref<24x16xf32, #tpu.memory_space<vmem>>, vector<1x16xf32>,
    %get3A_1179 = vector.shape_cast %get3A_1178 : vector<1x16xf32> to vector<16xf32>
    %mul3A_1180 = arith.constant 2.000000e+00 : f32
    %mul3A_1181 = vector.broadcast %mul3A_1180 : f32 to vector<16xf32>
    %mul3A_1182 = arith.mulf %mul3A_1181, %get3A_1179 : vector<16xf32>
    %sub3A_1183 = arith.constant 1.000000e+00 : f32
    %sub3A_1184 = vector.broadcast %sub3A_1183 : f32 to vector<16xf32>
    %sub3A_1185 = arith.subf %sub3A_1184, %mul3A_1182 : vector<16xf32>
    %swap3A_1186 = arith.constant 15 : i32
    %swap3A_1187 = arith.index_cast %swap3A_1186 : i32 to index
    %swap3A_1188 = arith.index_cast %mul3A_483 : i32 to index
    %swap3A_1189 = tpu.vector_load %arg6[%swap3A_1187, %swap3A_1188] {strides = array<i32>} : memref<24x16xf32, #tpu.memory_space<vmem>>, vector<1x16xf32>,
    %swap3A_1190 = vector.shape_cast %swap3A_1189 : vector<1x16xf32> to vector<16xf32>
    %swap3A_1191 = vector.shape_cast %sub3A_1185 : vector<16xf32> to vector<1x16xf32>
    tpu.vector_store %arg6[%swap3A_1187, %swap3A_1188], %swap3A_1191 {strides = array<i32>} : memref<24x16xf32, #tpu.memory_space<vmem>>, vector<1x16xf32>,
    %get3A_1192 = arith.constant 15 : i32
    %get3A_1193 = arith.index_cast %get3A_1192 : i32 to index
    %get3A_1194 = arith.constant 0 : index
    %get3A_1195 = tpu.vector_load %arg11[%get3A_1193, %get3A_1194] {strides = array<i32>} : memref<24x16xf32, #tpu.memory_space<vmem>>, vector<1x16xf32>,
    %get3A_1196 = vector.shape_cast %get3A_1195 : vector<1x16xf32> to vector<16xf32>
    %swap3A_1197 = arith.constant 15 : i32
    %swap3A_1198 = arith.index_cast %swap3A_1197 : i32 to index
    %swap3A_1199 = arith.index_cast %mul3A_483 : i32 to index
    %swap3A_1200 = tpu.vector_load %arg10[%swap3A_1198, %swap3A_1199] {strides = array<i32>} : memref<24x16xf32, #tpu.memory_space<vmem>>, vector<1x16xf32>,
    %swap3A_1201 = vector.shape_cast %swap3A_1200 : vector<1x16xf32> to vector<16xf32>
    %swap3A_1202 = vector.shape_cast %get3A_1196 : vector<16xf32> to vector<1x16xf32>
    tpu.vector_store %arg10[%swap3A_1198, %swap3A_1199], %swap3A_1202 {strides = array<i32>} : memref<24x16xf32, #tpu.memory_space<vmem>>, vector<1x16xf32>,
    %swap3A_1203 = arith.constant 15 : i32
    %swap3A_1204 = arith.index_cast %swap3A_1203 : i32 to index
    %swap3A_1205 = arith.index_cast %mul3A_483 : i32 to index
    %swap3A_1206 = tpu.vector_load %arg7[%swap3A_1204, %swap3A_1205] {strides = array<i32>} : memref<24x16xf32, #tpu.memory_space<vmem>>, vector<1x16xf32>,
    %swap3A_1207 = vector.shape_cast %swap3A_1206 : vector<1x16xf32> to vector<16xf32>
    %swap3A_1208 = vector.shape_cast %broadcast_in_dim3A_484 : vector<16xf32> to vector<1x16xf32>
    tpu.vector_store %arg7[%swap3A_1204, %swap3A_1205], %swap3A_1208 {strides = array<i32>} : memref<24x16xf32, #tpu.memory_space<vmem>>, vector<1x16xf32>,
    %swap3A_1209 = arith.constant 15 : i32
    %swap3A_1210 = arith.index_cast %swap3A_1209 : i32 to index
    %swap3A_1211 = arith.index_cast %mul3A_483 : i32 to index
    %swap3A_1212 = tpu.vector_load %arg8[%swap3A_1210, %swap3A_1211] {strides = array<i32>} : memref<24x16xf32, #tpu.memory_space<vmem>>, vector<1x16xf32>,
    %swap3A_1213 = vector.shape_cast %swap3A_1212 : vector<1x16xf32> to vector<16xf32>
    %swap3A_1214 = vector.shape_cast %broadcast_in_dim3A_484 : vector<16xf32> to vector<1x16xf32>
    tpu.vector_store %arg8[%swap3A_1210, %swap3A_1211], %swap3A_1214 {strides = array<i32>} : memref<24x16xf32, #tpu.memory_space<vmem>>, vector<1x16xf32>,
    %swap3A_1215 = arith.constant 15 : i32
    %swap3A_1216 = arith.index_cast %swap3A_1215 : i32 to index
    %swap3A_1217 = arith.index_cast %mul3A_483 : i32 to index
    %swap3A_1218 = tpu.vector_load %arg9[%swap3A_1216, %swap3A_1217] {strides = array<i32>} : memref<24x16xf32, #tpu.memory_space<vmem>>, vector<1x16xf32>,
    %swap3A_1219 = vector.shape_cast %swap3A_1218 : vector<1x16xf32> to vector<16xf32>
    %swap3A_1220 = vector.shape_cast %broadcast_in_dim3A_484 : vector<16xf32> to vector<1x16xf32>
    tpu.vector_store %arg9[%swap3A_1216, %swap3A_1217], %swap3A_1220 {strides = array<i32>} : memref<24x16xf32, #tpu.memory_space<vmem>>, vector<1x16xf32>,
    %get3A_1221 = arith.constant 16 : i32
    %get3A_1222 = arith.index_cast %get3A_1221 : i32 to index
    %get3A_1223 = arith.index_cast %mul3A_483 : i32 to index
    %get3A_1224 = tpu.vector_load %arg6[%get3A_1222, %get3A_1223] {strides = array<i32>} : memref<24x16xf32, #tpu.memory_space<vmem>>, vector<1x16xf32>,
    %get3A_1225 = vector.shape_cast %get3A_1224 : vector<1x16xf32> to vector<16xf32>
    %mul3A_1226 = arith.constant 2.000000e+00 : f32
    %mul3A_1227 = vector.broadcast %mul3A_1226 : f32 to vector<16xf32>
    %mul3A_1228 = arith.mulf %mul3A_1227, %get3A_1225 : vector<16xf32>
    %sub3A_1229 = arith.constant 1.000000e+00 : f32
    %sub3A_1230 = vector.broadcast %sub3A_1229 : f32 to vector<16xf32>
    %sub3A_1231 = arith.subf %sub3A_1230, %mul3A_1228 : vector<16xf32>
    %swap3A_1232 = arith.constant 16 : i32
    %swap3A_1233 = arith.index_cast %swap3A_1232 : i32 to index
    %swap3A_1234 = arith.index_cast %mul3A_483 : i32 to index
    %swap3A_1235 = tpu.vector_load %arg6[%swap3A_1233, %swap3A_1234] {strides = array<i32>} : memref<24x16xf32, #tpu.memory_space<vmem>>, vector<1x16xf32>,
    %swap3A_1236 = vector.shape_cast %swap3A_1235 : vector<1x16xf32> to vector<16xf32>
    %swap3A_1237 = vector.shape_cast %sub3A_1231 : vector<16xf32> to vector<1x16xf32>
    tpu.vector_store %arg6[%swap3A_1233, %swap3A_1234], %swap3A_1237 {strides = array<i32>} : memref<24x16xf32, #tpu.memory_space<vmem>>, vector<1x16xf32>,
    %get3A_1238 = arith.constant 16 : i32
    %get3A_1239 = arith.index_cast %get3A_1238 : i32 to index
    %get3A_1240 = arith.constant 0 : index
    %get3A_1241 = tpu.vector_load %arg11[%get3A_1239, %get3A_1240] {strides = array<i32>} : memref<24x16xf32, #tpu.memory_space<vmem>>, vector<1x16xf32>,
    %get3A_1242 = vector.shape_cast %get3A_1241 : vector<1x16xf32> to vector<16xf32>
    %swap3A_1243 = arith.constant 16 : i32
    %swap3A_1244 = arith.index_cast %swap3A_1243 : i32 to index
    %swap3A_1245 = arith.index_cast %mul3A_483 : i32 to index
    %swap3A_1246 = tpu.vector_load %arg10[%swap3A_1244, %swap3A_1245] {strides = array<i32>} : memref<24x16xf32, #tpu.memory_space<vmem>>, vector<1x16xf32>,
    %swap3A_1247 = vector.shape_cast %swap3A_1246 : vector<1x16xf32> to vector<16xf32>
    %swap3A_1248 = vector.shape_cast %get3A_1242 : vector<16xf32> to vector<1x16xf32>
    tpu.vector_store %arg10[%swap3A_1244, %swap3A_1245], %swap3A_1248 {strides = array<i32>} : memref<24x16xf32, #tpu.memory_space<vmem>>, vector<1x16xf32>,
    %swap3A_1249 = arith.constant 16 : i32
    %swap3A_1250 = arith.index_cast %swap3A_1249 : i32 to index
    %swap3A_1251 = arith.index_cast %mul3A_483 : i32 to index
    %swap3A_1252 = tpu.vector_load %arg7[%swap3A_1250, %swap3A_1251] {strides = array<i32>} : memref<24x16xf32, #tpu.memory_space<vmem>>, vector<1x16xf32>,
    %swap3A_1253 = vector.shape_cast %swap3A_1252 : vector<1x16xf32> to vector<16xf32>
    %swap3A_1254 = vector.shape_cast %broadcast_in_dim3A_484 : vector<16xf32> to vector<1x16xf32>
    tpu.vector_store %arg7[%swap3A_1250, %swap3A_1251], %swap3A_1254 {strides = array<i32>} : memref<24x16xf32, #tpu.memory_space<vmem>>, vector<1x16xf32>,
    %swap3A_1255 = arith.constant 16 : i32
    %swap3A_1256 = arith.index_cast %swap3A_1255 : i32 to index
    %swap3A_1257 = arith.index_cast %mul3A_483 : i32 to index
    %swap3A_1258 = tpu.vector_load %arg8[%swap3A_1256, %swap3A_1257] {strides = array<i32>} : memref<24x16xf32, #tpu.memory_space<vmem>>, vector<1x16xf32>,
    %swap3A_1259 = vector.shape_cast %swap3A_1258 : vector<1x16xf32> to vector<16xf32>
    %swap3A_1260 = vector.shape_cast %broadcast_in_dim3A_484 : vector<16xf32> to vector<1x16xf32>
    tpu.vector_store %arg8[%swap3A_1256, %swap3A_1257], %swap3A_1260 {strides = array<i32>} : memref<24x16xf32, #tpu.memory_space<vmem>>, vector<1x16xf32>,
    %swap3A_1261 = arith.constant 16 : i32
    %swap3A_1262 = arith.index_cast %swap3A_1261 : i32 to index
    %swap3A_1263 = arith.index_cast %mul3A_483 : i32 to index
    %swap3A_1264 = tpu.vector_load %arg9[%swap3A_1262, %swap3A_1263] {strides = array<i32>} : memref<24x16xf32, #tpu.memory_space<vmem>>, vector<1x16xf32>,
    %swap3A_1265 = vector.shape_cast %swap3A_1264 : vector<1x16xf32> to vector<16xf32>
    %swap3A_1266 = vector.shape_cast %broadcast_in_dim3A_484 : vector<16xf32> to vector<1x16xf32>
    tpu.vector_store %arg9[%swap3A_1262, %swap3A_1263], %swap3A_1266 {strides = array<i32>} : memref<24x16xf32, #tpu.memory_space<vmem>>, vector<1x16xf32>,
    %get3A_1267 = arith.constant 17 : i32
    %get3A_1268 = arith.index_cast %get3A_1267 : i32 to index
    %get3A_1269 = arith.index_cast %mul3A_483 : i32 to index
    %get3A_1270 = tpu.vector_load %arg6[%get3A_1268, %get3A_1269] {strides = array<i32>} : memref<24x16xf32, #tpu.memory_space<vmem>>, vector<1x16xf32>,
    %get3A_1271 = vector.shape_cast %get3A_1270 : vector<1x16xf32> to vector<16xf32>
    %mul3A_1272 = arith.constant 2.000000e+00 : f32
    %mul3A_1273 = vector.broadcast %mul3A_1272 : f32 to vector<16xf32>
    %mul3A_1274 = arith.mulf %mul3A_1273, %get3A_1271 : vector<16xf32>
    %sub3A_1275 = arith.constant 1.000000e+00 : f32
    %sub3A_1276 = vector.broadcast %sub3A_1275 : f32 to vector<16xf32>
    %sub3A_1277 = arith.subf %sub3A_1276, %mul3A_1274 : vector<16xf32>
    %swap3A_1278 = arith.constant 17 : i32
    %swap3A_1279 = arith.index_cast %swap3A_1278 : i32 to index
    %swap3A_1280 = arith.index_cast %mul3A_483 : i32 to index
    %swap3A_1281 = tpu.vector_load %arg6[%swap3A_1279, %swap3A_1280] {strides = array<i32>} : memref<24x16xf32, #tpu.memory_space<vmem>>, vector<1x16xf32>,
    %swap3A_1282 = vector.shape_cast %swap3A_1281 : vector<1x16xf32> to vector<16xf32>
    %swap3A_1283 = vector.shape_cast %sub3A_1277 : vector<16xf32> to vector<1x16xf32>
    tpu.vector_store %arg6[%swap3A_1279, %swap3A_1280], %swap3A_1283 {strides = array<i32>} : memref<24x16xf32, #tpu.memory_space<vmem>>, vector<1x16xf32>,
    %get3A_1284 = arith.constant 17 : i32
    %get3A_1285 = arith.index_cast %get3A_1284 : i32 to index
    %get3A_1286 = arith.constant 0 : index
    %get3A_1287 = tpu.vector_load %arg11[%get3A_1285, %get3A_1286] {strides = array<i32>} : memref<24x16xf32, #tpu.memory_space<vmem>>, vector<1x16xf32>,
    %get3A_1288 = vector.shape_cast %get3A_1287 : vector<1x16xf32> to vector<16xf32>
    %swap3A_1289 = arith.constant 17 : i32
    %swap3A_1290 = arith.index_cast %swap3A_1289 : i32 to index
    %swap3A_1291 = arith.index_cast %mul3A_483 : i32 to index
    %swap3A_1292 = tpu.vector_load %arg10[%swap3A_1290, %swap3A_1291] {strides = array<i32>} : memref<24x16xf32, #tpu.memory_space<vmem>>, vector<1x16xf32>,
    %swap3A_1293 = vector.shape_cast %swap3A_1292 : vector<1x16xf32> to vector<16xf32>
    %swap3A_1294 = vector.shape_cast %get3A_1288 : vector<16xf32> to vector<1x16xf32>
    tpu.vector_store %arg10[%swap3A_1290, %swap3A_1291], %swap3A_1294 {strides = array<i32>} : memref<24x16xf32, #tpu.memory_space<vmem>>, vector<1x16xf32>,
    %swap3A_1295 = arith.constant 17 : i32
    %swap3A_1296 = arith.index_cast %swap3A_1295 : i32 to index
    %swap3A_1297 = arith.index_cast %mul3A_483 : i32 to index
    %swap3A_1298 = tpu.vector_load %arg7[%swap3A_1296, %swap3A_1297] {strides = array<i32>} : memref<24x16xf32, #tpu.memory_space<vmem>>, vector<1x16xf32>,
    %swap3A_1299 = vector.shape_cast %swap3A_1298 : vector<1x16xf32> to vector<16xf32>
    %swap3A_1300 = vector.shape_cast %broadcast_in_dim3A_484 : vector<16xf32> to vector<1x16xf32>
    tpu.vector_store %arg7[%swap3A_1296, %swap3A_1297], %swap3A_1300 {strides = array<i32>} : memref<24x16xf32, #tpu.memory_space<vmem>>, vector<1x16xf32>,
    %swap3A_1301 = arith.constant 17 : i32
    %swap3A_1302 = arith.index_cast %swap3A_1301 : i32 to index
    %swap3A_1303 = arith.index_cast %mul3A_483 : i32 to index
    %swap3A_1304 = tpu.vector_load %arg8[%swap3A_1302, %swap3A_1303] {strides = array<i32>} : memref<24x16xf32, #tpu.memory_space<vmem>>, vector<1x16xf32>,
    %swap3A_1305 = vector.shape_cast %swap3A_1304 : vector<1x16xf32> to vector<16xf32>
    %swap3A_1306 = vector.shape_cast %broadcast_in_dim3A_484 : vector<16xf32> to vector<1x16xf32>
    tpu.vector_store %arg8[%swap3A_1302, %swap3A_1303], %swap3A_1306 {strides = array<i32>} : memref<24x16xf32, #tpu.memory_space<vmem>>, vector<1x16xf32>,
    %swap3A_1307 = arith.constant 17 : i32
    %swap3A_1308 = arith.index_cast %swap3A_1307 : i32 to index
    %swap3A_1309 = arith.index_cast %mul3A_483 : i32 to index
    %swap3A_1310 = tpu.vector_load %arg9[%swap3A_1308, %swap3A_1309] {strides = array<i32>} : memref<24x16xf32, #tpu.memory_space<vmem>>, vector<1x16xf32>,
    %swap3A_1311 = vector.shape_cast %swap3A_1310 : vector<1x16xf32> to vector<16xf32>
    %swap3A_1312 = vector.shape_cast %broadcast_in_dim3A_484 : vector<16xf32> to vector<1x16xf32>
    tpu.vector_store %arg9[%swap3A_1308, %swap3A_1309], %swap3A_1312 {strides = array<i32>} : memref<24x16xf32, #tpu.memory_space<vmem>>, vector<1x16xf32>,
    %get3A_1313 = arith.constant 18 : i32
    %get3A_1314 = arith.index_cast %get3A_1313 : i32 to index
    %get3A_1315 = arith.index_cast %mul3A_483 : i32 to index
    %get3A_1316 = tpu.vector_load %arg6[%get3A_1314, %get3A_1315] {strides = array<i32>} : memref<24x16xf32, #tpu.memory_space<vmem>>, vector<1x16xf32>,
    %get3A_1317 = vector.shape_cast %get3A_1316 : vector<1x16xf32> to vector<16xf32>
    %mul3A_1318 = arith.constant 2.000000e+00 : f32
    %mul3A_1319 = vector.broadcast %mul3A_1318 : f32 to vector<16xf32>
    %mul3A_1320 = arith.mulf %mul3A_1319, %get3A_1317 : vector<16xf32>
    %sub3A_1321 = arith.constant 1.000000e+00 : f32
    %sub3A_1322 = vector.broadcast %sub3A_1321 : f32 to vector<16xf32>
    %sub3A_1323 = arith.subf %sub3A_1322, %mul3A_1320 : vector<16xf32>
    %swap3A_1324 = arith.constant 18 : i32
    %swap3A_1325 = arith.index_cast %swap3A_1324 : i32 to index
    %swap3A_1326 = arith.index_cast %mul3A_483 : i32 to index
    %swap3A_1327 = tpu.vector_load %arg6[%swap3A_1325, %swap3A_1326] {strides = array<i32>} : memref<24x16xf32, #tpu.memory_space<vmem>>, vector<1x16xf32>,
    %swap3A_1328 = vector.shape_cast %swap3A_1327 : vector<1x16xf32> to vector<16xf32>
    %swap3A_1329 = vector.shape_cast %sub3A_1323 : vector<16xf32> to vector<1x16xf32>
    tpu.vector_store %arg6[%swap3A_1325, %swap3A_1326], %swap3A_1329 {strides = array<i32>} : memref<24x16xf32, #tpu.memory_space<vmem>>, vector<1x16xf32>,
    %get3A_1330 = arith.constant 18 : i32
    %get3A_1331 = arith.index_cast %get3A_1330 : i32 to index
    %get3A_1332 = arith.constant 0 : index
    %get3A_1333 = tpu.vector_load %arg11[%get3A_1331, %get3A_1332] {strides = array<i32>} : memref<24x16xf32, #tpu.memory_space<vmem>>, vector<1x16xf32>,
    %get3A_1334 = vector.shape_cast %get3A_1333 : vector<1x16xf32> to vector<16xf32>
    %swap3A_1335 = arith.constant 18 : i32
    %swap3A_1336 = arith.index_cast %swap3A_1335 : i32 to index
    %swap3A_1337 = arith.index_cast %mul3A_483 : i32 to index
    %swap3A_1338 = tpu.vector_load %arg10[%swap3A_1336, %swap3A_1337] {strides = array<i32>} : memref<24x16xf32, #tpu.memory_space<vmem>>, vector<1x16xf32>,
    %swap3A_1339 = vector.shape_cast %swap3A_1338 : vector<1x16xf32> to vector<16xf32>
    %swap3A_1340 = vector.shape_cast %get3A_1334 : vector<16xf32> to vector<1x16xf32>
    tpu.vector_store %arg10[%swap3A_1336, %swap3A_1337], %swap3A_1340 {strides = array<i32>} : memref<24x16xf32, #tpu.memory_space<vmem>>, vector<1x16xf32>,
    %swap3A_1341 = arith.constant 18 : i32
    %swap3A_1342 = arith.index_cast %swap3A_1341 : i32 to index
    %swap3A_1343 = arith.index_cast %mul3A_483 : i32 to index
    %swap3A_1344 = tpu.vector_load %arg7[%swap3A_1342, %swap3A_1343] {strides = array<i32>} : memref<24x16xf32, #tpu.memory_space<vmem>>, vector<1x16xf32>,
    %swap3A_1345 = vector.shape_cast %swap3A_1344 : vector<1x16xf32> to vector<16xf32>
    %swap3A_1346 = vector.shape_cast %broadcast_in_dim3A_484 : vector<16xf32> to vector<1x16xf32>
    tpu.vector_store %arg7[%swap3A_1342, %swap3A_1343], %swap3A_1346 {strides = array<i32>} : memref<24x16xf32, #tpu.memory_space<vmem>>, vector<1x16xf32>,
    %swap3A_1347 = arith.constant 18 : i32
    %swap3A_1348 = arith.index_cast %swap3A_1347 : i32 to index
    %swap3A_1349 = arith.index_cast %mul3A_483 : i32 to index
    %swap3A_1350 = tpu.vector_load %arg8[%swap3A_1348, %swap3A_1349] {strides = array<i32>} : memref<24x16xf32, #tpu.memory_space<vmem>>, vector<1x16xf32>,
    %swap3A_1351 = vector.shape_cast %swap3A_1350 : vector<1x16xf32> to vector<16xf32>
    %swap3A_1352 = vector.shape_cast %broadcast_in_dim3A_484 : vector<16xf32> to vector<1x16xf32>
    tpu.vector_store %arg8[%swap3A_1348, %swap3A_1349], %swap3A_1352 {strides = array<i32>} : memref<24x16xf32, #tpu.memory_space<vmem>>, vector<1x16xf32>,
    %swap3A_1353 = arith.constant 18 : i32
    %swap3A_1354 = arith.index_cast %swap3A_1353 : i32 to index
    %swap3A_1355 = arith.index_cast %mul3A_483 : i32 to index
    %swap3A_1356 = tpu.vector_load %arg9[%swap3A_1354, %swap3A_1355] {strides = array<i32>} : memref<24x16xf32, #tpu.memory_space<vmem>>, vector<1x16xf32>,
    %swap3A_1357 = vector.shape_cast %swap3A_1356 : vector<1x16xf32> to vector<16xf32>
    %swap3A_1358 = vector.shape_cast %broadcast_in_dim3A_484 : vector<16xf32> to vector<1x16xf32>
    tpu.vector_store %arg9[%swap3A_1354, %swap3A_1355], %swap3A_1358 {strides = array<i32>} : memref<24x16xf32, #tpu.memory_space<vmem>>, vector<1x16xf32>,
    %get3A_1359 = arith.constant 19 : i32
    %get3A_1360 = arith.index_cast %get3A_1359 : i32 to index
    %get3A_1361 = arith.index_cast %mul3A_483 : i32 to index
    %get3A_1362 = tpu.vector_load %arg6[%get3A_1360, %get3A_1361] {strides = array<i32>} : memref<24x16xf32, #tpu.memory_space<vmem>>, vector<1x16xf32>,
    %get3A_1363 = vector.shape_cast %get3A_1362 : vector<1x16xf32> to vector<16xf32>
    %mul3A_1364 = arith.constant 2.000000e+00 : f32
    %mul3A_1365 = vector.broadcast %mul3A_1364 : f32 to vector<16xf32>
    %mul3A_1366 = arith.mulf %mul3A_1365, %get3A_1363 : vector<16xf32>
    %sub3A_1367 = arith.constant 1.000000e+00 : f32
    %sub3A_1368 = vector.broadcast %sub3A_1367 : f32 to vector<16xf32>
    %sub3A_1369 = arith.subf %sub3A_1368, %mul3A_1366 : vector<16xf32>
    %swap3A_1370 = arith.constant 19 : i32
    %swap3A_1371 = arith.index_cast %swap3A_1370 : i32 to index
    %swap3A_1372 = arith.index_cast %mul3A_483 : i32 to index
    %swap3A_1373 = tpu.vector_load %arg6[%swap3A_1371, %swap3A_1372] {strides = array<i32>} : memref<24x16xf32, #tpu.memory_space<vmem>>, vector<1x16xf32>,
    %swap3A_1374 = vector.shape_cast %swap3A_1373 : vector<1x16xf32> to vector<16xf32>
    %swap3A_1375 = vector.shape_cast %sub3A_1369 : vector<16xf32> to vector<1x16xf32>
    tpu.vector_store %arg6[%swap3A_1371, %swap3A_1372], %swap3A_1375 {strides = array<i32>} : memref<24x16xf32, #tpu.memory_space<vmem>>, vector<1x16xf32>,
    %get3A_1376 = arith.constant 19 : i32
    %get3A_1377 = arith.index_cast %get3A_1376 : i32 to index
    %get3A_1378 = arith.constant 0 : index
    %get3A_1379 = tpu.vector_load %arg11[%get3A_1377, %get3A_1378] {strides = array<i32>} : memref<24x16xf32, #tpu.memory_space<vmem>>, vector<1x16xf32>,
    %get3A_1380 = vector.shape_cast %get3A_1379 : vector<1x16xf32> to vector<16xf32>
    %swap3A_1381 = arith.constant 19 : i32
    %swap3A_1382 = arith.index_cast %swap3A_1381 : i32 to index
    %swap3A_1383 = arith.index_cast %mul3A_483 : i32 to index
    %swap3A_1384 = tpu.vector_load %arg10[%swap3A_1382, %swap3A_1383] {strides = array<i32>} : memref<24x16xf32, #tpu.memory_space<vmem>>, vector<1x16xf32>,
    %swap3A_1385 = vector.shape_cast %swap3A_1384 : vector<1x16xf32> to vector<16xf32>
    %swap3A_1386 = vector.shape_cast %get3A_1380 : vector<16xf32> to vector<1x16xf32>
    tpu.vector_store %arg10[%swap3A_1382, %swap3A_1383], %swap3A_1386 {strides = array<i32>} : memref<24x16xf32, #tpu.memory_space<vmem>>, vector<1x16xf32>,
    %swap3A_1387 = arith.constant 19 : i32
    %swap3A_1388 = arith.index_cast %swap3A_1387 : i32 to index
    %swap3A_1389 = arith.index_cast %mul3A_483 : i32 to index
    %swap3A_1390 = tpu.vector_load %arg7[%swap3A_1388, %swap3A_1389] {strides = array<i32>} : memref<24x16xf32, #tpu.memory_space<vmem>>, vector<1x16xf32>,
    %swap3A_1391 = vector.shape_cast %swap3A_1390 : vector<1x16xf32> to vector<16xf32>
    %swap3A_1392 = vector.shape_cast %broadcast_in_dim3A_484 : vector<16xf32> to vector<1x16xf32>
    tpu.vector_store %arg7[%swap3A_1388, %swap3A_1389], %swap3A_1392 {strides = array<i32>} : memref<24x16xf32, #tpu.memory_space<vmem>>, vector<1x16xf32>,
    %swap3A_1393 = arith.constant 19 : i32
    %swap3A_1394 = arith.index_cast %swap3A_1393 : i32 to index
    %swap3A_1395 = arith.index_cast %mul3A_483 : i32 to index
    %swap3A_1396 = tpu.vector_load %arg8[%swap3A_1394, %swap3A_1395] {strides = array<i32>} : memref<24x16xf32, #tpu.memory_space<vmem>>, vector<1x16xf32>,
    %swap3A_1397 = vector.shape_cast %swap3A_1396 : vector<1x16xf32> to vector<16xf32>
    %swap3A_1398 = vector.shape_cast %broadcast_in_dim3A_484 : vector<16xf32> to vector<1x16xf32>
    tpu.vector_store %arg8[%swap3A_1394, %swap3A_1395], %swap3A_1398 {strides = array<i32>} : memref<24x16xf32, #tpu.memory_space<vmem>>, vector<1x16xf32>,
    %swap3A_1399 = arith.constant 19 : i32
    %swap3A_1400 = arith.index_cast %swap3A_1399 : i32 to index
    %swap3A_1401 = arith.index_cast %mul3A_483 : i32 to index
    %swap3A_1402 = tpu.vector_load %arg9[%swap3A_1400, %swap3A_1401] {strides = array<i32>} : memref<24x16xf32, #tpu.memory_space<vmem>>, vector<1x16xf32>,
    %swap3A_1403 = vector.shape_cast %swap3A_1402 : vector<1x16xf32> to vector<16xf32>
    %swap3A_1404 = vector.shape_cast %broadcast_in_dim3A_484 : vector<16xf32> to vector<1x16xf32>
    tpu.vector_store %arg9[%swap3A_1400, %swap3A_1401], %swap3A_1404 {strides = array<i32>} : memref<24x16xf32, #tpu.memory_space<vmem>>, vector<1x16xf32>,
    %get3A_1405 = arith.constant 20 : i32
    %get3A_1406 = arith.index_cast %get3A_1405 : i32 to index
    %get3A_1407 = arith.index_cast %mul3A_483 : i32 to index
    %get3A_1408 = tpu.vector_load %arg6[%get3A_1406, %get3A_1407] {strides = array<i32>} : memref<24x16xf32, #tpu.memory_space<vmem>>, vector<1x16xf32>,
    %get3A_1409 = vector.shape_cast %get3A_1408 : vector<1x16xf32> to vector<16xf32>
    %mul3A_1410 = arith.constant 2.000000e+00 : f32
    %mul3A_1411 = vector.broadcast %mul3A_1410 : f32 to vector<16xf32>
    %mul3A_1412 = arith.mulf %mul3A_1411, %get3A_1409 : vector<16xf32>
    %sub3A_1413 = arith.constant 1.000000e+00 : f32
    %sub3A_1414 = vector.broadcast %sub3A_1413 : f32 to vector<16xf32>
    %sub3A_1415 = arith.subf %sub3A_1414, %mul3A_1412 : vector<16xf32>
    %swap3A_1416 = arith.constant 20 : i32
    %swap3A_1417 = arith.index_cast %swap3A_1416 : i32 to index
    %swap3A_1418 = arith.index_cast %mul3A_483 : i32 to index
    %swap3A_1419 = tpu.vector_load %arg6[%swap3A_1417, %swap3A_1418] {strides = array<i32>} : memref<24x16xf32, #tpu.memory_space<vmem>>, vector<1x16xf32>,
    %swap3A_1420 = vector.shape_cast %swap3A_1419 : vector<1x16xf32> to vector<16xf32>
    %swap3A_1421 = vector.shape_cast %sub3A_1415 : vector<16xf32> to vector<1x16xf32>
    tpu.vector_store %arg6[%swap3A_1417, %swap3A_1418], %swap3A_1421 {strides = array<i32>} : memref<24x16xf32, #tpu.memory_space<vmem>>, vector<1x16xf32>,
    %get3A_1422 = arith.constant 20 : i32
    %get3A_1423 = arith.index_cast %get3A_1422 : i32 to index
    %get3A_1424 = arith.constant 0 : index
    %get3A_1425 = tpu.vector_load %arg11[%get3A_1423, %get3A_1424] {strides = array<i32>} : memref<24x16xf32, #tpu.memory_space<vmem>>, vector<1x16xf32>,
    %get3A_1426 = vector.shape_cast %get3A_1425 : vector<1x16xf32> to vector<16xf32>
    %swap3A_1427 = arith.constant 20 : i32
    %swap3A_1428 = arith.index_cast %swap3A_1427 : i32 to index
    %swap3A_1429 = arith.index_cast %mul3A_483 : i32 to index
    %swap3A_1430 = tpu.vector_load %arg10[%swap3A_1428, %swap3A_1429] {strides = array<i32>} : memref<24x16xf32, #tpu.memory_space<vmem>>, vector<1x16xf32>,
    %swap3A_1431 = vector.shape_cast %swap3A_1430 : vector<1x16xf32> to vector<16xf32>
    %swap3A_1432 = vector.shape_cast %get3A_1426 : vector<16xf32> to vector<1x16xf32>
    tpu.vector_store %arg10[%swap3A_1428, %swap3A_1429], %swap3A_1432 {strides = array<i32>} : memref<24x16xf32, #tpu.memory_space<vmem>>, vector<1x16xf32>,
    %swap3A_1433 = arith.constant 20 : i32
    %swap3A_1434 = arith.index_cast %swap3A_1433 : i32 to index
    %swap3A_1435 = arith.index_cast %mul3A_483 : i32 to index
    %swap3A_1436 = tpu.vector_load %arg7[%swap3A_1434, %swap3A_1435] {strides = array<i32>} : memref<24x16xf32, #tpu.memory_space<vmem>>, vector<1x16xf32>,
    %swap3A_1437 = vector.shape_cast %swap3A_1436 : vector<1x16xf32> to vector<16xf32>
    %swap3A_1438 = vector.shape_cast %broadcast_in_dim3A_484 : vector<16xf32> to vector<1x16xf32>
    tpu.vector_store %arg7[%swap3A_1434, %swap3A_1435], %swap3A_1438 {strides = array<i32>} : memref<24x16xf32, #tpu.memory_space<vmem>>, vector<1x16xf32>,
    %swap3A_1439 = arith.constant 20 : i32
    %swap3A_1440 = arith.index_cast %swap3A_1439 : i32 to index
    %swap3A_1441 = arith.index_cast %mul3A_483 : i32 to index
    %swap3A_1442 = tpu.vector_load %arg8[%swap3A_1440, %swap3A_1441] {strides = array<i32>} : memref<24x16xf32, #tpu.memory_space<vmem>>, vector<1x16xf32>,
    %swap3A_1443 = vector.shape_cast %swap3A_1442 : vector<1x16xf32> to vector<16xf32>
    %swap3A_1444 = vector.shape_cast %broadcast_in_dim3A_484 : vector<16xf32> to vector<1x16xf32>
    tpu.vector_store %arg8[%swap3A_1440, %swap3A_1441], %swap3A_1444 {strides = array<i32>} : memref<24x16xf32, #tpu.memory_space<vmem>>, vector<1x16xf32>,
    %swap3A_1445 = arith.constant 20 : i32
    %swap3A_1446 = arith.index_cast %swap3A_1445 : i32 to index
    %swap3A_1447 = arith.index_cast %mul3A_483 : i32 to index
    %swap3A_1448 = tpu.vector_load %arg9[%swap3A_1446, %swap3A_1447] {strides = array<i32>} : memref<24x16xf32, #tpu.memory_space<vmem>>, vector<1x16xf32>,
    %swap3A_1449 = vector.shape_cast %swap3A_1448 : vector<1x16xf32> to vector<16xf32>
    %swap3A_1450 = vector.shape_cast %broadcast_in_dim3A_484 : vector<16xf32> to vector<1x16xf32>
    tpu.vector_store %arg9[%swap3A_1446, %swap3A_1447], %swap3A_1450 {strides = array<i32>} : memref<24x16xf32, #tpu.memory_space<vmem>>, vector<1x16xf32>,
    %get3A_1451 = arith.constant 21 : i32
    %get3A_1452 = arith.index_cast %get3A_1451 : i32 to index
    %get3A_1453 = arith.index_cast %mul3A_483 : i32 to index
    %get3A_1454 = tpu.vector_load %arg6[%get3A_1452, %get3A_1453] {strides = array<i32>} : memref<24x16xf32, #tpu.memory_space<vmem>>, vector<1x16xf32>,
    %get3A_1455 = vector.shape_cast %get3A_1454 : vector<1x16xf32> to vector<16xf32>
    %mul3A_1456 = arith.constant 2.000000e+00 : f32
    %mul3A_1457 = vector.broadcast %mul3A_1456 : f32 to vector<16xf32>
    %mul3A_1458 = arith.mulf %mul3A_1457, %get3A_1455 : vector<16xf32>
    %sub3A_1459 = arith.constant 1.000000e+00 : f32
    %sub3A_1460 = vector.broadcast %sub3A_1459 : f32 to vector<16xf32>
    %sub3A_1461 = arith.subf %sub3A_1460, %mul3A_1458 : vector<16xf32>
    %swap3A_1462 = arith.constant 21 : i32
    %swap3A_1463 = arith.index_cast %swap3A_1462 : i32 to index
    %swap3A_1464 = arith.index_cast %mul3A_483 : i32 to index
    %swap3A_1465 = tpu.vector_load %arg6[%swap3A_1463, %swap3A_1464] {strides = array<i32>} : memref<24x16xf32, #tpu.memory_space<vmem>>, vector<1x16xf32>,
    %swap3A_1466 = vector.shape_cast %swap3A_1465 : vector<1x16xf32> to vector<16xf32>
    %swap3A_1467 = vector.shape_cast %sub3A_1461 : vector<16xf32> to vector<1x16xf32>
    tpu.vector_store %arg6[%swap3A_1463, %swap3A_1464], %swap3A_1467 {strides = array<i32>} : memref<24x16xf32, #tpu.memory_space<vmem>>, vector<1x16xf32>,
    %get3A_1468 = arith.constant 21 : i32
    %get3A_1469 = arith.index_cast %get3A_1468 : i32 to index
    %get3A_1470 = arith.constant 0 : index
    %get3A_1471 = tpu.vector_load %arg11[%get3A_1469, %get3A_1470] {strides = array<i32>} : memref<24x16xf32, #tpu.memory_space<vmem>>, vector<1x16xf32>,
    %get3A_1472 = vector.shape_cast %get3A_1471 : vector<1x16xf32> to vector<16xf32>
    %swap3A_1473 = arith.constant 21 : i32
    %swap3A_1474 = arith.index_cast %swap3A_1473 : i32 to index
    %swap3A_1475 = arith.index_cast %mul3A_483 : i32 to index
    %swap3A_1476 = tpu.vector_load %arg10[%swap3A_1474, %swap3A_1475] {strides = array<i32>} : memref<24x16xf32, #tpu.memory_space<vmem>>, vector<1x16xf32>,
    %swap3A_1477 = vector.shape_cast %swap3A_1476 : vector<1x16xf32> to vector<16xf32>
    %swap3A_1478 = vector.shape_cast %get3A_1472 : vector<16xf32> to vector<1x16xf32>
    tpu.vector_store %arg10[%swap3A_1474, %swap3A_1475], %swap3A_1478 {strides = array<i32>} : memref<24x16xf32, #tpu.memory_space<vmem>>, vector<1x16xf32>,
    %swap3A_1479 = arith.constant 21 : i32
    %swap3A_1480 = arith.index_cast %swap3A_1479 : i32 to index
    %swap3A_1481 = arith.index_cast %mul3A_483 : i32 to index
    %swap3A_1482 = tpu.vector_load %arg7[%swap3A_1480, %swap3A_1481] {strides = array<i32>} : memref<24x16xf32, #tpu.memory_space<vmem>>, vector<1x16xf32>,
    %swap3A_1483 = vector.shape_cast %swap3A_1482 : vector<1x16xf32> to vector<16xf32>
    %swap3A_1484 = vector.shape_cast %broadcast_in_dim3A_484 : vector<16xf32> to vector<1x16xf32>
    tpu.vector_store %arg7[%swap3A_1480, %swap3A_1481], %swap3A_1484 {strides = array<i32>} : memref<24x16xf32, #tpu.memory_space<vmem>>, vector<1x16xf32>,
    %swap3A_1485 = arith.constant 21 : i32
    %swap3A_1486 = arith.index_cast %swap3A_1485 : i32 to index
    %swap3A_1487 = arith.index_cast %mul3A_483 : i32 to index
    %swap3A_1488 = tpu.vector_load %arg8[%swap3A_1486, %swap3A_1487] {strides = array<i32>} : memref<24x16xf32, #tpu.memory_space<vmem>>, vector<1x16xf32>,
    %swap3A_1489 = vector.shape_cast %swap3A_1488 : vector<1x16xf32> to vector<16xf32>
    %swap3A_1490 = vector.shape_cast %broadcast_in_dim3A_484 : vector<16xf32> to vector<1x16xf32>
    tpu.vector_store %arg8[%swap3A_1486, %swap3A_1487], %swap3A_1490 {strides = array<i32>} : memref<24x16xf32, #tpu.memory_space<vmem>>, vector<1x16xf32>,
    %swap3A_1491 = arith.constant 21 : i32
    %swap3A_1492 = arith.index_cast %swap3A_1491 : i32 to index
    %swap3A_1493 = arith.index_cast %mul3A_483 : i32 to index
    %swap3A_1494 = tpu.vector_load %arg9[%swap3A_1492, %swap3A_1493] {strides = array<i32>} : memref<24x16xf32, #tpu.memory_space<vmem>>, vector<1x16xf32>,
    %swap3A_1495 = vector.shape_cast %swap3A_1494 : vector<1x16xf32> to vector<16xf32>
    %swap3A_1496 = vector.shape_cast %broadcast_in_dim3A_484 : vector<16xf32> to vector<1x16xf32>
    tpu.vector_store %arg9[%swap3A_1492, %swap3A_1493], %swap3A_1496 {strides = array<i32>} : memref<24x16xf32, #tpu.memory_space<vmem>>, vector<1x16xf32>,
    %get3A_1497 = arith.constant 22 : i32
    %get3A_1498 = arith.index_cast %get3A_1497 : i32 to index
    %get3A_1499 = arith.index_cast %mul3A_483 : i32 to index
    %get3A_1500 = tpu.vector_load %arg6[%get3A_1498, %get3A_1499] {strides = array<i32>} : memref<24x16xf32, #tpu.memory_space<vmem>>, vector<1x16xf32>,
    %get3A_1501 = vector.shape_cast %get3A_1500 : vector<1x16xf32> to vector<16xf32>
    %mul3A_1502 = arith.constant 2.000000e+00 : f32
    %mul3A_1503 = vector.broadcast %mul3A_1502 : f32 to vector<16xf32>
    %mul3A_1504 = arith.mulf %mul3A_1503, %get3A_1501 : vector<16xf32>
    %sub3A_1505 = arith.constant 1.000000e+00 : f32
    %sub3A_1506 = vector.broadcast %sub3A_1505 : f32 to vector<16xf32>
    %sub3A_1507 = arith.subf %sub3A_1506, %mul3A_1504 : vector<16xf32>
    %swap3A_1508 = arith.constant 22 : i32
    %swap3A_1509 = arith.index_cast %swap3A_1508 : i32 to index
    %swap3A_1510 = arith.index_cast %mul3A_483 : i32 to index
    %swap3A_1511 = tpu.vector_load %arg6[%swap3A_1509, %swap3A_1510] {strides = array<i32>} : memref<24x16xf32, #tpu.memory_space<vmem>>, vector<1x16xf32>,
    %swap3A_1512 = vector.shape_cast %swap3A_1511 : vector<1x16xf32> to vector<16xf32>
    %swap3A_1513 = vector.shape_cast %sub3A_1507 : vector<16xf32> to vector<1x16xf32>
    tpu.vector_store %arg6[%swap3A_1509, %swap3A_1510], %swap3A_1513 {strides = array<i32>} : memref<24x16xf32, #tpu.memory_space<vmem>>, vector<1x16xf32>,
    %get3A_1514 = arith.constant 22 : i32
    %get3A_1515 = arith.index_cast %get3A_1514 : i32 to index
    %get3A_1516 = arith.constant 0 : index
    %get3A_1517 = tpu.vector_load %arg11[%get3A_1515, %get3A_1516] {strides = array<i32>} : memref<24x16xf32, #tpu.memory_space<vmem>>, vector<1x16xf32>,
    %get3A_1518 = vector.shape_cast %get3A_1517 : vector<1x16xf32> to vector<16xf32>
    %swap3A_1519 = arith.constant 22 : i32
    %swap3A_1520 = arith.index_cast %swap3A_1519 : i32 to index
    %swap3A_1521 = arith.index_cast %mul3A_483 : i32 to index
    %swap3A_1522 = tpu.vector_load %arg10[%swap3A_1520, %swap3A_1521] {strides = array<i32>} : memref<24x16xf32, #tpu.memory_space<vmem>>, vector<1x16xf32>,
    %swap3A_1523 = vector.shape_cast %swap3A_1522 : vector<1x16xf32> to vector<16xf32>
    %swap3A_1524 = vector.shape_cast %get3A_1518 : vector<16xf32> to vector<1x16xf32>
    tpu.vector_store %arg10[%swap3A_1520, %swap3A_1521], %swap3A_1524 {strides = array<i32>} : memref<24x16xf32, #tpu.memory_space<vmem>>, vector<1x16xf32>,
    %swap3A_1525 = arith.constant 22 : i32
    %swap3A_1526 = arith.index_cast %swap3A_1525 : i32 to index
    %swap3A_1527 = arith.index_cast %mul3A_483 : i32 to index
    %swap3A_1528 = tpu.vector_load %arg7[%swap3A_1526, %swap3A_1527] {strides = array<i32>} : memref<24x16xf32, #tpu.memory_space<vmem>>, vector<1x16xf32>,
    %swap3A_1529 = vector.shape_cast %swap3A_1528 : vector<1x16xf32> to vector<16xf32>
    %swap3A_1530 = vector.shape_cast %broadcast_in_dim3A_484 : vector<16xf32> to vector<1x16xf32>
    tpu.vector_store %arg7[%swap3A_1526, %swap3A_1527], %swap3A_1530 {strides = array<i32>} : memref<24x16xf32, #tpu.memory_space<vmem>>, vector<1x16xf32>,
    %swap3A_1531 = arith.constant 22 : i32
    %swap3A_1532 = arith.index_cast %swap3A_1531 : i32 to index
    %swap3A_1533 = arith.index_cast %mul3A_483 : i32 to index
    %swap3A_1534 = tpu.vector_load %arg8[%swap3A_1532, %swap3A_1533] {strides = array<i32>} : memref<24x16xf32, #tpu.memory_space<vmem>>, vector<1x16xf32>,
    %swap3A_1535 = vector.shape_cast %swap3A_1534 : vector<1x16xf32> to vector<16xf32>
    %swap3A_1536 = vector.shape_cast %broadcast_in_dim3A_484 : vector<16xf32> to vector<1x16xf32>
    tpu.vector_store %arg8[%swap3A_1532, %swap3A_1533], %swap3A_1536 {strides = array<i32>} : memref<24x16xf32, #tpu.memory_space<vmem>>, vector<1x16xf32>,
    %swap3A_1537 = arith.constant 22 : i32
    %swap3A_1538 = arith.index_cast %swap3A_1537 : i32 to index
    %swap3A_1539 = arith.index_cast %mul3A_483 : i32 to index
    %swap3A_1540 = tpu.vector_load %arg9[%swap3A_1538, %swap3A_1539] {strides = array<i32>} : memref<24x16xf32, #tpu.memory_space<vmem>>, vector<1x16xf32>,
    %swap3A_1541 = vector.shape_cast %swap3A_1540 : vector<1x16xf32> to vector<16xf32>
    %swap3A_1542 = vector.shape_cast %broadcast_in_dim3A_484 : vector<16xf32> to vector<1x16xf32>
    tpu.vector_store %arg9[%swap3A_1538, %swap3A_1539], %swap3A_1542 {strides = array<i32>} : memref<24x16xf32, #tpu.memory_space<vmem>>, vector<1x16xf32>,
    %get3A_1543 = arith.constant 23 : i32
    %get3A_1544 = arith.index_cast %get3A_1543 : i32 to index
    %get3A_1545 = arith.index_cast %mul3A_483 : i32 to index
    %get3A_1546 = tpu.vector_load %arg6[%get3A_1544, %get3A_1545] {strides = array<i32>} : memref<24x16xf32, #tpu.memory_space<vmem>>, vector<1x16xf32>,
    %get3A_1547 = vector.shape_cast %get3A_1546 : vector<1x16xf32> to vector<16xf32>
    %mul3A_1548 = arith.constant 2.000000e+00 : f32
    %mul3A_1549 = vector.broadcast %mul3A_1548 : f32 to vector<16xf32>
    %mul3A_1550 = arith.mulf %mul3A_1549, %get3A_1547 : vector<16xf32>
    %sub3A_1551 = arith.constant 1.000000e+00 : f32
    %sub3A_1552 = vector.broadcast %sub3A_1551 : f32 to vector<16xf32>
    %sub3A_1553 = arith.subf %sub3A_1552, %mul3A_1550 : vector<16xf32>
    %swap3A_1554 = arith.constant 23 : i32
    %swap3A_1555 = arith.index_cast %swap3A_1554 : i32 to index
    %swap3A_1556 = arith.index_cast %mul3A_483 : i32 to index
    %swap3A_1557 = tpu.vector_load %arg6[%swap3A_1555, %swap3A_1556] {strides = array<i32>} : memref<24x16xf32, #tpu.memory_space<vmem>>, vector<1x16xf32>,
    %swap3A_1558 = vector.shape_cast %swap3A_1557 : vector<1x16xf32> to vector<16xf32>
    %swap3A_1559 = vector.shape_cast %sub3A_1553 : vector<16xf32> to vector<1x16xf32>
    tpu.vector_store %arg6[%swap3A_1555, %swap3A_1556], %swap3A_1559 {strides = array<i32>} : memref<24x16xf32, #tpu.memory_space<vmem>>, vector<1x16xf32>,
    %get3A_1560 = arith.constant 23 : i32
    %get3A_1561 = arith.index_cast %get3A_1560 : i32 to index
    %get3A_1562 = arith.constant 0 : index
    %get3A_1563 = tpu.vector_load %arg11[%get3A_1561, %get3A_1562] {strides = array<i32>} : memref<24x16xf32, #tpu.memory_space<vmem>>, vector<1x16xf32>,
    %get3A_1564 = vector.shape_cast %get3A_1563 : vector<1x16xf32> to vector<16xf32>
    %swap3A_1565 = arith.constant 23 : i32
    %swap3A_1566 = arith.index_cast %swap3A_1565 : i32 to index
    %swap3A_1567 = arith.index_cast %mul3A_483 : i32 to index
    %swap3A_1568 = tpu.vector_load %arg10[%swap3A_1566, %swap3A_1567] {strides = array<i32>} : memref<24x16xf32, #tpu.memory_space<vmem>>, vector<1x16xf32>,
    %swap3A_1569 = vector.shape_cast %swap3A_1568 : vector<1x16xf32> to vector<16xf32>
    %swap3A_1570 = vector.shape_cast %get3A_1564 : vector<16xf32> to vector<1x16xf32>
    tpu.vector_store %arg10[%swap3A_1566, %swap3A_1567], %swap3A_1570 {strides = array<i32>} : memref<24x16xf32, #tpu.memory_space<vmem>>, vector<1x16xf32>,
    %swap3A_1571 = arith.constant 23 : i32
    %swap3A_1572 = arith.index_cast %swap3A_1571 : i32 to index
    %swap3A_1573 = arith.index_cast %mul3A_483 : i32 to index
    %swap3A_1574 = tpu.vector_load %arg7[%swap3A_1572, %swap3A_1573] {strides = array<i32>} : memref<24x16xf32, #tpu.memory_space<vmem>>, vector<1x16xf32>,
    %swap3A_1575 = vector.shape_cast %swap3A_1574 : vector<1x16xf32> to vector<16xf32>
    %swap3A_1576 = vector.shape_cast %broadcast_in_dim3A_484 : vector<16xf32> to vector<1x16xf32>
    tpu.vector_store %arg7[%swap3A_1572, %swap3A_1573], %swap3A_1576 {strides = array<i32>} : memref<24x16xf32, #tpu.memory_space<vmem>>, vector<1x16xf32>,
    %swap3A_1577 = arith.constant 23 : i32
    %swap3A_1578 = arith.index_cast %swap3A_1577 : i32 to index
    %swap3A_1579 = arith.index_cast %mul3A_483 : i32 to index
    %swap3A_1580 = tpu.vector_load %arg8[%swap3A_1578, %swap3A_1579] {strides = array<i32>} : memref<24x16xf32, #tpu.memory_space<vmem>>, vector<1x16xf32>,
    %swap3A_1581 = vector.shape_cast %swap3A_1580 : vector<1x16xf32> to vector<16xf32>
    %swap3A_1582 = vector.shape_cast %broadcast_in_dim3A_484 : vector<16xf32> to vector<1x16xf32>
    tpu.vector_store %arg8[%swap3A_1578, %swap3A_1579], %swap3A_1582 {strides = array<i32>} : memref<24x16xf32, #tpu.memory_space<vmem>>, vector<1x16xf32>,
    %swap3A_1583 = arith.constant 23 : i32
    %swap3A_1584 = arith.index_cast %swap3A_1583 : i32 to index
    %swap3A_1585 = arith.index_cast %mul3A_483 : i32 to index
    %swap3A_1586 = tpu.vector_load %arg9[%swap3A_1584, %swap3A_1585] {strides = array<i32>} : memref<24x16xf32, #tpu.memory_space<vmem>>, vector<1x16xf32>,
    %swap3A_1587 = vector.shape_cast %swap3A_1586 : vector<1x16xf32> to vector<16xf32>
    %swap3A_1588 = vector.shape_cast %broadcast_in_dim3A_484 : vector<16xf32> to vector<1x16xf32>
    tpu.vector_store %arg9[%swap3A_1584, %swap3A_1585], %swap3A_1588 {strides = array<i32>} : memref<24x16xf32, #tpu.memory_space<vmem>>, vector<1x16xf32>,
    %scan3A_1589 = arith.constant 1 : i32
    %scan3A_1590 = arith.constant 0 : i32
    %scan3A_1591 = arith.constant 10 : i32
    %scan3A_1592 = arith.addi %scan3A_1590, %scan3A_1591 : i32
    %scan3A_1593 = arith.constant 1 : i32
    scf.for %scan3A_1595 = %scan3A_1590 to %scan3A_1592 step %scan3A_1593  : i32 {
      %mul3A_1596 = arith.constant 1 : i32
      %mul3A_1597 = arith.muli %scan3A_1595, %mul3A_1596 : i32
      %add3A_1598 = arith.constant 0 : i32
      %add3A_1599 = arith.addi %add3A_1598, %mul3A_1597 : i32
      %scan3A_1600 = arith.constant 0 : i32
      %mul3A_1601 = arith.constant 1 : i32
      %mul3A_1602 = arith.muli %scan3A_1600, %mul3A_1601 : i32
      %add3A_1603 = arith.constant 0 : i32
      %add3A_1604 = arith.addi %add3A_1603, %mul3A_1602 : i32
      %mul3A_1605 = arith.constant 16 : i32
      %mul3A_1606 = arith.muli %add3A_1604, %mul3A_1605 : i32
      %scan3A_1607 = arith.constant 0 : i32
      %scan3A_1608 = arith.constant 24 : i32
      %scan3A_1609 = arith.addi %scan3A_1607, %scan3A_1608 : i32
      %scan3A_1610 = arith.constant 1 : i32
      scf.for %scan3A_1618 = %scan3A_1607 to %scan3A_1609 step %scan3A_1610  : i32 {
        %mul3A_1619 = arith.constant 1 : i32
        %mul3A_1620 = arith.muli %scan3A_1618, %mul3A_1619 : i32
        %add3A_1621 = arith.constant 0 : i32
        %add3A_1622 = arith.addi %add3A_1621, %mul3A_1620 : i32
        %add3A_1623 = arith.constant 1 : i32
        %add3A_1624 = arith.addi %add3A_1622, %add3A_1623 : i32
        %ge3A = arith.constant 24 : i32
        %ge3A_1625 = arith.cmpi sge, %add3A_1624, %ge3A : i32
        %add3A_1626 = arith.constant 1 : i32
        %add3A_1627 = arith.addi %add3A_1622, %add3A_1626 : i32
        %sub3A_1628 = arith.constant 24 : i32
        %sub3A_1629 = arith.subi %add3A_1627, %sub3A_1628 : i32
        %add3A_1630 = arith.constant 1 : i32
        %add3A_1631 = arith.addi %add3A_1622, %add3A_1630 : i32
        %select_n3A = arith.select %ge3A_1625, %sub3A_1629, %add3A_1631 : i32
        %add3A_1632 = arith.constant 5 : i32
        %add3A_1633 = arith.addi %add3A_1622, %add3A_1632 : i32
        %ge3A_1634 = arith.constant 24 : i32
        %ge3A_1635 = arith.cmpi sge, %add3A_1633, %ge3A_1634 : i32
        %add3A_1636 = arith.constant 5 : i32
        %add3A_1637 = arith.addi %add3A_1622, %add3A_1636 : i32
        %sub3A_1638 = arith.constant 24 : i32
        %sub3A_1639 = arith.subi %add3A_1637, %sub3A_1638 : i32
        %add3A_1640 = arith.constant 5 : i32
        %add3A_1641 = arith.addi %add3A_1622, %add3A_1640 : i32
        %select_n3A_1642 = arith.select %ge3A_1635, %sub3A_1639, %add3A_1641 : i32
        %get3A_1643 = arith.index_cast %add3A_1622 : i32 to index
        %get3A_1644 = arith.index_cast %mul3A_1606 : i32 to index
        %get3A_1645 = tpu.vector_load %arg6[%get3A_1643, %get3A_1644] {strides = array<i32>} : memref<24x16xf32, #tpu.memory_space<vmem>>, vector<1x16xf32>,
        %get3A_1646 = vector.shape_cast %get3A_1645 : vector<1x16xf32> to vector<16xf32>
        %get3A_1647 = arith.index_cast %add3A_1622 : i32 to index
        %get3A_1648 = arith.index_cast %mul3A_1606 : i32 to index
        %get3A_1649 = tpu.vector_load %arg10[%get3A_1647, %get3A_1648] {strides = array<i32>} : memref<24x16xf32, #tpu.memory_space<vmem>>, vector<1x16xf32>,
        %get3A_1650 = vector.shape_cast %get3A_1649 : vector<1x16xf32> to vector<16xf32>
        %get3A_1651 = arith.index_cast %add3A_1622 : i32 to index
        %get3A_1652 = arith.index_cast %mul3A_1606 : i32 to index
        %get3A_1653 = tpu.vector_load %arg7[%get3A_1651, %get3A_1652] {strides = array<i32>} : memref<24x16xf32, #tpu.memory_space<vmem>>, vector<1x16xf32>,
        %get3A_1654 = vector.shape_cast %get3A_1653 : vector<1x16xf32> to vector<16xf32>
        %sub3A_1655 = arith.subf %get3A_1650, %get3A_1654 : vector<16xf32>
        %get3A_1656 = arith.index_cast %select_n3A : i32 to index
        %get3A_1657 = arith.index_cast %mul3A_1606 : i32 to index
        %get3A_1658 = tpu.vector_load %arg10[%get3A_1656, %get3A_1657] {strides = array<i32>} : memref<24x16xf32, #tpu.memory_space<vmem>>, vector<1x16xf32>,
        %get3A_1659 = vector.shape_cast %get3A_1658 : vector<1x16xf32> to vector<16xf32>
        %get3A_1660 = arith.index_cast %add3A_1622 : i32 to index
        %get3A_1661 = arith.index_cast %mul3A_1606 : i32 to index
        %get3A_1662 = tpu.vector_load %arg8[%get3A_1660, %get3A_1661] {strides = array<i32>} : memref<24x16xf32, #tpu.memory_space<vmem>>, vector<1x16xf32>,
        %get3A_1663 = vector.shape_cast %get3A_1662 : vector<1x16xf32> to vector<16xf32>
        %sub3A_1664 = arith.subf %get3A_1659, %get3A_1663 : vector<16xf32>
        %get3A_1665 = arith.index_cast %select_n3A_1642 : i32 to index
        %get3A_1666 = arith.index_cast %mul3A_1606 : i32 to index
        %get3A_1667 = tpu.vector_load %arg10[%get3A_1665, %get3A_1666] {strides = array<i32>} : memref<24x16xf32, #tpu.memory_space<vmem>>, vector<1x16xf32>,
        %get3A_1668 = vector.shape_cast %get3A_1667 : vector<1x16xf32> to vector<16xf32>
        %get3A_1669 = arith.index_cast %add3A_1622 : i32 to index
        %get3A_1670 = arith.index_cast %mul3A_1606 : i32 to index
        %get3A_1671 = tpu.vector_load %arg9[%get3A_1669, %get3A_1670] {strides = array<i32>} : memref<24x16xf32, #tpu.memory_space<vmem>>, vector<1x16xf32>,
        %get3A_1672 = vector.shape_cast %get3A_1671 : vector<1x16xf32> to vector<16xf32>
        %sub3A_1673 = arith.subf %get3A_1668, %get3A_1672 : vector<16xf32>
        %abs3A = math.absf %sub3A_1655 : vector<16xf32>
        %mul3A_1674 = arith.constant -2.000000e+02 : f32
        %mul3A_1675 = vector.broadcast %mul3A_1674 : f32 to vector<16xf32>
        %mul3A_1676 = arith.mulf %mul3A_1675, %abs3A : vector<16xf32>
        %exp3A = math.exp %mul3A_1676 : vector<16xf32>
        %sub3A_1677 = arith.constant 1.000000e+00 : f32
        %sub3A_1678 = vector.broadcast %sub3A_1677 : f32 to vector<16xf32>
        %sub3A_1679 = arith.subf %sub3A_1678, %exp3A : vector<16xf32>
        %add3A_1680 = arith.constant 1.000000e+00 : f32
        %add3A_1681 = vector.broadcast %add3A_1680 : f32 to vector<16xf32>
        %add3A_1682 = arith.addf %add3A_1681, %exp3A : vector<16xf32>
        %div3A = arith.divf %sub3A_1679, %add3A_1682 : vector<16xf32>
        %ge3A_1683 = arith.constant 0.000000e+00 : f32
        %ge3A_1684 = vector.broadcast %ge3A_1683 : f32 to vector<16xf32>
        %ge3A_1685 = arith.cmpf oge, %sub3A_1655, %ge3A_1684 : vector<16xf32>
        %neg3A = arith.constant 0.000000e+00 : f32
        %neg3A_1686 = vector.broadcast %neg3A : f32 to vector<16xf32>
        %neg3A_1687 = arith.subf %neg3A_1686, %div3A : vector<16xf32>
        %select_n3A_1688 = arith.select %ge3A_1685, %div3A, %neg3A_1687 : vector<16xi1>, vector<16xf32>
        %abs3A_1689 = math.absf %sub3A_1664 : vector<16xf32>
        %mul3A_1690 = arith.constant -2.000000e+02 : f32
        %mul3A_1691 = vector.broadcast %mul3A_1690 : f32 to vector<16xf32>
        %mul3A_1692 = arith.mulf %mul3A_1691, %abs3A_1689 : vector<16xf32>
        %exp3A_1693 = math.exp %mul3A_1692 : vector<16xf32>
        %sub3A_1694 = arith.constant 1.000000e+00 : f32
        %sub3A_1695 = vector.broadcast %sub3A_1694 : f32 to vector<16xf32>
        %sub3A_1696 = arith.subf %sub3A_1695, %exp3A_1693 : vector<16xf32>
        %add3A_1697 = arith.constant 1.000000e+00 : f32
        %add3A_1698 = vector.broadcast %add3A_1697 : f32 to vector<16xf32>
        %add3A_1699 = arith.addf %add3A_1698, %exp3A_1693 : vector<16xf32>
        %div3A_1700 = arith.divf %sub3A_1696, %add3A_1699 : vector<16xf32>
        %ge3A_1701 = arith.constant 0.000000e+00 : f32
        %ge3A_1702 = vector.broadcast %ge3A_1701 : f32 to vector<16xf32>
        %ge3A_1703 = arith.cmpf oge, %sub3A_1664, %ge3A_1702 : vector<16xf32>
        %neg3A_1704 = arith.constant 0.000000e+00 : f32
        %neg3A_1705 = vector.broadcast %neg3A_1704 : f32 to vector<16xf32>
        %neg3A_1706 = arith.subf %neg3A_1705, %div3A_1700 : vector<16xf32>
        %select_n3A_1707 = arith.select %ge3A_1703, %div3A_1700, %neg3A_1706 : vector<16xi1>, vector<16xf32>
        %abs3A_1708 = math.absf %sub3A_1673 : vector<16xf32>
        %mul3A_1709 = arith.constant -2.000000e+02 : f32
        %mul3A_1710 = vector.broadcast %mul3A_1709 : f32 to vector<16xf32>
        %mul3A_1711 = arith.mulf %mul3A_1710, %abs3A_1708 : vector<16xf32>
        %exp3A_1712 = math.exp %mul3A_1711 : vector<16xf32>
        %sub3A_1713 = arith.constant 1.000000e+00 : f32
        %sub3A_1714 = vector.broadcast %sub3A_1713 : f32 to vector<16xf32>
        %sub3A_1715 = arith.subf %sub3A_1714, %exp3A_1712 : vector<16xf32>
        %add3A_1716 = arith.constant 1.000000e+00 : f32
        %add3A_1717 = vector.broadcast %add3A_1716 : f32 to vector<16xf32>
        %add3A_1718 = arith.addf %add3A_1717, %exp3A_1712 : vector<16xf32>
        %div3A_1719 = arith.divf %sub3A_1715, %add3A_1718 : vector<16xf32>
        %ge3A_1720 = arith.constant 0.000000e+00 : f32
        %ge3A_1721 = vector.broadcast %ge3A_1720 : f32 to vector<16xf32>
        %ge3A_1722 = arith.cmpf oge, %sub3A_1673, %ge3A_1721 : vector<16xf32>
        %neg3A_1723 = arith.constant 0.000000e+00 : f32
        %neg3A_1724 = vector.broadcast %neg3A_1723 : f32 to vector<16xf32>
        %neg3A_1725 = arith.subf %neg3A_1724, %div3A_1719 : vector<16xf32>
        %select_n3A_1726 = arith.select %ge3A_1722, %div3A_1719, %neg3A_1725 : vector<16xi1>, vector<16xf32>
        %abs3A_1727 = math.absf %sub3A_1655 : vector<16xf32>
        %abs3A_1728 = math.absf %sub3A_1664 : vector<16xf32>
        %abs3A_1729 = math.absf %sub3A_1673 : vector<16xf32>
        %mul3A_1730 = arith.mulf %select_n3A_1707, %select_n3A_1726 : vector<16xf32>
        %mul3A_1731 = arith.mulf %get3A_1646, %mul3A_1730 : vector<16xf32>
        %min3A = arith.minimumf %abs3A_1728, %abs3A_1729 : vector<16xf32>
        %max3A = arith.maximumf %abs3A_1728, %abs3A_1729 : vector<16xf32>
        %sub3A_1732 = arith.subf %min3A, %max3A : vector<16xf32>
        %mul3A_1733 = arith.constant 1.000000e+02 : f32
        %mul3A_1734 = vector.broadcast %mul3A_1733 : f32 to vector<16xf32>
        %mul3A_1735 = arith.mulf %sub3A_1732, %mul3A_1734 : vector<16xf32>
        %exp3A_1736 = math.exp %mul3A_1735 : vector<16xf32>
        %mul3A_1737 = arith.mulf %max3A, %exp3A_1736 : vector<16xf32>
        %add3A_1738 = arith.addf %min3A, %mul3A_1737 : vector<16xf32>
        %add3A_1739 = arith.constant 1.000000e+00 : f32
        %add3A_1740 = vector.broadcast %add3A_1739 : f32 to vector<16xf32>
        %add3A_1741 = arith.addf %add3A_1740, %exp3A_1736 : vector<16xf32>
        %div3A_1742 = arith.divf %add3A_1738, %add3A_1741 : vector<16xf32>
        %mul3A_1743 = arith.mulf %mul3A_1731, %div3A_1742 : vector<16xf32>
        %swap3A_1744 = arith.index_cast %add3A_1622 : i32 to index
        %swap3A_1745 = arith.index_cast %mul3A_1606 : i32 to index
        %swap3A_1746 = tpu.vector_load %arg7[%swap3A_1744, %swap3A_1745] {strides = array<i32>} : memref<24x16xf32, #tpu.memory_space<vmem>>, vector<1x16xf32>,
        %swap3A_1747 = vector.shape_cast %swap3A_1746 : vector<1x16xf32> to vector<16xf32>
        %swap3A_1748 = vector.shape_cast %mul3A_1743 : vector<16xf32> to vector<1x16xf32>
        tpu.vector_store %arg7[%swap3A_1744, %swap3A_1745], %swap3A_1748 {strides = array<i32>} : memref<24x16xf32, #tpu.memory_space<vmem>>, vector<1x16xf32>,
        %mul3A_1749 = arith.mulf %select_n3A_1688, %select_n3A_1726 : vector<16xf32>
        %mul3A_1750 = arith.mulf %get3A_1646, %mul3A_1749 : vector<16xf32>
        %min3A_1751 = arith.minimumf %abs3A_1727, %abs3A_1729 : vector<16xf32>
        %max3A_1752 = arith.maximumf %abs3A_1727, %abs3A_1729 : vector<16xf32>
        %sub3A_1753 = arith.subf %min3A_1751, %max3A_1752 : vector<16xf32>
        %mul3A_1754 = arith.constant 1.000000e+02 : f32
        %mul3A_1755 = vector.broadcast %mul3A_1754 : f32 to vector<16xf32>
        %mul3A_1756 = arith.mulf %sub3A_1753, %mul3A_1755 : vector<16xf32>
        %exp3A_1757 = math.exp %mul3A_1756 : vector<16xf32>
        %mul3A_1758 = arith.mulf %max3A_1752, %exp3A_1757 : vector<16xf32>
        %add3A_1759 = arith.addf %min3A_1751, %mul3A_1758 : vector<16xf32>
        %add3A_1760 = arith.constant 1.000000e+00 : f32
        %add3A_1761 = vector.broadcast %add3A_1760 : f32 to vector<16xf32>
        %add3A_1762 = arith.addf %add3A_1761, %exp3A_1757 : vector<16xf32>
        %div3A_1763 = arith.divf %add3A_1759, %add3A_1762 : vector<16xf32>
        %mul3A_1764 = arith.mulf %mul3A_1750, %div3A_1763 : vector<16xf32>
        %swap3A_1765 = arith.index_cast %add3A_1622 : i32 to index
        %swap3A_1766 = arith.index_cast %mul3A_1606 : i32 to index
        %swap3A_1767 = tpu.vector_load %arg8[%swap3A_1765, %swap3A_1766] {strides = array<i32>} : memref<24x16xf32, #tpu.memory_space<vmem>>, vector<1x16xf32>,
        %swap3A_1768 = vector.shape_cast %swap3A_1767 : vector<1x16xf32> to vector<16xf32>
        %swap3A_1769 = vector.shape_cast %mul3A_1764 : vector<16xf32> to vector<1x16xf32>
        tpu.vector_store %arg8[%swap3A_1765, %swap3A_1766], %swap3A_1769 {strides = array<i32>} : memref<24x16xf32, #tpu.memory_space<vmem>>, vector<1x16xf32>,
        %mul3A_1770 = arith.mulf %select_n3A_1688, %select_n3A_1707 : vector<16xf32>
        %mul3A_1771 = arith.mulf %get3A_1646, %mul3A_1770 : vector<16xf32>
        %min3A_1772 = arith.minimumf %abs3A_1727, %abs3A_1728 : vector<16xf32>
        %max3A_1773 = arith.maximumf %abs3A_1727, %abs3A_1728 : vector<16xf32>
        %sub3A_1774 = arith.subf %min3A_1772, %max3A_1773 : vector<16xf32>
        %mul3A_1775 = arith.constant 1.000000e+02 : f32
        %mul3A_1776 = vector.broadcast %mul3A_1775 : f32 to vector<16xf32>
        %mul3A_1777 = arith.mulf %sub3A_1774, %mul3A_1776 : vector<16xf32>
        %exp3A_1778 = math.exp %mul3A_1777 : vector<16xf32>
        %mul3A_1779 = arith.mulf %max3A_1773, %exp3A_1778 : vector<16xf32>
        %add3A_1780 = arith.addf %min3A_1772, %mul3A_1779 : vector<16xf32>
        %add3A_1781 = arith.constant 1.000000e+00 : f32
        %add3A_1782 = vector.broadcast %add3A_1781 : f32 to vector<16xf32>
        %add3A_1783 = arith.addf %add3A_1782, %exp3A_1778 : vector<16xf32>
        %div3A_1784 = arith.divf %add3A_1780, %add3A_1783 : vector<16xf32>
        %mul3A_1785 = arith.mulf %mul3A_1771, %div3A_1784 : vector<16xf32>
        %swap3A_1786 = arith.index_cast %add3A_1622 : i32 to index
        %swap3A_1787 = arith.index_cast %mul3A_1606 : i32 to index
        %swap3A_1788 = tpu.vector_load %arg9[%swap3A_1786, %swap3A_1787] {strides = array<i32>} : memref<24x16xf32, #tpu.memory_space<vmem>>, vector<1x16xf32>,
        %swap3A_1789 = vector.shape_cast %swap3A_1788 : vector<1x16xf32> to vector<16xf32>
        %swap3A_1790 = vector.shape_cast %mul3A_1785 : vector<16xf32> to vector<1x16xf32>
        tpu.vector_store %arg9[%swap3A_1786, %swap3A_1787], %swap3A_1790 {strides = array<i32>} : memref<24x16xf32, #tpu.memory_space<vmem>>, vector<1x16xf32>,
      }
      %scan3A_1611 = arith.constant 24 : i32
      %scan3A_1612 = arith.constant 0 : i32
      %scan3A_1613 = arith.constant 24 : i32
      %scan3A_1614 = arith.addi %scan3A_1612, %scan3A_1613 : i32
      %scan3A_1615 = arith.constant 1 : i32
      scf.for %scan3A_1618 = %scan3A_1612 to %scan3A_1614 step %scan3A_1615  : i32 {
        %mul3A_1619 = arith.constant 1 : i32
        %mul3A_1620 = arith.muli %scan3A_1618, %mul3A_1619 : i32
        %add3A_1621 = arith.constant 0 : i32
        %add3A_1622 = arith.addi %add3A_1621, %mul3A_1620 : i32
        %sub3A_1623 = arith.constant 1 : i32
        %sub3A_1624 = arith.subi %add3A_1622, %sub3A_1623 : i32
        %lt3A = arith.constant 0 : i32
        %lt3A_1625 = arith.cmpi slt, %sub3A_1624, %lt3A : i32
        %sub3A_1626 = arith.constant 1 : i32
        %sub3A_1627 = arith.subi %add3A_1622, %sub3A_1626 : i32
        %add3A_1628 = arith.constant 24 : i32
        %add3A_1629 = arith.addi %sub3A_1627, %add3A_1628 : i32
        %sub3A_1630 = arith.constant 1 : i32
        %sub3A_1631 = arith.subi %add3A_1622, %sub3A_1630 : i32
        %select_n3A = arith.select %lt3A_1625, %add3A_1629, %sub3A_1631 : i32
        %sub3A_1632 = arith.constant 5 : i32
        %sub3A_1633 = arith.subi %add3A_1622, %sub3A_1632 : i32
        %lt3A_1634 = arith.constant 0 : i32
        %lt3A_1635 = arith.cmpi slt, %sub3A_1633, %lt3A_1634 : i32
        %sub3A_1636 = arith.constant 5 : i32
        %sub3A_1637 = arith.subi %add3A_1622, %sub3A_1636 : i32
        %add3A_1638 = arith.constant 24 : i32
        %add3A_1639 = arith.addi %sub3A_1637, %add3A_1638 : i32
        %sub3A_1640 = arith.constant 5 : i32
        %sub3A_1641 = arith.subi %add3A_1622, %sub3A_1640 : i32
        %select_n3A_1642 = arith.select %lt3A_1635, %add3A_1639, %sub3A_1641 : i32
        %get3A_1643 = arith.index_cast %add3A_1622 : i32 to index
        %get3A_1644 = arith.index_cast %mul3A_1606 : i32 to index
        %get3A_1645 = tpu.vector_load %arg7[%get3A_1643, %get3A_1644] {strides = array<i32>} : memref<24x16xf32, #tpu.memory_space<vmem>>, vector<1x16xf32>,
        %get3A_1646 = vector.shape_cast %get3A_1645 : vector<1x16xf32> to vector<16xf32>
        %get3A_1647 = arith.index_cast %select_n3A : i32 to index
        %get3A_1648 = arith.index_cast %mul3A_1606 : i32 to index
        %get3A_1649 = tpu.vector_load %arg8[%get3A_1647, %get3A_1648] {strides = array<i32>} : memref<24x16xf32, #tpu.memory_space<vmem>>, vector<1x16xf32>,
        %get3A_1650 = vector.shape_cast %get3A_1649 : vector<1x16xf32> to vector<16xf32>
        %add3A_1651 = arith.addf %get3A_1646, %get3A_1650 : vector<16xf32>
        %get3A_1652 = arith.index_cast %select_n3A_1642 : i32 to index
        %get3A_1653 = arith.index_cast %mul3A_1606 : i32 to index
        %get3A_1654 = tpu.vector_load %arg9[%get3A_1652, %get3A_1653] {strides = array<i32>} : memref<24x16xf32, #tpu.memory_space<vmem>>, vector<1x16xf32>,
        %get3A_1655 = vector.shape_cast %get3A_1654 : vector<1x16xf32> to vector<16xf32>
        %add3A_1656 = arith.addf %add3A_1651, %get3A_1655 : vector<16xf32>
        %get3A_1657 = arith.index_cast %add3A_1622 : i32 to index
        %get3A_1658 = arith.constant 0 : index
        %get3A_1659 = tpu.vector_load %arg13[%get3A_1657, %get3A_1658] {strides = array<i32>} : memref<24x16xf32, #tpu.memory_space<vmem>>, vector<1x16xf32>,
        %get3A_1660 = vector.shape_cast %get3A_1659 : vector<1x16xf32> to vector<16xf32>
        %add3A_1661 = arith.addf %add3A_1656, %get3A_1660 : vector<16xf32>
        %get3A_1662 = arith.index_cast %add3A_1622 : i32 to index
        %get3A_1663 = arith.constant 0 : index
        %get3A_1664 = tpu.vector_load %arg12[%get3A_1662, %get3A_1663] {strides = array<i32>} : memref<24x16xf32, #tpu.memory_space<vmem>>, vector<1x16xf32>,
        %get3A_1665 = vector.shape_cast %get3A_1664 : vector<1x16xf32> to vector<16xf32>
        %get3A_1666 = arith.index_cast %add3A_1622 : i32 to index
        %get3A_1667 = arith.index_cast %mul3A_1606 : i32 to index
        %get3A_1668 = tpu.vector_load %arg10[%get3A_1666, %get3A_1667] {strides = array<i32>} : memref<24x16xf32, #tpu.memory_space<vmem>>, vector<1x16xf32>,
        %get3A_1669 = vector.shape_cast %get3A_1668 : vector<1x16xf32> to vector<16xf32>
        %mul3A_1670 = arith.mulf %get3A_1665, %get3A_1669 : vector<16xf32>
        %add3A_1671 = arith.addf %add3A_1661, %mul3A_1670 : vector<16xf32>
        %swap3A_1672 = arith.index_cast %add3A_1622 : i32 to index
        %swap3A_1673 = arith.index_cast %mul3A_1606 : i32 to index
        %swap3A_1674 = tpu.vector_load %arg10[%swap3A_1672, %swap3A_1673] {strides = array<i32>} : memref<24x16xf32, #tpu.memory_space<vmem>>, vector<1x16xf32>,
        %swap3A_1675 = vector.shape_cast %swap3A_1674 : vector<1x16xf32> to vector<16xf32>
        %swap3A_1676 = vector.shape_cast %add3A_1671 : vector<16xf32> to vector<1x16xf32>
        tpu.vector_store %arg10[%swap3A_1672, %swap3A_1673], %swap3A_1676 {strides = array<i32>} : memref<24x16xf32, #tpu.memory_space<vmem>>, vector<1x16xf32>,
      }
      %scan3A_1616 = arith.constant 24 : i32
      %scan3A_1617 = arith.constant 1 : i32
    }
    %scan3A_1594 = arith.constant 10 : i32
    "tpu.region"() ({
      %run_scoped3A = tpu.sem_alloc : memref<!tpu.dma_semaphore, #tpu.memory_space<semaphore_mem>>
      %dma_start3A = arith.constant 0 : i32
      %dma_start3A_1595 = arith.constant 0 : i32
      %dma_start3A_1596 = tpu.memref_slice %arg5[%add3A, %dma_start3A, %dma_start3A_1595] : memref<32x24x16xf32, #tpu.memory_space<hbm>> -> memref<1x24x16xf32, #tpu.memory_space<hbm>>
      %dma_start3A_1597 = tpu.memref_squeeze %dma_start3A_1596 : memref<1x24x16xf32, #tpu.memory_space<hbm>> -> memref<24x16xf32, #tpu.memory_space<hbm>>
      %dma_start3A_1598 = arith.constant 0 : i32
      %dma_start3A_1599 = arith.constant 0 : i32
      %dma_start3A_1600 = tpu.memref_slice %arg5[%add3A, %dma_start3A_1598, %dma_start3A_1599] : memref<32x24x16xf32, #tpu.memory_space<hbm>> -> memref<1x24x16xf32, #tpu.memory_space<hbm>>
      %dma_start3A_1601 = tpu.memref_squeeze %dma_start3A_1600 : memref<1x24x16xf32, #tpu.memory_space<hbm>> -> memref<24x16xf32, #tpu.memory_space<hbm>>
      tpu.enqueue_dma source(%arg10 : memref<24x16xf32, #tpu.memory_space<vmem>>) target(%dma_start3A_1601 : memref<24x16xf32, #tpu.memory_space<hbm>>) target_semaphore(%run_scoped3A : memref<!tpu.dma_semaphore, #tpu.memory_space<semaphore_mem>>)
      %dma_wait3A = arith.constant 0 : i32
      %dma_wait3A_1602 = arith.constant 0 : i32
      %dma_wait3A_1603 = tpu.memref_slice %arg5[%add3A, %dma_wait3A, %dma_wait3A_1602] : memref<32x24x16xf32, #tpu.memory_space<hbm>> -> memref<1x24x16xf32, #tpu.memory_space<hbm>>
      %dma_wait3A_1604 = tpu.memref_squeeze %dma_wait3A_1603 : memref<1x24x16xf32, #tpu.memory_space<hbm>> -> memref<24x16xf32, #tpu.memory_space<hbm>>
      %dma_wait3A_1605 = arith.constant 0 : i32
      %dma_wait3A_1606 = arith.constant 0 : i32
      %dma_wait3A_1607 = tpu.memref_slice %arg5[%add3A, %dma_wait3A_1605, %dma_wait3A_1606] : memref<32x24x16xf32, #tpu.memory_space<hbm>> -> memref<1x24x16xf32, #tpu.memory_space<hbm>>
      %dma_wait3A_1608 = tpu.memref_squeeze %dma_wait3A_1607 : memref<1x24x16xf32, #tpu.memory_space<hbm>> -> memref<24x16xf32, #tpu.memory_space<hbm>>
      tpu.wait_dma2 semaphore(%run_scoped3A : memref<!tpu.dma_semaphore, #tpu.memory_space<semaphore_mem>>) src(%arg10 : memref<24x16xf32, #tpu.memory_space<vmem>>) dst(%dma_wait3A_1608 : memref<24x16xf32, #tpu.memory_space<hbm>>)
      tpu.yield
    }) : () -> ()
    return
  }
}

module attributes {stable_mosaic.version = 14 : i64} {
  func.func @_tc_body(%arg0: i32, %arg1: memref<24x512xf32, #tpu.memory_space<vmem>>, %arg2: memref<24x1xf32, #tpu.memory_space<vmem>>, %arg3: memref<24x1xf32, #tpu.memory_space<vmem>>, %arg4: memref<24x512xf32, #tpu.memory_space<vmem>>) attributes {dimension_semantics = [#tpu.dimension_semantics<parallel>], iteration_bounds = array<i64: 15>, scalar_prefetch = 0 : i64, scratch_operands = 0 : i64, tpu.core_type = #tpu.core_type<tc>, window_params = [{transform_indices = @transform_0, window_bounds = array<i64: 24, 512>}, {pipeline_mode = #tpu.pipeline_mode<synchronous>, transform_indices = @transform_1, window_bounds = array<i64: 24, 1>}, {pipeline_mode = #tpu.pipeline_mode<synchronous>, transform_indices = @transform_2, window_bounds = array<i64: 24, 1>}, {transform_indices = @transform_3, window_bounds = array<i64: 24, 512>}]} {
    %get3A = arith.constant 0 : index
    %get3A_0 = arith.constant 0 : index
    %get3A_1 = vector.load %arg2[%get3A, %get3A_0] : memref<24x1xf32, #tpu.memory_space<vmem>>, vector<24x1xf32>
    %get3A_2 = arith.constant 0 : index
    %get3A_3 = arith.constant 0 : index
    %get3A_4 = vector.load %arg3[%get3A_2, %get3A_3] : memref<24x1xf32, #tpu.memory_space<vmem>>, vector<24x1xf32>
    %get3A_5 = arith.constant 0 : index
    %get3A_6 = arith.constant 0 : index
    %get3A_7 = vector.load %arg1[%get3A_5, %get3A_6] : memref<24x512xf32, #tpu.memory_space<vmem>>, vector<24x512xf32>
    %mul3A = arith.constant 2.000000e+00 : f32
    %mul3A_8 = vector.broadcast %mul3A : f32 to vector<24x512xf32>
    %mul3A_9 = arith.mulf %mul3A_8, %get3A_7 : vector<24x512xf32>
    %sub3A = arith.constant 1.000000e+00 : f32
    %sub3A_10 = vector.broadcast %sub3A : f32 to vector<24x512xf32>
    %sub3A_11 = arith.subf %sub3A_10, %mul3A_9 : vector<24x512xf32>
    %broadcast_in_dim3A = vector.shape_cast %get3A_1 : vector<24x1xf32> to vector<24x1xf32>
    %broadcast_in_dim3A_12 = vector.broadcast %broadcast_in_dim3A : vector<24x1xf32> to vector<24x512xf32>
    %slice3A = vector.extract_strided_slice %get3A_1 {offsets = [1, 0], sizes = [23, 1], strides = [1, 1]} : vector<24x1xf32> to vector<23x1xf32>
    %slice3A_13 = vector.extract_strided_slice %get3A_1 {offsets = [0, 0], sizes = [1, 1], strides = [1, 1]} : vector<24x1xf32> to vector<1x1xf32>
    %concatenate3A = tpu.concatenate %slice3A, %slice3A_13 in 0 : vector<23x1xf32>, vector<1x1xf32> -> vector<24x1xf32>
    %broadcast_in_dim3A_14 = vector.shape_cast %concatenate3A : vector<24x1xf32> to vector<24x1xf32>
    %broadcast_in_dim3A_15 = vector.broadcast %broadcast_in_dim3A_14 : vector<24x1xf32> to vector<24x512xf32>
    %slice3A_16 = vector.extract_strided_slice %get3A_1 {offsets = [5, 0], sizes = [19, 1], strides = [1, 1]} : vector<24x1xf32> to vector<19x1xf32>
    %slice3A_17 = vector.extract_strided_slice %get3A_1 {offsets = [0, 0], sizes = [5, 1], strides = [1, 1]} : vector<24x1xf32> to vector<5x1xf32>
    %concatenate3A_18 = tpu.concatenate %slice3A_16, %slice3A_17 in 0 : vector<19x1xf32>, vector<5x1xf32> -> vector<24x1xf32>
    %broadcast_in_dim3A_19 = vector.shape_cast %concatenate3A_18 : vector<24x1xf32> to vector<24x1xf32>
    %broadcast_in_dim3A_20 = vector.broadcast %broadcast_in_dim3A_19 : vector<24x1xf32> to vector<24x512xf32>
    %broadcast_in_dim3A_21 = vector.shape_cast %get3A_1 : vector<24x1xf32> to vector<24x1xf32>
    %broadcast_in_dim3A_22 = vector.broadcast %broadcast_in_dim3A_21 : vector<24x1xf32> to vector<24x512xf32>
    %mul3A_23 = arith.constant 1.000000e+02 : f32
    %mul3A_24 = vector.broadcast %mul3A_23 : f32 to vector<24x512xf32>
    %mul3A_25 = arith.mulf %mul3A_24, %broadcast_in_dim3A_12 : vector<24x512xf32>
    %tanh3A = math.tanh %mul3A_25 : vector<24x512xf32>
    %mul3A_26 = arith.constant 1.000000e+02 : f32
    %mul3A_27 = vector.broadcast %mul3A_26 : f32 to vector<24x512xf32>
    %mul3A_28 = arith.mulf %mul3A_27, %broadcast_in_dim3A_15 : vector<24x512xf32>
    %tanh3A_29 = math.tanh %mul3A_28 : vector<24x512xf32>
    %mul3A_30 = arith.constant 1.000000e+02 : f32
    %mul3A_31 = vector.broadcast %mul3A_30 : f32 to vector<24x512xf32>
    %mul3A_32 = arith.mulf %mul3A_31, %broadcast_in_dim3A_20 : vector<24x512xf32>
    %tanh3A_33 = math.tanh %mul3A_32 : vector<24x512xf32>
    %abs3A = math.absf %broadcast_in_dim3A_12 : vector<24x512xf32>
    %abs3A_34 = math.absf %broadcast_in_dim3A_15 : vector<24x512xf32>
    %abs3A_35 = math.absf %broadcast_in_dim3A_20 : vector<24x512xf32>
    %mul3A_36 = arith.mulf %tanh3A_29, %tanh3A_33 : vector<24x512xf32>
    %mul3A_37 = arith.mulf %sub3A_11, %mul3A_36 : vector<24x512xf32>
    %min3A = arith.minimumf %abs3A_34, %abs3A_35 : vector<24x512xf32>
    %max3A = arith.maximumf %abs3A_34, %abs3A_35 : vector<24x512xf32>
    %sub3A_38 = arith.subf %min3A, %max3A : vector<24x512xf32>
    %mul3A_39 = arith.constant 1.000000e+02 : f32
    %mul3A_40 = vector.broadcast %mul3A_39 : f32 to vector<24x512xf32>
    %mul3A_41 = arith.mulf %sub3A_38, %mul3A_40 : vector<24x512xf32>
    %exp3A = math.exp %mul3A_41 : vector<24x512xf32>
    %mul3A_42 = arith.mulf %max3A, %exp3A : vector<24x512xf32>
    %add3A = arith.addf %min3A, %mul3A_42 : vector<24x512xf32>
    %add3A_43 = arith.constant 1.000000e+00 : f32
    %add3A_44 = vector.broadcast %add3A_43 : f32 to vector<24x512xf32>
    %add3A_45 = arith.addf %add3A_44, %exp3A : vector<24x512xf32>
    %div3A = arith.divf %add3A, %add3A_45 : vector<24x512xf32>
    %mul3A_46 = arith.mulf %mul3A_37, %div3A : vector<24x512xf32>
    %mul3A_47 = arith.mulf %tanh3A, %tanh3A_33 : vector<24x512xf32>
    %mul3A_48 = arith.mulf %sub3A_11, %mul3A_47 : vector<24x512xf32>
    %min3A_49 = arith.minimumf %abs3A, %abs3A_35 : vector<24x512xf32>
    %max3A_50 = arith.maximumf %abs3A, %abs3A_35 : vector<24x512xf32>
    %sub3A_51 = arith.subf %min3A_49, %max3A_50 : vector<24x512xf32>
    %mul3A_52 = arith.constant 1.000000e+02 : f32
    %mul3A_53 = vector.broadcast %mul3A_52 : f32 to vector<24x512xf32>
    %mul3A_54 = arith.mulf %sub3A_51, %mul3A_53 : vector<24x512xf32>
    %exp3A_55 = math.exp %mul3A_54 : vector<24x512xf32>
    %mul3A_56 = arith.mulf %max3A_50, %exp3A_55 : vector<24x512xf32>
    %add3A_57 = arith.addf %min3A_49, %mul3A_56 : vector<24x512xf32>
    %add3A_58 = arith.constant 1.000000e+00 : f32
    %add3A_59 = vector.broadcast %add3A_58 : f32 to vector<24x512xf32>
    %add3A_60 = arith.addf %add3A_59, %exp3A_55 : vector<24x512xf32>
    %div3A_61 = arith.divf %add3A_57, %add3A_60 : vector<24x512xf32>
    %mul3A_62 = arith.mulf %mul3A_48, %div3A_61 : vector<24x512xf32>
    %mul3A_63 = arith.mulf %tanh3A, %tanh3A_29 : vector<24x512xf32>
    %mul3A_64 = arith.mulf %sub3A_11, %mul3A_63 : vector<24x512xf32>
    %min3A_65 = arith.minimumf %abs3A, %abs3A_34 : vector<24x512xf32>
    %max3A_66 = arith.maximumf %abs3A, %abs3A_34 : vector<24x512xf32>
    %sub3A_67 = arith.subf %min3A_65, %max3A_66 : vector<24x512xf32>
    %mul3A_68 = arith.constant 1.000000e+02 : f32
    %mul3A_69 = vector.broadcast %mul3A_68 : f32 to vector<24x512xf32>
    %mul3A_70 = arith.mulf %sub3A_67, %mul3A_69 : vector<24x512xf32>
    %exp3A_71 = math.exp %mul3A_70 : vector<24x512xf32>
    %mul3A_72 = arith.mulf %max3A_66, %exp3A_71 : vector<24x512xf32>
    %add3A_73 = arith.addf %min3A_65, %mul3A_72 : vector<24x512xf32>
    %add3A_74 = arith.constant 1.000000e+00 : f32
    %add3A_75 = vector.broadcast %add3A_74 : f32 to vector<24x512xf32>
    %add3A_76 = arith.addf %add3A_75, %exp3A_71 : vector<24x512xf32>
    %div3A_77 = arith.divf %add3A_73, %add3A_76 : vector<24x512xf32>
    %mul3A_78 = arith.mulf %mul3A_64, %div3A_77 : vector<24x512xf32>
    %slice3A_79 = vector.extract_strided_slice %mul3A_62 {offsets = [23, 0], sizes = [1, 512], strides = [1, 1]} : vector<24x512xf32> to vector<1x512xf32>
    %slice3A_80 = vector.extract_strided_slice %mul3A_62 {offsets = [0, 0], sizes = [23, 512], strides = [1, 1]} : vector<24x512xf32> to vector<23x512xf32>
    %concatenate3A_81 = tpu.concatenate %slice3A_79, %slice3A_80 in 0 : vector<1x512xf32>, vector<23x512xf32> -> vector<24x512xf32>
    %add3A_82 = arith.addf %mul3A_46, %concatenate3A_81 : vector<24x512xf32>
    %slice3A_83 = vector.extract_strided_slice %mul3A_78 {offsets = [19, 0], sizes = [5, 512], strides = [1, 1]} : vector<24x512xf32> to vector<5x512xf32>
    %slice3A_84 = vector.extract_strided_slice %mul3A_78 {offsets = [0, 0], sizes = [19, 512], strides = [1, 1]} : vector<24x512xf32> to vector<19x512xf32>
    %concatenate3A_85 = tpu.concatenate %slice3A_83, %slice3A_84 in 0 : vector<5x512xf32>, vector<19x512xf32> -> vector<24x512xf32>
    %add3A_86 = arith.addf %add3A_82, %concatenate3A_85 : vector<24x512xf32>
    %sub3A_87 = arith.constant 1.000000e+00 : f32
    %sub3A_88 = vector.broadcast %sub3A_87 : f32 to vector<24x1xf32>
    %sub3A_89 = arith.subf %sub3A_88, %get3A_4 : vector<24x1xf32>
    %mul3A_90 = arith.mulf %sub3A_89, %get3A_1 : vector<24x1xf32>
    %add3A_91 = vector.broadcast %mul3A_90 : vector<24x1xf32> to vector<24x512xf32>
    %add3A_92 = arith.addf %add3A_86, %add3A_91 : vector<24x512xf32>
    %mul3A_93 = vector.broadcast %get3A_4 : vector<24x1xf32> to vector<24x512xf32>
    %mul3A_94 = arith.mulf %mul3A_93, %broadcast_in_dim3A_22 : vector<24x512xf32>
    %add3A_95 = arith.addf %add3A_92, %mul3A_94 : vector<24x512xf32>
    %sub3A_96 = arith.subf %add3A_95, %mul3A_46 : vector<24x512xf32>
    %slice3A_97 = vector.extract_strided_slice %add3A_95 {offsets = [1, 0], sizes = [23, 512], strides = [1, 1]} : vector<24x512xf32> to vector<23x512xf32>
    %slice3A_98 = vector.extract_strided_slice %add3A_95 {offsets = [0, 0], sizes = [1, 512], strides = [1, 1]} : vector<24x512xf32> to vector<1x512xf32>
    %concatenate3A_99 = tpu.concatenate %slice3A_97, %slice3A_98 in 0 : vector<23x512xf32>, vector<1x512xf32> -> vector<24x512xf32>
    %sub3A_100 = arith.subf %concatenate3A_99, %mul3A_62 : vector<24x512xf32>
    %slice3A_101 = vector.extract_strided_slice %add3A_95 {offsets = [5, 0], sizes = [19, 512], strides = [1, 1]} : vector<24x512xf32> to vector<19x512xf32>
    %slice3A_102 = vector.extract_strided_slice %add3A_95 {offsets = [0, 0], sizes = [5, 512], strides = [1, 1]} : vector<24x512xf32> to vector<5x512xf32>
    %concatenate3A_103 = tpu.concatenate %slice3A_101, %slice3A_102 in 0 : vector<19x512xf32>, vector<5x512xf32> -> vector<24x512xf32>
    %sub3A_104 = arith.subf %concatenate3A_103, %mul3A_78 : vector<24x512xf32>
    %mul3A_105 = arith.constant 1.000000e+02 : f32
    %mul3A_106 = vector.broadcast %mul3A_105 : f32 to vector<24x512xf32>
    %mul3A_107 = arith.mulf %mul3A_106, %sub3A_96 : vector<24x512xf32>
    %tanh3A_108 = math.tanh %mul3A_107 : vector<24x512xf32>
    %mul3A_109 = arith.constant 1.000000e+02 : f32
    %mul3A_110 = vector.broadcast %mul3A_109 : f32 to vector<24x512xf32>
    %mul3A_111 = arith.mulf %mul3A_110, %sub3A_100 : vector<24x512xf32>
    %tanh3A_112 = math.tanh %mul3A_111 : vector<24x512xf32>
    %mul3A_113 = arith.constant 1.000000e+02 : f32
    %mul3A_114 = vector.broadcast %mul3A_113 : f32 to vector<24x512xf32>
    %mul3A_115 = arith.mulf %mul3A_114, %sub3A_104 : vector<24x512xf32>
    %tanh3A_116 = math.tanh %mul3A_115 : vector<24x512xf32>
    %abs3A_117 = math.absf %sub3A_96 : vector<24x512xf32>
    %abs3A_118 = math.absf %sub3A_100 : vector<24x512xf32>
    %abs3A_119 = math.absf %sub3A_104 : vector<24x512xf32>
    %mul3A_120 = arith.mulf %tanh3A_112, %tanh3A_116 : vector<24x512xf32>
    %mul3A_121 = arith.mulf %sub3A_11, %mul3A_120 : vector<24x512xf32>
    %min3A_122 = arith.minimumf %abs3A_118, %abs3A_119 : vector<24x512xf32>
    %max3A_123 = arith.maximumf %abs3A_118, %abs3A_119 : vector<24x512xf32>
    %sub3A_124 = arith.subf %min3A_122, %max3A_123 : vector<24x512xf32>
    %mul3A_125 = arith.constant 1.000000e+02 : f32
    %mul3A_126 = vector.broadcast %mul3A_125 : f32 to vector<24x512xf32>
    %mul3A_127 = arith.mulf %sub3A_124, %mul3A_126 : vector<24x512xf32>
    %exp3A_128 = math.exp %mul3A_127 : vector<24x512xf32>
    %mul3A_129 = arith.mulf %max3A_123, %exp3A_128 : vector<24x512xf32>
    %add3A_130 = arith.addf %min3A_122, %mul3A_129 : vector<24x512xf32>
    %add3A_131 = arith.constant 1.000000e+00 : f32
    %add3A_132 = vector.broadcast %add3A_131 : f32 to vector<24x512xf32>
    %add3A_133 = arith.addf %add3A_132, %exp3A_128 : vector<24x512xf32>
    %div3A_134 = arith.divf %add3A_130, %add3A_133 : vector<24x512xf32>
    %mul3A_135 = arith.mulf %mul3A_121, %div3A_134 : vector<24x512xf32>
    %mul3A_136 = arith.mulf %tanh3A_108, %tanh3A_116 : vector<24x512xf32>
    %mul3A_137 = arith.mulf %sub3A_11, %mul3A_136 : vector<24x512xf32>
    %min3A_138 = arith.minimumf %abs3A_117, %abs3A_119 : vector<24x512xf32>
    %max3A_139 = arith.maximumf %abs3A_117, %abs3A_119 : vector<24x512xf32>
    %sub3A_140 = arith.subf %min3A_138, %max3A_139 : vector<24x512xf32>
    %mul3A_141 = arith.constant 1.000000e+02 : f32
    %mul3A_142 = vector.broadcast %mul3A_141 : f32 to vector<24x512xf32>
    %mul3A_143 = arith.mulf %sub3A_140, %mul3A_142 : vector<24x512xf32>
    %exp3A_144 = math.exp %mul3A_143 : vector<24x512xf32>
    %mul3A_145 = arith.mulf %max3A_139, %exp3A_144 : vector<24x512xf32>
    %add3A_146 = arith.addf %min3A_138, %mul3A_145 : vector<24x512xf32>
    %add3A_147 = arith.constant 1.000000e+00 : f32
    %add3A_148 = vector.broadcast %add3A_147 : f32 to vector<24x512xf32>
    %add3A_149 = arith.addf %add3A_148, %exp3A_144 : vector<24x512xf32>
    %div3A_150 = arith.divf %add3A_146, %add3A_149 : vector<24x512xf32>
    %mul3A_151 = arith.mulf %mul3A_137, %div3A_150 : vector<24x512xf32>
    %mul3A_152 = arith.mulf %tanh3A_108, %tanh3A_112 : vector<24x512xf32>
    %mul3A_153 = arith.mulf %sub3A_11, %mul3A_152 : vector<24x512xf32>
    %min3A_154 = arith.minimumf %abs3A_117, %abs3A_118 : vector<24x512xf32>
    %max3A_155 = arith.maximumf %abs3A_117, %abs3A_118 : vector<24x512xf32>
    %sub3A_156 = arith.subf %min3A_154, %max3A_155 : vector<24x512xf32>
    %mul3A_157 = arith.constant 1.000000e+02 : f32
    %mul3A_158 = vector.broadcast %mul3A_157 : f32 to vector<24x512xf32>
    %mul3A_159 = arith.mulf %sub3A_156, %mul3A_158 : vector<24x512xf32>
    %exp3A_160 = math.exp %mul3A_159 : vector<24x512xf32>
    %mul3A_161 = arith.mulf %max3A_155, %exp3A_160 : vector<24x512xf32>
    %add3A_162 = arith.addf %min3A_154, %mul3A_161 : vector<24x512xf32>
    %add3A_163 = arith.constant 1.000000e+00 : f32
    %add3A_164 = vector.broadcast %add3A_163 : f32 to vector<24x512xf32>
    %add3A_165 = arith.addf %add3A_164, %exp3A_160 : vector<24x512xf32>
    %div3A_166 = arith.divf %add3A_162, %add3A_165 : vector<24x512xf32>
    %mul3A_167 = arith.mulf %mul3A_153, %div3A_166 : vector<24x512xf32>
    %slice3A_168 = vector.extract_strided_slice %mul3A_151 {offsets = [23, 0], sizes = [1, 512], strides = [1, 1]} : vector<24x512xf32> to vector<1x512xf32>
    %slice3A_169 = vector.extract_strided_slice %mul3A_151 {offsets = [0, 0], sizes = [23, 512], strides = [1, 1]} : vector<24x512xf32> to vector<23x512xf32>
    %concatenate3A_170 = tpu.concatenate %slice3A_168, %slice3A_169 in 0 : vector<1x512xf32>, vector<23x512xf32> -> vector<24x512xf32>
    %add3A_171 = arith.addf %mul3A_135, %concatenate3A_170 : vector<24x512xf32>
    %slice3A_172 = vector.extract_strided_slice %mul3A_167 {offsets = [19, 0], sizes = [5, 512], strides = [1, 1]} : vector<24x512xf32> to vector<5x512xf32>
    %slice3A_173 = vector.extract_strided_slice %mul3A_167 {offsets = [0, 0], sizes = [19, 512], strides = [1, 1]} : vector<24x512xf32> to vector<19x512xf32>
    %concatenate3A_174 = tpu.concatenate %slice3A_172, %slice3A_173 in 0 : vector<5x512xf32>, vector<19x512xf32> -> vector<24x512xf32>
    %add3A_175 = arith.addf %add3A_171, %concatenate3A_174 : vector<24x512xf32>
    %sub3A_176 = arith.constant 1.000000e+00 : f32
    %sub3A_177 = vector.broadcast %sub3A_176 : f32 to vector<24x1xf32>
    %sub3A_178 = arith.subf %sub3A_177, %get3A_4 : vector<24x1xf32>
    %mul3A_179 = arith.mulf %sub3A_178, %get3A_1 : vector<24x1xf32>
    %add3A_180 = vector.broadcast %mul3A_179 : vector<24x1xf32> to vector<24x512xf32>
    %add3A_181 = arith.addf %add3A_175, %add3A_180 : vector<24x512xf32>
    %mul3A_182 = vector.broadcast %get3A_4 : vector<24x1xf32> to vector<24x512xf32>
    %mul3A_183 = arith.mulf %mul3A_182, %add3A_95 : vector<24x512xf32>
    %add3A_184 = arith.addf %add3A_181, %mul3A_183 : vector<24x512xf32>
    %sub3A_185 = arith.subf %add3A_184, %mul3A_135 : vector<24x512xf32>
    %slice3A_186 = vector.extract_strided_slice %add3A_184 {offsets = [1, 0], sizes = [23, 512], strides = [1, 1]} : vector<24x512xf32> to vector<23x512xf32>
    %slice3A_187 = vector.extract_strided_slice %add3A_184 {offsets = [0, 0], sizes = [1, 512], strides = [1, 1]} : vector<24x512xf32> to vector<1x512xf32>
    %concatenate3A_188 = tpu.concatenate %slice3A_186, %slice3A_187 in 0 : vector<23x512xf32>, vector<1x512xf32> -> vector<24x512xf32>
    %sub3A_189 = arith.subf %concatenate3A_188, %mul3A_151 : vector<24x512xf32>
    %slice3A_190 = vector.extract_strided_slice %add3A_184 {offsets = [5, 0], sizes = [19, 512], strides = [1, 1]} : vector<24x512xf32> to vector<19x512xf32>
    %slice3A_191 = vector.extract_strided_slice %add3A_184 {offsets = [0, 0], sizes = [5, 512], strides = [1, 1]} : vector<24x512xf32> to vector<5x512xf32>
    %concatenate3A_192 = tpu.concatenate %slice3A_190, %slice3A_191 in 0 : vector<19x512xf32>, vector<5x512xf32> -> vector<24x512xf32>
    %sub3A_193 = arith.subf %concatenate3A_192, %mul3A_167 : vector<24x512xf32>
    %mul3A_194 = arith.constant 1.000000e+02 : f32
    %mul3A_195 = vector.broadcast %mul3A_194 : f32 to vector<24x512xf32>
    %mul3A_196 = arith.mulf %mul3A_195, %sub3A_185 : vector<24x512xf32>
    %tanh3A_197 = math.tanh %mul3A_196 : vector<24x512xf32>
    %mul3A_198 = arith.constant 1.000000e+02 : f32
    %mul3A_199 = vector.broadcast %mul3A_198 : f32 to vector<24x512xf32>
    %mul3A_200 = arith.mulf %mul3A_199, %sub3A_189 : vector<24x512xf32>
    %tanh3A_201 = math.tanh %mul3A_200 : vector<24x512xf32>
    %mul3A_202 = arith.constant 1.000000e+02 : f32
    %mul3A_203 = vector.broadcast %mul3A_202 : f32 to vector<24x512xf32>
    %mul3A_204 = arith.mulf %mul3A_203, %sub3A_193 : vector<24x512xf32>
    %tanh3A_205 = math.tanh %mul3A_204 : vector<24x512xf32>
    %abs3A_206 = math.absf %sub3A_185 : vector<24x512xf32>
    %abs3A_207 = math.absf %sub3A_189 : vector<24x512xf32>
    %abs3A_208 = math.absf %sub3A_193 : vector<24x512xf32>
    %mul3A_209 = arith.mulf %tanh3A_201, %tanh3A_205 : vector<24x512xf32>
    %mul3A_210 = arith.mulf %sub3A_11, %mul3A_209 : vector<24x512xf32>
    %min3A_211 = arith.minimumf %abs3A_207, %abs3A_208 : vector<24x512xf32>
    %max3A_212 = arith.maximumf %abs3A_207, %abs3A_208 : vector<24x512xf32>
    %sub3A_213 = arith.subf %min3A_211, %max3A_212 : vector<24x512xf32>
    %mul3A_214 = arith.constant 1.000000e+02 : f32
    %mul3A_215 = vector.broadcast %mul3A_214 : f32 to vector<24x512xf32>
    %mul3A_216 = arith.mulf %sub3A_213, %mul3A_215 : vector<24x512xf32>
    %exp3A_217 = math.exp %mul3A_216 : vector<24x512xf32>
    %mul3A_218 = arith.mulf %max3A_212, %exp3A_217 : vector<24x512xf32>
    %add3A_219 = arith.addf %min3A_211, %mul3A_218 : vector<24x512xf32>
    %add3A_220 = arith.constant 1.000000e+00 : f32
    %add3A_221 = vector.broadcast %add3A_220 : f32 to vector<24x512xf32>
    %add3A_222 = arith.addf %add3A_221, %exp3A_217 : vector<24x512xf32>
    %div3A_223 = arith.divf %add3A_219, %add3A_222 : vector<24x512xf32>
    %mul3A_224 = arith.mulf %mul3A_210, %div3A_223 : vector<24x512xf32>
    %mul3A_225 = arith.mulf %tanh3A_197, %tanh3A_205 : vector<24x512xf32>
    %mul3A_226 = arith.mulf %sub3A_11, %mul3A_225 : vector<24x512xf32>
    %min3A_227 = arith.minimumf %abs3A_206, %abs3A_208 : vector<24x512xf32>
    %max3A_228 = arith.maximumf %abs3A_206, %abs3A_208 : vector<24x512xf32>
    %sub3A_229 = arith.subf %min3A_227, %max3A_228 : vector<24x512xf32>
    %mul3A_230 = arith.constant 1.000000e+02 : f32
    %mul3A_231 = vector.broadcast %mul3A_230 : f32 to vector<24x512xf32>
    %mul3A_232 = arith.mulf %sub3A_229, %mul3A_231 : vector<24x512xf32>
    %exp3A_233 = math.exp %mul3A_232 : vector<24x512xf32>
    %mul3A_234 = arith.mulf %max3A_228, %exp3A_233 : vector<24x512xf32>
    %add3A_235 = arith.addf %min3A_227, %mul3A_234 : vector<24x512xf32>
    %add3A_236 = arith.constant 1.000000e+00 : f32
    %add3A_237 = vector.broadcast %add3A_236 : f32 to vector<24x512xf32>
    %add3A_238 = arith.addf %add3A_237, %exp3A_233 : vector<24x512xf32>
    %div3A_239 = arith.divf %add3A_235, %add3A_238 : vector<24x512xf32>
    %mul3A_240 = arith.mulf %mul3A_226, %div3A_239 : vector<24x512xf32>
    %mul3A_241 = arith.mulf %tanh3A_197, %tanh3A_201 : vector<24x512xf32>
    %mul3A_242 = arith.mulf %sub3A_11, %mul3A_241 : vector<24x512xf32>
    %min3A_243 = arith.minimumf %abs3A_206, %abs3A_207 : vector<24x512xf32>
    %max3A_244 = arith.maximumf %abs3A_206, %abs3A_207 : vector<24x512xf32>
    %sub3A_245 = arith.subf %min3A_243, %max3A_244 : vector<24x512xf32>
    %mul3A_246 = arith.constant 1.000000e+02 : f32
    %mul3A_247 = vector.broadcast %mul3A_246 : f32 to vector<24x512xf32>
    %mul3A_248 = arith.mulf %sub3A_245, %mul3A_247 : vector<24x512xf32>
    %exp3A_249 = math.exp %mul3A_248 : vector<24x512xf32>
    %mul3A_250 = arith.mulf %max3A_244, %exp3A_249 : vector<24x512xf32>
    %add3A_251 = arith.addf %min3A_243, %mul3A_250 : vector<24x512xf32>
    %add3A_252 = arith.constant 1.000000e+00 : f32
    %add3A_253 = vector.broadcast %add3A_252 : f32 to vector<24x512xf32>
    %add3A_254 = arith.addf %add3A_253, %exp3A_249 : vector<24x512xf32>
    %div3A_255 = arith.divf %add3A_251, %add3A_254 : vector<24x512xf32>
    %mul3A_256 = arith.mulf %mul3A_242, %div3A_255 : vector<24x512xf32>
    %slice3A_257 = vector.extract_strided_slice %mul3A_240 {offsets = [23, 0], sizes = [1, 512], strides = [1, 1]} : vector<24x512xf32> to vector<1x512xf32>
    %slice3A_258 = vector.extract_strided_slice %mul3A_240 {offsets = [0, 0], sizes = [23, 512], strides = [1, 1]} : vector<24x512xf32> to vector<23x512xf32>
    %concatenate3A_259 = tpu.concatenate %slice3A_257, %slice3A_258 in 0 : vector<1x512xf32>, vector<23x512xf32> -> vector<24x512xf32>
    %add3A_260 = arith.addf %mul3A_224, %concatenate3A_259 : vector<24x512xf32>
    %slice3A_261 = vector.extract_strided_slice %mul3A_256 {offsets = [19, 0], sizes = [5, 512], strides = [1, 1]} : vector<24x512xf32> to vector<5x512xf32>
    %slice3A_262 = vector.extract_strided_slice %mul3A_256 {offsets = [0, 0], sizes = [19, 512], strides = [1, 1]} : vector<24x512xf32> to vector<19x512xf32>
    %concatenate3A_263 = tpu.concatenate %slice3A_261, %slice3A_262 in 0 : vector<5x512xf32>, vector<19x512xf32> -> vector<24x512xf32>
    %add3A_264 = arith.addf %add3A_260, %concatenate3A_263 : vector<24x512xf32>
    %sub3A_265 = arith.constant 1.000000e+00 : f32
    %sub3A_266 = vector.broadcast %sub3A_265 : f32 to vector<24x1xf32>
    %sub3A_267 = arith.subf %sub3A_266, %get3A_4 : vector<24x1xf32>
    %mul3A_268 = arith.mulf %sub3A_267, %get3A_1 : vector<24x1xf32>
    %add3A_269 = vector.broadcast %mul3A_268 : vector<24x1xf32> to vector<24x512xf32>
    %add3A_270 = arith.addf %add3A_264, %add3A_269 : vector<24x512xf32>
    %mul3A_271 = vector.broadcast %get3A_4 : vector<24x1xf32> to vector<24x512xf32>
    %mul3A_272 = arith.mulf %mul3A_271, %add3A_184 : vector<24x512xf32>
    %add3A_273 = arith.addf %add3A_270, %mul3A_272 : vector<24x512xf32>
    %sub3A_274 = arith.subf %add3A_273, %mul3A_224 : vector<24x512xf32>
    %slice3A_275 = vector.extract_strided_slice %add3A_273 {offsets = [1, 0], sizes = [23, 512], strides = [1, 1]} : vector<24x512xf32> to vector<23x512xf32>
    %slice3A_276 = vector.extract_strided_slice %add3A_273 {offsets = [0, 0], sizes = [1, 512], strides = [1, 1]} : vector<24x512xf32> to vector<1x512xf32>
    %concatenate3A_277 = tpu.concatenate %slice3A_275, %slice3A_276 in 0 : vector<23x512xf32>, vector<1x512xf32> -> vector<24x512xf32>
    %sub3A_278 = arith.subf %concatenate3A_277, %mul3A_240 : vector<24x512xf32>
    %slice3A_279 = vector.extract_strided_slice %add3A_273 {offsets = [5, 0], sizes = [19, 512], strides = [1, 1]} : vector<24x512xf32> to vector<19x512xf32>
    %slice3A_280 = vector.extract_strided_slice %add3A_273 {offsets = [0, 0], sizes = [5, 512], strides = [1, 1]} : vector<24x512xf32> to vector<5x512xf32>
    %concatenate3A_281 = tpu.concatenate %slice3A_279, %slice3A_280 in 0 : vector<19x512xf32>, vector<5x512xf32> -> vector<24x512xf32>
    %sub3A_282 = arith.subf %concatenate3A_281, %mul3A_256 : vector<24x512xf32>
    %mul3A_283 = arith.constant 1.000000e+02 : f32
    %mul3A_284 = vector.broadcast %mul3A_283 : f32 to vector<24x512xf32>
    %mul3A_285 = arith.mulf %mul3A_284, %sub3A_274 : vector<24x512xf32>
    %tanh3A_286 = math.tanh %mul3A_285 : vector<24x512xf32>
    %mul3A_287 = arith.constant 1.000000e+02 : f32
    %mul3A_288 = vector.broadcast %mul3A_287 : f32 to vector<24x512xf32>
    %mul3A_289 = arith.mulf %mul3A_288, %sub3A_278 : vector<24x512xf32>
    %tanh3A_290 = math.tanh %mul3A_289 : vector<24x512xf32>
    %mul3A_291 = arith.constant 1.000000e+02 : f32
    %mul3A_292 = vector.broadcast %mul3A_291 : f32 to vector<24x512xf32>
    %mul3A_293 = arith.mulf %mul3A_292, %sub3A_282 : vector<24x512xf32>
    %tanh3A_294 = math.tanh %mul3A_293 : vector<24x512xf32>
    %abs3A_295 = math.absf %sub3A_274 : vector<24x512xf32>
    %abs3A_296 = math.absf %sub3A_278 : vector<24x512xf32>
    %abs3A_297 = math.absf %sub3A_282 : vector<24x512xf32>
    %mul3A_298 = arith.mulf %tanh3A_290, %tanh3A_294 : vector<24x512xf32>
    %mul3A_299 = arith.mulf %sub3A_11, %mul3A_298 : vector<24x512xf32>
    %min3A_300 = arith.minimumf %abs3A_296, %abs3A_297 : vector<24x512xf32>
    %max3A_301 = arith.maximumf %abs3A_296, %abs3A_297 : vector<24x512xf32>
    %sub3A_302 = arith.subf %min3A_300, %max3A_301 : vector<24x512xf32>
    %mul3A_303 = arith.constant 1.000000e+02 : f32
    %mul3A_304 = vector.broadcast %mul3A_303 : f32 to vector<24x512xf32>
    %mul3A_305 = arith.mulf %sub3A_302, %mul3A_304 : vector<24x512xf32>
    %exp3A_306 = math.exp %mul3A_305 : vector<24x512xf32>
    %mul3A_307 = arith.mulf %max3A_301, %exp3A_306 : vector<24x512xf32>
    %add3A_308 = arith.addf %min3A_300, %mul3A_307 : vector<24x512xf32>
    %add3A_309 = arith.constant 1.000000e+00 : f32
    %add3A_310 = vector.broadcast %add3A_309 : f32 to vector<24x512xf32>
    %add3A_311 = arith.addf %add3A_310, %exp3A_306 : vector<24x512xf32>
    %div3A_312 = arith.divf %add3A_308, %add3A_311 : vector<24x512xf32>
    %mul3A_313 = arith.mulf %mul3A_299, %div3A_312 : vector<24x512xf32>
    %mul3A_314 = arith.mulf %tanh3A_286, %tanh3A_294 : vector<24x512xf32>
    %mul3A_315 = arith.mulf %sub3A_11, %mul3A_314 : vector<24x512xf32>
    %min3A_316 = arith.minimumf %abs3A_295, %abs3A_297 : vector<24x512xf32>
    %max3A_317 = arith.maximumf %abs3A_295, %abs3A_297 : vector<24x512xf32>
    %sub3A_318 = arith.subf %min3A_316, %max3A_317 : vector<24x512xf32>
    %mul3A_319 = arith.constant 1.000000e+02 : f32
    %mul3A_320 = vector.broadcast %mul3A_319 : f32 to vector<24x512xf32>
    %mul3A_321 = arith.mulf %sub3A_318, %mul3A_320 : vector<24x512xf32>
    %exp3A_322 = math.exp %mul3A_321 : vector<24x512xf32>
    %mul3A_323 = arith.mulf %max3A_317, %exp3A_322 : vector<24x512xf32>
    %add3A_324 = arith.addf %min3A_316, %mul3A_323 : vector<24x512xf32>
    %add3A_325 = arith.constant 1.000000e+00 : f32
    %add3A_326 = vector.broadcast %add3A_325 : f32 to vector<24x512xf32>
    %add3A_327 = arith.addf %add3A_326, %exp3A_322 : vector<24x512xf32>
    %div3A_328 = arith.divf %add3A_324, %add3A_327 : vector<24x512xf32>
    %mul3A_329 = arith.mulf %mul3A_315, %div3A_328 : vector<24x512xf32>
    %mul3A_330 = arith.mulf %tanh3A_286, %tanh3A_290 : vector<24x512xf32>
    %mul3A_331 = arith.mulf %sub3A_11, %mul3A_330 : vector<24x512xf32>
    %min3A_332 = arith.minimumf %abs3A_295, %abs3A_296 : vector<24x512xf32>
    %max3A_333 = arith.maximumf %abs3A_295, %abs3A_296 : vector<24x512xf32>
    %sub3A_334 = arith.subf %min3A_332, %max3A_333 : vector<24x512xf32>
    %mul3A_335 = arith.constant 1.000000e+02 : f32
    %mul3A_336 = vector.broadcast %mul3A_335 : f32 to vector<24x512xf32>
    %mul3A_337 = arith.mulf %sub3A_334, %mul3A_336 : vector<24x512xf32>
    %exp3A_338 = math.exp %mul3A_337 : vector<24x512xf32>
    %mul3A_339 = arith.mulf %max3A_333, %exp3A_338 : vector<24x512xf32>
    %add3A_340 = arith.addf %min3A_332, %mul3A_339 : vector<24x512xf32>
    %add3A_341 = arith.constant 1.000000e+00 : f32
    %add3A_342 = vector.broadcast %add3A_341 : f32 to vector<24x512xf32>
    %add3A_343 = arith.addf %add3A_342, %exp3A_338 : vector<24x512xf32>
    %div3A_344 = arith.divf %add3A_340, %add3A_343 : vector<24x512xf32>
    %mul3A_345 = arith.mulf %mul3A_331, %div3A_344 : vector<24x512xf32>
    %slice3A_346 = vector.extract_strided_slice %mul3A_329 {offsets = [23, 0], sizes = [1, 512], strides = [1, 1]} : vector<24x512xf32> to vector<1x512xf32>
    %slice3A_347 = vector.extract_strided_slice %mul3A_329 {offsets = [0, 0], sizes = [23, 512], strides = [1, 1]} : vector<24x512xf32> to vector<23x512xf32>
    %concatenate3A_348 = tpu.concatenate %slice3A_346, %slice3A_347 in 0 : vector<1x512xf32>, vector<23x512xf32> -> vector<24x512xf32>
    %add3A_349 = arith.addf %mul3A_313, %concatenate3A_348 : vector<24x512xf32>
    %slice3A_350 = vector.extract_strided_slice %mul3A_345 {offsets = [19, 0], sizes = [5, 512], strides = [1, 1]} : vector<24x512xf32> to vector<5x512xf32>
    %slice3A_351 = vector.extract_strided_slice %mul3A_345 {offsets = [0, 0], sizes = [19, 512], strides = [1, 1]} : vector<24x512xf32> to vector<19x512xf32>
    %concatenate3A_352 = tpu.concatenate %slice3A_350, %slice3A_351 in 0 : vector<5x512xf32>, vector<19x512xf32> -> vector<24x512xf32>
    %add3A_353 = arith.addf %add3A_349, %concatenate3A_352 : vector<24x512xf32>
    %sub3A_354 = arith.constant 1.000000e+00 : f32
    %sub3A_355 = vector.broadcast %sub3A_354 : f32 to vector<24x1xf32>
    %sub3A_356 = arith.subf %sub3A_355, %get3A_4 : vector<24x1xf32>
    %mul3A_357 = arith.mulf %sub3A_356, %get3A_1 : vector<24x1xf32>
    %add3A_358 = vector.broadcast %mul3A_357 : vector<24x1xf32> to vector<24x512xf32>
    %add3A_359 = arith.addf %add3A_353, %add3A_358 : vector<24x512xf32>
    %mul3A_360 = vector.broadcast %get3A_4 : vector<24x1xf32> to vector<24x512xf32>
    %mul3A_361 = arith.mulf %mul3A_360, %add3A_273 : vector<24x512xf32>
    %add3A_362 = arith.addf %add3A_359, %mul3A_361 : vector<24x512xf32>
    %sub3A_363 = arith.subf %add3A_362, %mul3A_313 : vector<24x512xf32>
    %slice3A_364 = vector.extract_strided_slice %add3A_362 {offsets = [1, 0], sizes = [23, 512], strides = [1, 1]} : vector<24x512xf32> to vector<23x512xf32>
    %slice3A_365 = vector.extract_strided_slice %add3A_362 {offsets = [0, 0], sizes = [1, 512], strides = [1, 1]} : vector<24x512xf32> to vector<1x512xf32>
    %concatenate3A_366 = tpu.concatenate %slice3A_364, %slice3A_365 in 0 : vector<23x512xf32>, vector<1x512xf32> -> vector<24x512xf32>
    %sub3A_367 = arith.subf %concatenate3A_366, %mul3A_329 : vector<24x512xf32>
    %slice3A_368 = vector.extract_strided_slice %add3A_362 {offsets = [5, 0], sizes = [19, 512], strides = [1, 1]} : vector<24x512xf32> to vector<19x512xf32>
    %slice3A_369 = vector.extract_strided_slice %add3A_362 {offsets = [0, 0], sizes = [5, 512], strides = [1, 1]} : vector<24x512xf32> to vector<5x512xf32>
    %concatenate3A_370 = tpu.concatenate %slice3A_368, %slice3A_369 in 0 : vector<19x512xf32>, vector<5x512xf32> -> vector<24x512xf32>
    %sub3A_371 = arith.subf %concatenate3A_370, %mul3A_345 : vector<24x512xf32>
    %mul3A_372 = arith.constant 1.000000e+02 : f32
    %mul3A_373 = vector.broadcast %mul3A_372 : f32 to vector<24x512xf32>
    %mul3A_374 = arith.mulf %mul3A_373, %sub3A_363 : vector<24x512xf32>
    %tanh3A_375 = math.tanh %mul3A_374 : vector<24x512xf32>
    %mul3A_376 = arith.constant 1.000000e+02 : f32
    %mul3A_377 = vector.broadcast %mul3A_376 : f32 to vector<24x512xf32>
    %mul3A_378 = arith.mulf %mul3A_377, %sub3A_367 : vector<24x512xf32>
    %tanh3A_379 = math.tanh %mul3A_378 : vector<24x512xf32>
    %mul3A_380 = arith.constant 1.000000e+02 : f32
    %mul3A_381 = vector.broadcast %mul3A_380 : f32 to vector<24x512xf32>
    %mul3A_382 = arith.mulf %mul3A_381, %sub3A_371 : vector<24x512xf32>
    %tanh3A_383 = math.tanh %mul3A_382 : vector<24x512xf32>
    %abs3A_384 = math.absf %sub3A_363 : vector<24x512xf32>
    %abs3A_385 = math.absf %sub3A_367 : vector<24x512xf32>
    %abs3A_386 = math.absf %sub3A_371 : vector<24x512xf32>
    %mul3A_387 = arith.mulf %tanh3A_379, %tanh3A_383 : vector<24x512xf32>
    %mul3A_388 = arith.mulf %sub3A_11, %mul3A_387 : vector<24x512xf32>
    %min3A_389 = arith.minimumf %abs3A_385, %abs3A_386 : vector<24x512xf32>
    %max3A_390 = arith.maximumf %abs3A_385, %abs3A_386 : vector<24x512xf32>
    %sub3A_391 = arith.subf %min3A_389, %max3A_390 : vector<24x512xf32>
    %mul3A_392 = arith.constant 1.000000e+02 : f32
    %mul3A_393 = vector.broadcast %mul3A_392 : f32 to vector<24x512xf32>
    %mul3A_394 = arith.mulf %sub3A_391, %mul3A_393 : vector<24x512xf32>
    %exp3A_395 = math.exp %mul3A_394 : vector<24x512xf32>
    %mul3A_396 = arith.mulf %max3A_390, %exp3A_395 : vector<24x512xf32>
    %add3A_397 = arith.addf %min3A_389, %mul3A_396 : vector<24x512xf32>
    %add3A_398 = arith.constant 1.000000e+00 : f32
    %add3A_399 = vector.broadcast %add3A_398 : f32 to vector<24x512xf32>
    %add3A_400 = arith.addf %add3A_399, %exp3A_395 : vector<24x512xf32>
    %div3A_401 = arith.divf %add3A_397, %add3A_400 : vector<24x512xf32>
    %mul3A_402 = arith.mulf %mul3A_388, %div3A_401 : vector<24x512xf32>
    %mul3A_403 = arith.mulf %tanh3A_375, %tanh3A_383 : vector<24x512xf32>
    %mul3A_404 = arith.mulf %sub3A_11, %mul3A_403 : vector<24x512xf32>
    %min3A_405 = arith.minimumf %abs3A_384, %abs3A_386 : vector<24x512xf32>
    %max3A_406 = arith.maximumf %abs3A_384, %abs3A_386 : vector<24x512xf32>
    %sub3A_407 = arith.subf %min3A_405, %max3A_406 : vector<24x512xf32>
    %mul3A_408 = arith.constant 1.000000e+02 : f32
    %mul3A_409 = vector.broadcast %mul3A_408 : f32 to vector<24x512xf32>
    %mul3A_410 = arith.mulf %sub3A_407, %mul3A_409 : vector<24x512xf32>
    %exp3A_411 = math.exp %mul3A_410 : vector<24x512xf32>
    %mul3A_412 = arith.mulf %max3A_406, %exp3A_411 : vector<24x512xf32>
    %add3A_413 = arith.addf %min3A_405, %mul3A_412 : vector<24x512xf32>
    %add3A_414 = arith.constant 1.000000e+00 : f32
    %add3A_415 = vector.broadcast %add3A_414 : f32 to vector<24x512xf32>
    %add3A_416 = arith.addf %add3A_415, %exp3A_411 : vector<24x512xf32>
    %div3A_417 = arith.divf %add3A_413, %add3A_416 : vector<24x512xf32>
    %mul3A_418 = arith.mulf %mul3A_404, %div3A_417 : vector<24x512xf32>
    %mul3A_419 = arith.mulf %tanh3A_375, %tanh3A_379 : vector<24x512xf32>
    %mul3A_420 = arith.mulf %sub3A_11, %mul3A_419 : vector<24x512xf32>
    %min3A_421 = arith.minimumf %abs3A_384, %abs3A_385 : vector<24x512xf32>
    %max3A_422 = arith.maximumf %abs3A_384, %abs3A_385 : vector<24x512xf32>
    %sub3A_423 = arith.subf %min3A_421, %max3A_422 : vector<24x512xf32>
    %mul3A_424 = arith.constant 1.000000e+02 : f32
    %mul3A_425 = vector.broadcast %mul3A_424 : f32 to vector<24x512xf32>
    %mul3A_426 = arith.mulf %sub3A_423, %mul3A_425 : vector<24x512xf32>
    %exp3A_427 = math.exp %mul3A_426 : vector<24x512xf32>
    %mul3A_428 = arith.mulf %max3A_422, %exp3A_427 : vector<24x512xf32>
    %add3A_429 = arith.addf %min3A_421, %mul3A_428 : vector<24x512xf32>
    %add3A_430 = arith.constant 1.000000e+00 : f32
    %add3A_431 = vector.broadcast %add3A_430 : f32 to vector<24x512xf32>
    %add3A_432 = arith.addf %add3A_431, %exp3A_427 : vector<24x512xf32>
    %div3A_433 = arith.divf %add3A_429, %add3A_432 : vector<24x512xf32>
    %mul3A_434 = arith.mulf %mul3A_420, %div3A_433 : vector<24x512xf32>
    %slice3A_435 = vector.extract_strided_slice %mul3A_418 {offsets = [23, 0], sizes = [1, 512], strides = [1, 1]} : vector<24x512xf32> to vector<1x512xf32>
    %slice3A_436 = vector.extract_strided_slice %mul3A_418 {offsets = [0, 0], sizes = [23, 512], strides = [1, 1]} : vector<24x512xf32> to vector<23x512xf32>
    %concatenate3A_437 = tpu.concatenate %slice3A_435, %slice3A_436 in 0 : vector<1x512xf32>, vector<23x512xf32> -> vector<24x512xf32>
    %add3A_438 = arith.addf %mul3A_402, %concatenate3A_437 : vector<24x512xf32>
    %slice3A_439 = vector.extract_strided_slice %mul3A_434 {offsets = [19, 0], sizes = [5, 512], strides = [1, 1]} : vector<24x512xf32> to vector<5x512xf32>
    %slice3A_440 = vector.extract_strided_slice %mul3A_434 {offsets = [0, 0], sizes = [19, 512], strides = [1, 1]} : vector<24x512xf32> to vector<19x512xf32>
    %concatenate3A_441 = tpu.concatenate %slice3A_439, %slice3A_440 in 0 : vector<5x512xf32>, vector<19x512xf32> -> vector<24x512xf32>
    %add3A_442 = arith.addf %add3A_438, %concatenate3A_441 : vector<24x512xf32>
    %sub3A_443 = arith.constant 1.000000e+00 : f32
    %sub3A_444 = vector.broadcast %sub3A_443 : f32 to vector<24x1xf32>
    %sub3A_445 = arith.subf %sub3A_444, %get3A_4 : vector<24x1xf32>
    %mul3A_446 = arith.mulf %sub3A_445, %get3A_1 : vector<24x1xf32>
    %add3A_447 = vector.broadcast %mul3A_446 : vector<24x1xf32> to vector<24x512xf32>
    %add3A_448 = arith.addf %add3A_442, %add3A_447 : vector<24x512xf32>
    %mul3A_449 = vector.broadcast %get3A_4 : vector<24x1xf32> to vector<24x512xf32>
    %mul3A_450 = arith.mulf %mul3A_449, %add3A_362 : vector<24x512xf32>
    %add3A_451 = arith.addf %add3A_448, %mul3A_450 : vector<24x512xf32>
    %sub3A_452 = arith.subf %add3A_451, %mul3A_402 : vector<24x512xf32>
    %slice3A_453 = vector.extract_strided_slice %add3A_451 {offsets = [1, 0], sizes = [23, 512], strides = [1, 1]} : vector<24x512xf32> to vector<23x512xf32>
    %slice3A_454 = vector.extract_strided_slice %add3A_451 {offsets = [0, 0], sizes = [1, 512], strides = [1, 1]} : vector<24x512xf32> to vector<1x512xf32>
    %concatenate3A_455 = tpu.concatenate %slice3A_453, %slice3A_454 in 0 : vector<23x512xf32>, vector<1x512xf32> -> vector<24x512xf32>
    %sub3A_456 = arith.subf %concatenate3A_455, %mul3A_418 : vector<24x512xf32>
    %slice3A_457 = vector.extract_strided_slice %add3A_451 {offsets = [5, 0], sizes = [19, 512], strides = [1, 1]} : vector<24x512xf32> to vector<19x512xf32>
    %slice3A_458 = vector.extract_strided_slice %add3A_451 {offsets = [0, 0], sizes = [5, 512], strides = [1, 1]} : vector<24x512xf32> to vector<5x512xf32>
    %concatenate3A_459 = tpu.concatenate %slice3A_457, %slice3A_458 in 0 : vector<19x512xf32>, vector<5x512xf32> -> vector<24x512xf32>
    %sub3A_460 = arith.subf %concatenate3A_459, %mul3A_434 : vector<24x512xf32>
    %mul3A_461 = arith.constant 1.000000e+02 : f32
    %mul3A_462 = vector.broadcast %mul3A_461 : f32 to vector<24x512xf32>
    %mul3A_463 = arith.mulf %mul3A_462, %sub3A_452 : vector<24x512xf32>
    %tanh3A_464 = math.tanh %mul3A_463 : vector<24x512xf32>
    %mul3A_465 = arith.constant 1.000000e+02 : f32
    %mul3A_466 = vector.broadcast %mul3A_465 : f32 to vector<24x512xf32>
    %mul3A_467 = arith.mulf %mul3A_466, %sub3A_456 : vector<24x512xf32>
    %tanh3A_468 = math.tanh %mul3A_467 : vector<24x512xf32>
    %mul3A_469 = arith.constant 1.000000e+02 : f32
    %mul3A_470 = vector.broadcast %mul3A_469 : f32 to vector<24x512xf32>
    %mul3A_471 = arith.mulf %mul3A_470, %sub3A_460 : vector<24x512xf32>
    %tanh3A_472 = math.tanh %mul3A_471 : vector<24x512xf32>
    %abs3A_473 = math.absf %sub3A_452 : vector<24x512xf32>
    %abs3A_474 = math.absf %sub3A_456 : vector<24x512xf32>
    %abs3A_475 = math.absf %sub3A_460 : vector<24x512xf32>
    %mul3A_476 = arith.mulf %tanh3A_468, %tanh3A_472 : vector<24x512xf32>
    %mul3A_477 = arith.mulf %sub3A_11, %mul3A_476 : vector<24x512xf32>
    %min3A_478 = arith.minimumf %abs3A_474, %abs3A_475 : vector<24x512xf32>
    %max3A_479 = arith.maximumf %abs3A_474, %abs3A_475 : vector<24x512xf32>
    %sub3A_480 = arith.subf %min3A_478, %max3A_479 : vector<24x512xf32>
    %mul3A_481 = arith.constant 1.000000e+02 : f32
    %mul3A_482 = vector.broadcast %mul3A_481 : f32 to vector<24x512xf32>
    %mul3A_483 = arith.mulf %sub3A_480, %mul3A_482 : vector<24x512xf32>
    %exp3A_484 = math.exp %mul3A_483 : vector<24x512xf32>
    %mul3A_485 = arith.mulf %max3A_479, %exp3A_484 : vector<24x512xf32>
    %add3A_486 = arith.addf %min3A_478, %mul3A_485 : vector<24x512xf32>
    %add3A_487 = arith.constant 1.000000e+00 : f32
    %add3A_488 = vector.broadcast %add3A_487 : f32 to vector<24x512xf32>
    %add3A_489 = arith.addf %add3A_488, %exp3A_484 : vector<24x512xf32>
    %div3A_490 = arith.divf %add3A_486, %add3A_489 : vector<24x512xf32>
    %mul3A_491 = arith.mulf %mul3A_477, %div3A_490 : vector<24x512xf32>
    %mul3A_492 = arith.mulf %tanh3A_464, %tanh3A_472 : vector<24x512xf32>
    %mul3A_493 = arith.mulf %sub3A_11, %mul3A_492 : vector<24x512xf32>
    %min3A_494 = arith.minimumf %abs3A_473, %abs3A_475 : vector<24x512xf32>
    %max3A_495 = arith.maximumf %abs3A_473, %abs3A_475 : vector<24x512xf32>
    %sub3A_496 = arith.subf %min3A_494, %max3A_495 : vector<24x512xf32>
    %mul3A_497 = arith.constant 1.000000e+02 : f32
    %mul3A_498 = vector.broadcast %mul3A_497 : f32 to vector<24x512xf32>
    %mul3A_499 = arith.mulf %sub3A_496, %mul3A_498 : vector<24x512xf32>
    %exp3A_500 = math.exp %mul3A_499 : vector<24x512xf32>
    %mul3A_501 = arith.mulf %max3A_495, %exp3A_500 : vector<24x512xf32>
    %add3A_502 = arith.addf %min3A_494, %mul3A_501 : vector<24x512xf32>
    %add3A_503 = arith.constant 1.000000e+00 : f32
    %add3A_504 = vector.broadcast %add3A_503 : f32 to vector<24x512xf32>
    %add3A_505 = arith.addf %add3A_504, %exp3A_500 : vector<24x512xf32>
    %div3A_506 = arith.divf %add3A_502, %add3A_505 : vector<24x512xf32>
    %mul3A_507 = arith.mulf %mul3A_493, %div3A_506 : vector<24x512xf32>
    %mul3A_508 = arith.mulf %tanh3A_464, %tanh3A_468 : vector<24x512xf32>
    %mul3A_509 = arith.mulf %sub3A_11, %mul3A_508 : vector<24x512xf32>
    %min3A_510 = arith.minimumf %abs3A_473, %abs3A_474 : vector<24x512xf32>
    %max3A_511 = arith.maximumf %abs3A_473, %abs3A_474 : vector<24x512xf32>
    %sub3A_512 = arith.subf %min3A_510, %max3A_511 : vector<24x512xf32>
    %mul3A_513 = arith.constant 1.000000e+02 : f32
    %mul3A_514 = vector.broadcast %mul3A_513 : f32 to vector<24x512xf32>
    %mul3A_515 = arith.mulf %sub3A_512, %mul3A_514 : vector<24x512xf32>
    %exp3A_516 = math.exp %mul3A_515 : vector<24x512xf32>
    %mul3A_517 = arith.mulf %max3A_511, %exp3A_516 : vector<24x512xf32>
    %add3A_518 = arith.addf %min3A_510, %mul3A_517 : vector<24x512xf32>
    %add3A_519 = arith.constant 1.000000e+00 : f32
    %add3A_520 = vector.broadcast %add3A_519 : f32 to vector<24x512xf32>
    %add3A_521 = arith.addf %add3A_520, %exp3A_516 : vector<24x512xf32>
    %div3A_522 = arith.divf %add3A_518, %add3A_521 : vector<24x512xf32>
    %mul3A_523 = arith.mulf %mul3A_509, %div3A_522 : vector<24x512xf32>
    %slice3A_524 = vector.extract_strided_slice %mul3A_507 {offsets = [23, 0], sizes = [1, 512], strides = [1, 1]} : vector<24x512xf32> to vector<1x512xf32>
    %slice3A_525 = vector.extract_strided_slice %mul3A_507 {offsets = [0, 0], sizes = [23, 512], strides = [1, 1]} : vector<24x512xf32> to vector<23x512xf32>
    %concatenate3A_526 = tpu.concatenate %slice3A_524, %slice3A_525 in 0 : vector<1x512xf32>, vector<23x512xf32> -> vector<24x512xf32>
    %add3A_527 = arith.addf %mul3A_491, %concatenate3A_526 : vector<24x512xf32>
    %slice3A_528 = vector.extract_strided_slice %mul3A_523 {offsets = [19, 0], sizes = [5, 512], strides = [1, 1]} : vector<24x512xf32> to vector<5x512xf32>
    %slice3A_529 = vector.extract_strided_slice %mul3A_523 {offsets = [0, 0], sizes = [19, 512], strides = [1, 1]} : vector<24x512xf32> to vector<19x512xf32>
    %concatenate3A_530 = tpu.concatenate %slice3A_528, %slice3A_529 in 0 : vector<5x512xf32>, vector<19x512xf32> -> vector<24x512xf32>
    %add3A_531 = arith.addf %add3A_527, %concatenate3A_530 : vector<24x512xf32>
    %sub3A_532 = arith.constant 1.000000e+00 : f32
    %sub3A_533 = vector.broadcast %sub3A_532 : f32 to vector<24x1xf32>
    %sub3A_534 = arith.subf %sub3A_533, %get3A_4 : vector<24x1xf32>
    %mul3A_535 = arith.mulf %sub3A_534, %get3A_1 : vector<24x1xf32>
    %add3A_536 = vector.broadcast %mul3A_535 : vector<24x1xf32> to vector<24x512xf32>
    %add3A_537 = arith.addf %add3A_531, %add3A_536 : vector<24x512xf32>
    %mul3A_538 = vector.broadcast %get3A_4 : vector<24x1xf32> to vector<24x512xf32>
    %mul3A_539 = arith.mulf %mul3A_538, %add3A_451 : vector<24x512xf32>
    %add3A_540 = arith.addf %add3A_537, %mul3A_539 : vector<24x512xf32>
    %sub3A_541 = arith.subf %add3A_540, %mul3A_491 : vector<24x512xf32>
    %slice3A_542 = vector.extract_strided_slice %add3A_540 {offsets = [1, 0], sizes = [23, 512], strides = [1, 1]} : vector<24x512xf32> to vector<23x512xf32>
    %slice3A_543 = vector.extract_strided_slice %add3A_540 {offsets = [0, 0], sizes = [1, 512], strides = [1, 1]} : vector<24x512xf32> to vector<1x512xf32>
    %concatenate3A_544 = tpu.concatenate %slice3A_542, %slice3A_543 in 0 : vector<23x512xf32>, vector<1x512xf32> -> vector<24x512xf32>
    %sub3A_545 = arith.subf %concatenate3A_544, %mul3A_507 : vector<24x512xf32>
    %slice3A_546 = vector.extract_strided_slice %add3A_540 {offsets = [5, 0], sizes = [19, 512], strides = [1, 1]} : vector<24x512xf32> to vector<19x512xf32>
    %slice3A_547 = vector.extract_strided_slice %add3A_540 {offsets = [0, 0], sizes = [5, 512], strides = [1, 1]} : vector<24x512xf32> to vector<5x512xf32>
    %concatenate3A_548 = tpu.concatenate %slice3A_546, %slice3A_547 in 0 : vector<19x512xf32>, vector<5x512xf32> -> vector<24x512xf32>
    %sub3A_549 = arith.subf %concatenate3A_548, %mul3A_523 : vector<24x512xf32>
    %mul3A_550 = arith.constant 1.000000e+02 : f32
    %mul3A_551 = vector.broadcast %mul3A_550 : f32 to vector<24x512xf32>
    %mul3A_552 = arith.mulf %mul3A_551, %sub3A_541 : vector<24x512xf32>
    %tanh3A_553 = math.tanh %mul3A_552 : vector<24x512xf32>
    %mul3A_554 = arith.constant 1.000000e+02 : f32
    %mul3A_555 = vector.broadcast %mul3A_554 : f32 to vector<24x512xf32>
    %mul3A_556 = arith.mulf %mul3A_555, %sub3A_545 : vector<24x512xf32>
    %tanh3A_557 = math.tanh %mul3A_556 : vector<24x512xf32>
    %mul3A_558 = arith.constant 1.000000e+02 : f32
    %mul3A_559 = vector.broadcast %mul3A_558 : f32 to vector<24x512xf32>
    %mul3A_560 = arith.mulf %mul3A_559, %sub3A_549 : vector<24x512xf32>
    %tanh3A_561 = math.tanh %mul3A_560 : vector<24x512xf32>
    %abs3A_562 = math.absf %sub3A_541 : vector<24x512xf32>
    %abs3A_563 = math.absf %sub3A_545 : vector<24x512xf32>
    %abs3A_564 = math.absf %sub3A_549 : vector<24x512xf32>
    %mul3A_565 = arith.mulf %tanh3A_557, %tanh3A_561 : vector<24x512xf32>
    %mul3A_566 = arith.mulf %sub3A_11, %mul3A_565 : vector<24x512xf32>
    %min3A_567 = arith.minimumf %abs3A_563, %abs3A_564 : vector<24x512xf32>
    %max3A_568 = arith.maximumf %abs3A_563, %abs3A_564 : vector<24x512xf32>
    %sub3A_569 = arith.subf %min3A_567, %max3A_568 : vector<24x512xf32>
    %mul3A_570 = arith.constant 1.000000e+02 : f32
    %mul3A_571 = vector.broadcast %mul3A_570 : f32 to vector<24x512xf32>
    %mul3A_572 = arith.mulf %sub3A_569, %mul3A_571 : vector<24x512xf32>
    %exp3A_573 = math.exp %mul3A_572 : vector<24x512xf32>
    %mul3A_574 = arith.mulf %max3A_568, %exp3A_573 : vector<24x512xf32>
    %add3A_575 = arith.addf %min3A_567, %mul3A_574 : vector<24x512xf32>
    %add3A_576 = arith.constant 1.000000e+00 : f32
    %add3A_577 = vector.broadcast %add3A_576 : f32 to vector<24x512xf32>
    %add3A_578 = arith.addf %add3A_577, %exp3A_573 : vector<24x512xf32>
    %div3A_579 = arith.divf %add3A_575, %add3A_578 : vector<24x512xf32>
    %mul3A_580 = arith.mulf %mul3A_566, %div3A_579 : vector<24x512xf32>
    %mul3A_581 = arith.mulf %tanh3A_553, %tanh3A_561 : vector<24x512xf32>
    %mul3A_582 = arith.mulf %sub3A_11, %mul3A_581 : vector<24x512xf32>
    %min3A_583 = arith.minimumf %abs3A_562, %abs3A_564 : vector<24x512xf32>
    %max3A_584 = arith.maximumf %abs3A_562, %abs3A_564 : vector<24x512xf32>
    %sub3A_585 = arith.subf %min3A_583, %max3A_584 : vector<24x512xf32>
    %mul3A_586 = arith.constant 1.000000e+02 : f32
    %mul3A_587 = vector.broadcast %mul3A_586 : f32 to vector<24x512xf32>
    %mul3A_588 = arith.mulf %sub3A_585, %mul3A_587 : vector<24x512xf32>
    %exp3A_589 = math.exp %mul3A_588 : vector<24x512xf32>
    %mul3A_590 = arith.mulf %max3A_584, %exp3A_589 : vector<24x512xf32>
    %add3A_591 = arith.addf %min3A_583, %mul3A_590 : vector<24x512xf32>
    %add3A_592 = arith.constant 1.000000e+00 : f32
    %add3A_593 = vector.broadcast %add3A_592 : f32 to vector<24x512xf32>
    %add3A_594 = arith.addf %add3A_593, %exp3A_589 : vector<24x512xf32>
    %div3A_595 = arith.divf %add3A_591, %add3A_594 : vector<24x512xf32>
    %mul3A_596 = arith.mulf %mul3A_582, %div3A_595 : vector<24x512xf32>
    %mul3A_597 = arith.mulf %tanh3A_553, %tanh3A_557 : vector<24x512xf32>
    %mul3A_598 = arith.mulf %sub3A_11, %mul3A_597 : vector<24x512xf32>
    %min3A_599 = arith.minimumf %abs3A_562, %abs3A_563 : vector<24x512xf32>
    %max3A_600 = arith.maximumf %abs3A_562, %abs3A_563 : vector<24x512xf32>
    %sub3A_601 = arith.subf %min3A_599, %max3A_600 : vector<24x512xf32>
    %mul3A_602 = arith.constant 1.000000e+02 : f32
    %mul3A_603 = vector.broadcast %mul3A_602 : f32 to vector<24x512xf32>
    %mul3A_604 = arith.mulf %sub3A_601, %mul3A_603 : vector<24x512xf32>
    %exp3A_605 = math.exp %mul3A_604 : vector<24x512xf32>
    %mul3A_606 = arith.mulf %max3A_600, %exp3A_605 : vector<24x512xf32>
    %add3A_607 = arith.addf %min3A_599, %mul3A_606 : vector<24x512xf32>
    %add3A_608 = arith.constant 1.000000e+00 : f32
    %add3A_609 = vector.broadcast %add3A_608 : f32 to vector<24x512xf32>
    %add3A_610 = arith.addf %add3A_609, %exp3A_605 : vector<24x512xf32>
    %div3A_611 = arith.divf %add3A_607, %add3A_610 : vector<24x512xf32>
    %mul3A_612 = arith.mulf %mul3A_598, %div3A_611 : vector<24x512xf32>
    %slice3A_613 = vector.extract_strided_slice %mul3A_596 {offsets = [23, 0], sizes = [1, 512], strides = [1, 1]} : vector<24x512xf32> to vector<1x512xf32>
    %slice3A_614 = vector.extract_strided_slice %mul3A_596 {offsets = [0, 0], sizes = [23, 512], strides = [1, 1]} : vector<24x512xf32> to vector<23x512xf32>
    %concatenate3A_615 = tpu.concatenate %slice3A_613, %slice3A_614 in 0 : vector<1x512xf32>, vector<23x512xf32> -> vector<24x512xf32>
    %add3A_616 = arith.addf %mul3A_580, %concatenate3A_615 : vector<24x512xf32>
    %slice3A_617 = vector.extract_strided_slice %mul3A_612 {offsets = [19, 0], sizes = [5, 512], strides = [1, 1]} : vector<24x512xf32> to vector<5x512xf32>
    %slice3A_618 = vector.extract_strided_slice %mul3A_612 {offsets = [0, 0], sizes = [19, 512], strides = [1, 1]} : vector<24x512xf32> to vector<19x512xf32>
    %concatenate3A_619 = tpu.concatenate %slice3A_617, %slice3A_618 in 0 : vector<5x512xf32>, vector<19x512xf32> -> vector<24x512xf32>
    %add3A_620 = arith.addf %add3A_616, %concatenate3A_619 : vector<24x512xf32>
    %sub3A_621 = arith.constant 1.000000e+00 : f32
    %sub3A_622 = vector.broadcast %sub3A_621 : f32 to vector<24x1xf32>
    %sub3A_623 = arith.subf %sub3A_622, %get3A_4 : vector<24x1xf32>
    %mul3A_624 = arith.mulf %sub3A_623, %get3A_1 : vector<24x1xf32>
    %add3A_625 = vector.broadcast %mul3A_624 : vector<24x1xf32> to vector<24x512xf32>
    %add3A_626 = arith.addf %add3A_620, %add3A_625 : vector<24x512xf32>
    %mul3A_627 = vector.broadcast %get3A_4 : vector<24x1xf32> to vector<24x512xf32>
    %mul3A_628 = arith.mulf %mul3A_627, %add3A_540 : vector<24x512xf32>
    %add3A_629 = arith.addf %add3A_626, %mul3A_628 : vector<24x512xf32>
    %sub3A_630 = arith.subf %add3A_629, %mul3A_580 : vector<24x512xf32>
    %slice3A_631 = vector.extract_strided_slice %add3A_629 {offsets = [1, 0], sizes = [23, 512], strides = [1, 1]} : vector<24x512xf32> to vector<23x512xf32>
    %slice3A_632 = vector.extract_strided_slice %add3A_629 {offsets = [0, 0], sizes = [1, 512], strides = [1, 1]} : vector<24x512xf32> to vector<1x512xf32>
    %concatenate3A_633 = tpu.concatenate %slice3A_631, %slice3A_632 in 0 : vector<23x512xf32>, vector<1x512xf32> -> vector<24x512xf32>
    %sub3A_634 = arith.subf %concatenate3A_633, %mul3A_596 : vector<24x512xf32>
    %slice3A_635 = vector.extract_strided_slice %add3A_629 {offsets = [5, 0], sizes = [19, 512], strides = [1, 1]} : vector<24x512xf32> to vector<19x512xf32>
    %slice3A_636 = vector.extract_strided_slice %add3A_629 {offsets = [0, 0], sizes = [5, 512], strides = [1, 1]} : vector<24x512xf32> to vector<5x512xf32>
    %concatenate3A_637 = tpu.concatenate %slice3A_635, %slice3A_636 in 0 : vector<19x512xf32>, vector<5x512xf32> -> vector<24x512xf32>
    %sub3A_638 = arith.subf %concatenate3A_637, %mul3A_612 : vector<24x512xf32>
    %mul3A_639 = arith.constant 1.000000e+02 : f32
    %mul3A_640 = vector.broadcast %mul3A_639 : f32 to vector<24x512xf32>
    %mul3A_641 = arith.mulf %mul3A_640, %sub3A_630 : vector<24x512xf32>
    %tanh3A_642 = math.tanh %mul3A_641 : vector<24x512xf32>
    %mul3A_643 = arith.constant 1.000000e+02 : f32
    %mul3A_644 = vector.broadcast %mul3A_643 : f32 to vector<24x512xf32>
    %mul3A_645 = arith.mulf %mul3A_644, %sub3A_634 : vector<24x512xf32>
    %tanh3A_646 = math.tanh %mul3A_645 : vector<24x512xf32>
    %mul3A_647 = arith.constant 1.000000e+02 : f32
    %mul3A_648 = vector.broadcast %mul3A_647 : f32 to vector<24x512xf32>
    %mul3A_649 = arith.mulf %mul3A_648, %sub3A_638 : vector<24x512xf32>
    %tanh3A_650 = math.tanh %mul3A_649 : vector<24x512xf32>
    %abs3A_651 = math.absf %sub3A_630 : vector<24x512xf32>
    %abs3A_652 = math.absf %sub3A_634 : vector<24x512xf32>
    %abs3A_653 = math.absf %sub3A_638 : vector<24x512xf32>
    %mul3A_654 = arith.mulf %tanh3A_646, %tanh3A_650 : vector<24x512xf32>
    %mul3A_655 = arith.mulf %sub3A_11, %mul3A_654 : vector<24x512xf32>
    %min3A_656 = arith.minimumf %abs3A_652, %abs3A_653 : vector<24x512xf32>
    %max3A_657 = arith.maximumf %abs3A_652, %abs3A_653 : vector<24x512xf32>
    %sub3A_658 = arith.subf %min3A_656, %max3A_657 : vector<24x512xf32>
    %mul3A_659 = arith.constant 1.000000e+02 : f32
    %mul3A_660 = vector.broadcast %mul3A_659 : f32 to vector<24x512xf32>
    %mul3A_661 = arith.mulf %sub3A_658, %mul3A_660 : vector<24x512xf32>
    %exp3A_662 = math.exp %mul3A_661 : vector<24x512xf32>
    %mul3A_663 = arith.mulf %max3A_657, %exp3A_662 : vector<24x512xf32>
    %add3A_664 = arith.addf %min3A_656, %mul3A_663 : vector<24x512xf32>
    %add3A_665 = arith.constant 1.000000e+00 : f32
    %add3A_666 = vector.broadcast %add3A_665 : f32 to vector<24x512xf32>
    %add3A_667 = arith.addf %add3A_666, %exp3A_662 : vector<24x512xf32>
    %div3A_668 = arith.divf %add3A_664, %add3A_667 : vector<24x512xf32>
    %mul3A_669 = arith.mulf %mul3A_655, %div3A_668 : vector<24x512xf32>
    %mul3A_670 = arith.mulf %tanh3A_642, %tanh3A_650 : vector<24x512xf32>
    %mul3A_671 = arith.mulf %sub3A_11, %mul3A_670 : vector<24x512xf32>
    %min3A_672 = arith.minimumf %abs3A_651, %abs3A_653 : vector<24x512xf32>
    %max3A_673 = arith.maximumf %abs3A_651, %abs3A_653 : vector<24x512xf32>
    %sub3A_674 = arith.subf %min3A_672, %max3A_673 : vector<24x512xf32>
    %mul3A_675 = arith.constant 1.000000e+02 : f32
    %mul3A_676 = vector.broadcast %mul3A_675 : f32 to vector<24x512xf32>
    %mul3A_677 = arith.mulf %sub3A_674, %mul3A_676 : vector<24x512xf32>
    %exp3A_678 = math.exp %mul3A_677 : vector<24x512xf32>
    %mul3A_679 = arith.mulf %max3A_673, %exp3A_678 : vector<24x512xf32>
    %add3A_680 = arith.addf %min3A_672, %mul3A_679 : vector<24x512xf32>
    %add3A_681 = arith.constant 1.000000e+00 : f32
    %add3A_682 = vector.broadcast %add3A_681 : f32 to vector<24x512xf32>
    %add3A_683 = arith.addf %add3A_682, %exp3A_678 : vector<24x512xf32>
    %div3A_684 = arith.divf %add3A_680, %add3A_683 : vector<24x512xf32>
    %mul3A_685 = arith.mulf %mul3A_671, %div3A_684 : vector<24x512xf32>
    %mul3A_686 = arith.mulf %tanh3A_642, %tanh3A_646 : vector<24x512xf32>
    %mul3A_687 = arith.mulf %sub3A_11, %mul3A_686 : vector<24x512xf32>
    %min3A_688 = arith.minimumf %abs3A_651, %abs3A_652 : vector<24x512xf32>
    %max3A_689 = arith.maximumf %abs3A_651, %abs3A_652 : vector<24x512xf32>
    %sub3A_690 = arith.subf %min3A_688, %max3A_689 : vector<24x512xf32>
    %mul3A_691 = arith.constant 1.000000e+02 : f32
    %mul3A_692 = vector.broadcast %mul3A_691 : f32 to vector<24x512xf32>
    %mul3A_693 = arith.mulf %sub3A_690, %mul3A_692 : vector<24x512xf32>
    %exp3A_694 = math.exp %mul3A_693 : vector<24x512xf32>
    %mul3A_695 = arith.mulf %max3A_689, %exp3A_694 : vector<24x512xf32>
    %add3A_696 = arith.addf %min3A_688, %mul3A_695 : vector<24x512xf32>
    %add3A_697 = arith.constant 1.000000e+00 : f32
    %add3A_698 = vector.broadcast %add3A_697 : f32 to vector<24x512xf32>
    %add3A_699 = arith.addf %add3A_698, %exp3A_694 : vector<24x512xf32>
    %div3A_700 = arith.divf %add3A_696, %add3A_699 : vector<24x512xf32>
    %mul3A_701 = arith.mulf %mul3A_687, %div3A_700 : vector<24x512xf32>
    %slice3A_702 = vector.extract_strided_slice %mul3A_685 {offsets = [23, 0], sizes = [1, 512], strides = [1, 1]} : vector<24x512xf32> to vector<1x512xf32>
    %slice3A_703 = vector.extract_strided_slice %mul3A_685 {offsets = [0, 0], sizes = [23, 512], strides = [1, 1]} : vector<24x512xf32> to vector<23x512xf32>
    %concatenate3A_704 = tpu.concatenate %slice3A_702, %slice3A_703 in 0 : vector<1x512xf32>, vector<23x512xf32> -> vector<24x512xf32>
    %add3A_705 = arith.addf %mul3A_669, %concatenate3A_704 : vector<24x512xf32>
    %slice3A_706 = vector.extract_strided_slice %mul3A_701 {offsets = [19, 0], sizes = [5, 512], strides = [1, 1]} : vector<24x512xf32> to vector<5x512xf32>
    %slice3A_707 = vector.extract_strided_slice %mul3A_701 {offsets = [0, 0], sizes = [19, 512], strides = [1, 1]} : vector<24x512xf32> to vector<19x512xf32>
    %concatenate3A_708 = tpu.concatenate %slice3A_706, %slice3A_707 in 0 : vector<5x512xf32>, vector<19x512xf32> -> vector<24x512xf32>
    %add3A_709 = arith.addf %add3A_705, %concatenate3A_708 : vector<24x512xf32>
    %sub3A_710 = arith.constant 1.000000e+00 : f32
    %sub3A_711 = vector.broadcast %sub3A_710 : f32 to vector<24x1xf32>
    %sub3A_712 = arith.subf %sub3A_711, %get3A_4 : vector<24x1xf32>
    %mul3A_713 = arith.mulf %sub3A_712, %get3A_1 : vector<24x1xf32>
    %add3A_714 = vector.broadcast %mul3A_713 : vector<24x1xf32> to vector<24x512xf32>
    %add3A_715 = arith.addf %add3A_709, %add3A_714 : vector<24x512xf32>
    %mul3A_716 = vector.broadcast %get3A_4 : vector<24x1xf32> to vector<24x512xf32>
    %mul3A_717 = arith.mulf %mul3A_716, %add3A_629 : vector<24x512xf32>
    %add3A_718 = arith.addf %add3A_715, %mul3A_717 : vector<24x512xf32>
    %sub3A_719 = arith.subf %add3A_718, %mul3A_669 : vector<24x512xf32>
    %slice3A_720 = vector.extract_strided_slice %add3A_718 {offsets = [1, 0], sizes = [23, 512], strides = [1, 1]} : vector<24x512xf32> to vector<23x512xf32>
    %slice3A_721 = vector.extract_strided_slice %add3A_718 {offsets = [0, 0], sizes = [1, 512], strides = [1, 1]} : vector<24x512xf32> to vector<1x512xf32>
    %concatenate3A_722 = tpu.concatenate %slice3A_720, %slice3A_721 in 0 : vector<23x512xf32>, vector<1x512xf32> -> vector<24x512xf32>
    %sub3A_723 = arith.subf %concatenate3A_722, %mul3A_685 : vector<24x512xf32>
    %slice3A_724 = vector.extract_strided_slice %add3A_718 {offsets = [5, 0], sizes = [19, 512], strides = [1, 1]} : vector<24x512xf32> to vector<19x512xf32>
    %slice3A_725 = vector.extract_strided_slice %add3A_718 {offsets = [0, 0], sizes = [5, 512], strides = [1, 1]} : vector<24x512xf32> to vector<5x512xf32>
    %concatenate3A_726 = tpu.concatenate %slice3A_724, %slice3A_725 in 0 : vector<19x512xf32>, vector<5x512xf32> -> vector<24x512xf32>
    %sub3A_727 = arith.subf %concatenate3A_726, %mul3A_701 : vector<24x512xf32>
    %mul3A_728 = arith.constant 1.000000e+02 : f32
    %mul3A_729 = vector.broadcast %mul3A_728 : f32 to vector<24x512xf32>
    %mul3A_730 = arith.mulf %mul3A_729, %sub3A_719 : vector<24x512xf32>
    %tanh3A_731 = math.tanh %mul3A_730 : vector<24x512xf32>
    %mul3A_732 = arith.constant 1.000000e+02 : f32
    %mul3A_733 = vector.broadcast %mul3A_732 : f32 to vector<24x512xf32>
    %mul3A_734 = arith.mulf %mul3A_733, %sub3A_723 : vector<24x512xf32>
    %tanh3A_735 = math.tanh %mul3A_734 : vector<24x512xf32>
    %mul3A_736 = arith.constant 1.000000e+02 : f32
    %mul3A_737 = vector.broadcast %mul3A_736 : f32 to vector<24x512xf32>
    %mul3A_738 = arith.mulf %mul3A_737, %sub3A_727 : vector<24x512xf32>
    %tanh3A_739 = math.tanh %mul3A_738 : vector<24x512xf32>
    %abs3A_740 = math.absf %sub3A_719 : vector<24x512xf32>
    %abs3A_741 = math.absf %sub3A_723 : vector<24x512xf32>
    %abs3A_742 = math.absf %sub3A_727 : vector<24x512xf32>
    %mul3A_743 = arith.mulf %tanh3A_735, %tanh3A_739 : vector<24x512xf32>
    %mul3A_744 = arith.mulf %sub3A_11, %mul3A_743 : vector<24x512xf32>
    %min3A_745 = arith.minimumf %abs3A_741, %abs3A_742 : vector<24x512xf32>
    %max3A_746 = arith.maximumf %abs3A_741, %abs3A_742 : vector<24x512xf32>
    %sub3A_747 = arith.subf %min3A_745, %max3A_746 : vector<24x512xf32>
    %mul3A_748 = arith.constant 1.000000e+02 : f32
    %mul3A_749 = vector.broadcast %mul3A_748 : f32 to vector<24x512xf32>
    %mul3A_750 = arith.mulf %sub3A_747, %mul3A_749 : vector<24x512xf32>
    %exp3A_751 = math.exp %mul3A_750 : vector<24x512xf32>
    %mul3A_752 = arith.mulf %max3A_746, %exp3A_751 : vector<24x512xf32>
    %add3A_753 = arith.addf %min3A_745, %mul3A_752 : vector<24x512xf32>
    %add3A_754 = arith.constant 1.000000e+00 : f32
    %add3A_755 = vector.broadcast %add3A_754 : f32 to vector<24x512xf32>
    %add3A_756 = arith.addf %add3A_755, %exp3A_751 : vector<24x512xf32>
    %div3A_757 = arith.divf %add3A_753, %add3A_756 : vector<24x512xf32>
    %mul3A_758 = arith.mulf %mul3A_744, %div3A_757 : vector<24x512xf32>
    %mul3A_759 = arith.mulf %tanh3A_731, %tanh3A_739 : vector<24x512xf32>
    %mul3A_760 = arith.mulf %sub3A_11, %mul3A_759 : vector<24x512xf32>
    %min3A_761 = arith.minimumf %abs3A_740, %abs3A_742 : vector<24x512xf32>
    %max3A_762 = arith.maximumf %abs3A_740, %abs3A_742 : vector<24x512xf32>
    %sub3A_763 = arith.subf %min3A_761, %max3A_762 : vector<24x512xf32>
    %mul3A_764 = arith.constant 1.000000e+02 : f32
    %mul3A_765 = vector.broadcast %mul3A_764 : f32 to vector<24x512xf32>
    %mul3A_766 = arith.mulf %sub3A_763, %mul3A_765 : vector<24x512xf32>
    %exp3A_767 = math.exp %mul3A_766 : vector<24x512xf32>
    %mul3A_768 = arith.mulf %max3A_762, %exp3A_767 : vector<24x512xf32>
    %add3A_769 = arith.addf %min3A_761, %mul3A_768 : vector<24x512xf32>
    %add3A_770 = arith.constant 1.000000e+00 : f32
    %add3A_771 = vector.broadcast %add3A_770 : f32 to vector<24x512xf32>
    %add3A_772 = arith.addf %add3A_771, %exp3A_767 : vector<24x512xf32>
    %div3A_773 = arith.divf %add3A_769, %add3A_772 : vector<24x512xf32>
    %mul3A_774 = arith.mulf %mul3A_760, %div3A_773 : vector<24x512xf32>
    %mul3A_775 = arith.mulf %tanh3A_731, %tanh3A_735 : vector<24x512xf32>
    %mul3A_776 = arith.mulf %sub3A_11, %mul3A_775 : vector<24x512xf32>
    %min3A_777 = arith.minimumf %abs3A_740, %abs3A_741 : vector<24x512xf32>
    %max3A_778 = arith.maximumf %abs3A_740, %abs3A_741 : vector<24x512xf32>
    %sub3A_779 = arith.subf %min3A_777, %max3A_778 : vector<24x512xf32>
    %mul3A_780 = arith.constant 1.000000e+02 : f32
    %mul3A_781 = vector.broadcast %mul3A_780 : f32 to vector<24x512xf32>
    %mul3A_782 = arith.mulf %sub3A_779, %mul3A_781 : vector<24x512xf32>
    %exp3A_783 = math.exp %mul3A_782 : vector<24x512xf32>
    %mul3A_784 = arith.mulf %max3A_778, %exp3A_783 : vector<24x512xf32>
    %add3A_785 = arith.addf %min3A_777, %mul3A_784 : vector<24x512xf32>
    %add3A_786 = arith.constant 1.000000e+00 : f32
    %add3A_787 = vector.broadcast %add3A_786 : f32 to vector<24x512xf32>
    %add3A_788 = arith.addf %add3A_787, %exp3A_783 : vector<24x512xf32>
    %div3A_789 = arith.divf %add3A_785, %add3A_788 : vector<24x512xf32>
    %mul3A_790 = arith.mulf %mul3A_776, %div3A_789 : vector<24x512xf32>
    %slice3A_791 = vector.extract_strided_slice %mul3A_774 {offsets = [23, 0], sizes = [1, 512], strides = [1, 1]} : vector<24x512xf32> to vector<1x512xf32>
    %slice3A_792 = vector.extract_strided_slice %mul3A_774 {offsets = [0, 0], sizes = [23, 512], strides = [1, 1]} : vector<24x512xf32> to vector<23x512xf32>
    %concatenate3A_793 = tpu.concatenate %slice3A_791, %slice3A_792 in 0 : vector<1x512xf32>, vector<23x512xf32> -> vector<24x512xf32>
    %add3A_794 = arith.addf %mul3A_758, %concatenate3A_793 : vector<24x512xf32>
    %slice3A_795 = vector.extract_strided_slice %mul3A_790 {offsets = [19, 0], sizes = [5, 512], strides = [1, 1]} : vector<24x512xf32> to vector<5x512xf32>
    %slice3A_796 = vector.extract_strided_slice %mul3A_790 {offsets = [0, 0], sizes = [19, 512], strides = [1, 1]} : vector<24x512xf32> to vector<19x512xf32>
    %concatenate3A_797 = tpu.concatenate %slice3A_795, %slice3A_796 in 0 : vector<5x512xf32>, vector<19x512xf32> -> vector<24x512xf32>
    %add3A_798 = arith.addf %add3A_794, %concatenate3A_797 : vector<24x512xf32>
    %sub3A_799 = arith.constant 1.000000e+00 : f32
    %sub3A_800 = vector.broadcast %sub3A_799 : f32 to vector<24x1xf32>
    %sub3A_801 = arith.subf %sub3A_800, %get3A_4 : vector<24x1xf32>
    %mul3A_802 = arith.mulf %sub3A_801, %get3A_1 : vector<24x1xf32>
    %add3A_803 = vector.broadcast %mul3A_802 : vector<24x1xf32> to vector<24x512xf32>
    %add3A_804 = arith.addf %add3A_798, %add3A_803 : vector<24x512xf32>
    %mul3A_805 = vector.broadcast %get3A_4 : vector<24x1xf32> to vector<24x512xf32>
    %mul3A_806 = arith.mulf %mul3A_805, %add3A_718 : vector<24x512xf32>
    %add3A_807 = arith.addf %add3A_804, %mul3A_806 : vector<24x512xf32>
    %sub3A_808 = arith.subf %add3A_807, %mul3A_758 : vector<24x512xf32>
    %slice3A_809 = vector.extract_strided_slice %add3A_807 {offsets = [1, 0], sizes = [23, 512], strides = [1, 1]} : vector<24x512xf32> to vector<23x512xf32>
    %slice3A_810 = vector.extract_strided_slice %add3A_807 {offsets = [0, 0], sizes = [1, 512], strides = [1, 1]} : vector<24x512xf32> to vector<1x512xf32>
    %concatenate3A_811 = tpu.concatenate %slice3A_809, %slice3A_810 in 0 : vector<23x512xf32>, vector<1x512xf32> -> vector<24x512xf32>
    %sub3A_812 = arith.subf %concatenate3A_811, %mul3A_774 : vector<24x512xf32>
    %slice3A_813 = vector.extract_strided_slice %add3A_807 {offsets = [5, 0], sizes = [19, 512], strides = [1, 1]} : vector<24x512xf32> to vector<19x512xf32>
    %slice3A_814 = vector.extract_strided_slice %add3A_807 {offsets = [0, 0], sizes = [5, 512], strides = [1, 1]} : vector<24x512xf32> to vector<5x512xf32>
    %concatenate3A_815 = tpu.concatenate %slice3A_813, %slice3A_814 in 0 : vector<19x512xf32>, vector<5x512xf32> -> vector<24x512xf32>
    %sub3A_816 = arith.subf %concatenate3A_815, %mul3A_790 : vector<24x512xf32>
    %mul3A_817 = arith.constant 1.000000e+02 : f32
    %mul3A_818 = vector.broadcast %mul3A_817 : f32 to vector<24x512xf32>
    %mul3A_819 = arith.mulf %mul3A_818, %sub3A_808 : vector<24x512xf32>
    %tanh3A_820 = math.tanh %mul3A_819 : vector<24x512xf32>
    %mul3A_821 = arith.constant 1.000000e+02 : f32
    %mul3A_822 = vector.broadcast %mul3A_821 : f32 to vector<24x512xf32>
    %mul3A_823 = arith.mulf %mul3A_822, %sub3A_812 : vector<24x512xf32>
    %tanh3A_824 = math.tanh %mul3A_823 : vector<24x512xf32>
    %mul3A_825 = arith.constant 1.000000e+02 : f32
    %mul3A_826 = vector.broadcast %mul3A_825 : f32 to vector<24x512xf32>
    %mul3A_827 = arith.mulf %mul3A_826, %sub3A_816 : vector<24x512xf32>
    %tanh3A_828 = math.tanh %mul3A_827 : vector<24x512xf32>
    %abs3A_829 = math.absf %sub3A_808 : vector<24x512xf32>
    %abs3A_830 = math.absf %sub3A_812 : vector<24x512xf32>
    %abs3A_831 = math.absf %sub3A_816 : vector<24x512xf32>
    %mul3A_832 = arith.mulf %tanh3A_824, %tanh3A_828 : vector<24x512xf32>
    %mul3A_833 = arith.mulf %sub3A_11, %mul3A_832 : vector<24x512xf32>
    %min3A_834 = arith.minimumf %abs3A_830, %abs3A_831 : vector<24x512xf32>
    %max3A_835 = arith.maximumf %abs3A_830, %abs3A_831 : vector<24x512xf32>
    %sub3A_836 = arith.subf %min3A_834, %max3A_835 : vector<24x512xf32>
    %mul3A_837 = arith.constant 1.000000e+02 : f32
    %mul3A_838 = vector.broadcast %mul3A_837 : f32 to vector<24x512xf32>
    %mul3A_839 = arith.mulf %sub3A_836, %mul3A_838 : vector<24x512xf32>
    %exp3A_840 = math.exp %mul3A_839 : vector<24x512xf32>
    %mul3A_841 = arith.mulf %max3A_835, %exp3A_840 : vector<24x512xf32>
    %add3A_842 = arith.addf %min3A_834, %mul3A_841 : vector<24x512xf32>
    %add3A_843 = arith.constant 1.000000e+00 : f32
    %add3A_844 = vector.broadcast %add3A_843 : f32 to vector<24x512xf32>
    %add3A_845 = arith.addf %add3A_844, %exp3A_840 : vector<24x512xf32>
    %div3A_846 = arith.divf %add3A_842, %add3A_845 : vector<24x512xf32>
    %mul3A_847 = arith.mulf %mul3A_833, %div3A_846 : vector<24x512xf32>
    %mul3A_848 = arith.mulf %tanh3A_820, %tanh3A_828 : vector<24x512xf32>
    %mul3A_849 = arith.mulf %sub3A_11, %mul3A_848 : vector<24x512xf32>
    %min3A_850 = arith.minimumf %abs3A_829, %abs3A_831 : vector<24x512xf32>
    %max3A_851 = arith.maximumf %abs3A_829, %abs3A_831 : vector<24x512xf32>
    %sub3A_852 = arith.subf %min3A_850, %max3A_851 : vector<24x512xf32>
    %mul3A_853 = arith.constant 1.000000e+02 : f32
    %mul3A_854 = vector.broadcast %mul3A_853 : f32 to vector<24x512xf32>
    %mul3A_855 = arith.mulf %sub3A_852, %mul3A_854 : vector<24x512xf32>
    %exp3A_856 = math.exp %mul3A_855 : vector<24x512xf32>
    %mul3A_857 = arith.mulf %max3A_851, %exp3A_856 : vector<24x512xf32>
    %add3A_858 = arith.addf %min3A_850, %mul3A_857 : vector<24x512xf32>
    %add3A_859 = arith.constant 1.000000e+00 : f32
    %add3A_860 = vector.broadcast %add3A_859 : f32 to vector<24x512xf32>
    %add3A_861 = arith.addf %add3A_860, %exp3A_856 : vector<24x512xf32>
    %div3A_862 = arith.divf %add3A_858, %add3A_861 : vector<24x512xf32>
    %mul3A_863 = arith.mulf %mul3A_849, %div3A_862 : vector<24x512xf32>
    %mul3A_864 = arith.mulf %tanh3A_820, %tanh3A_824 : vector<24x512xf32>
    %mul3A_865 = arith.mulf %sub3A_11, %mul3A_864 : vector<24x512xf32>
    %min3A_866 = arith.minimumf %abs3A_829, %abs3A_830 : vector<24x512xf32>
    %max3A_867 = arith.maximumf %abs3A_829, %abs3A_830 : vector<24x512xf32>
    %sub3A_868 = arith.subf %min3A_866, %max3A_867 : vector<24x512xf32>
    %mul3A_869 = arith.constant 1.000000e+02 : f32
    %mul3A_870 = vector.broadcast %mul3A_869 : f32 to vector<24x512xf32>
    %mul3A_871 = arith.mulf %sub3A_868, %mul3A_870 : vector<24x512xf32>
    %exp3A_872 = math.exp %mul3A_871 : vector<24x512xf32>
    %mul3A_873 = arith.mulf %max3A_867, %exp3A_872 : vector<24x512xf32>
    %add3A_874 = arith.addf %min3A_866, %mul3A_873 : vector<24x512xf32>
    %add3A_875 = arith.constant 1.000000e+00 : f32
    %add3A_876 = vector.broadcast %add3A_875 : f32 to vector<24x512xf32>
    %add3A_877 = arith.addf %add3A_876, %exp3A_872 : vector<24x512xf32>
    %div3A_878 = arith.divf %add3A_874, %add3A_877 : vector<24x512xf32>
    %mul3A_879 = arith.mulf %mul3A_865, %div3A_878 : vector<24x512xf32>
    %slice3A_880 = vector.extract_strided_slice %mul3A_863 {offsets = [23, 0], sizes = [1, 512], strides = [1, 1]} : vector<24x512xf32> to vector<1x512xf32>
    %slice3A_881 = vector.extract_strided_slice %mul3A_863 {offsets = [0, 0], sizes = [23, 512], strides = [1, 1]} : vector<24x512xf32> to vector<23x512xf32>
    %concatenate3A_882 = tpu.concatenate %slice3A_880, %slice3A_881 in 0 : vector<1x512xf32>, vector<23x512xf32> -> vector<24x512xf32>
    %add3A_883 = arith.addf %mul3A_847, %concatenate3A_882 : vector<24x512xf32>
    %slice3A_884 = vector.extract_strided_slice %mul3A_879 {offsets = [19, 0], sizes = [5, 512], strides = [1, 1]} : vector<24x512xf32> to vector<5x512xf32>
    %slice3A_885 = vector.extract_strided_slice %mul3A_879 {offsets = [0, 0], sizes = [19, 512], strides = [1, 1]} : vector<24x512xf32> to vector<19x512xf32>
    %concatenate3A_886 = tpu.concatenate %slice3A_884, %slice3A_885 in 0 : vector<5x512xf32>, vector<19x512xf32> -> vector<24x512xf32>
    %add3A_887 = arith.addf %add3A_883, %concatenate3A_886 : vector<24x512xf32>
    %sub3A_888 = arith.constant 1.000000e+00 : f32
    %sub3A_889 = vector.broadcast %sub3A_888 : f32 to vector<24x1xf32>
    %sub3A_890 = arith.subf %sub3A_889, %get3A_4 : vector<24x1xf32>
    %mul3A_891 = arith.mulf %sub3A_890, %get3A_1 : vector<24x1xf32>
    %add3A_892 = vector.broadcast %mul3A_891 : vector<24x1xf32> to vector<24x512xf32>
    %add3A_893 = arith.addf %add3A_887, %add3A_892 : vector<24x512xf32>
    %mul3A_894 = vector.broadcast %get3A_4 : vector<24x1xf32> to vector<24x512xf32>
    %mul3A_895 = arith.mulf %mul3A_894, %add3A_807 : vector<24x512xf32>
    %add3A_896 = arith.addf %add3A_893, %mul3A_895 : vector<24x512xf32>
    %swap3A = arith.constant 0 : index
    %swap3A_897 = arith.constant 0 : index
    %swap3A_898 = vector.load %arg4[%swap3A, %swap3A_897] : memref<24x512xf32, #tpu.memory_space<vmem>>, vector<24x512xf32>
    tpu.vector_store %arg4[%swap3A, %swap3A_897], %add3A_896 {strides = array<i32>} : memref<24x512xf32, #tpu.memory_space<vmem>>, vector<24x512xf32>,
    return
  }
  func.func @transform_0(%arg0: i32) -> (i32, i32) {
    %c0_i32 = arith.constant 0 : i32
    %c0_i32_0 = arith.constant 0 : i32
    return %c0_i32, %arg0 : i32, i32
  }
  func.func @transform_1(%arg0: i32) -> (i32, i32) {
    %c0_i32 = arith.constant 0 : i32
    %c0_i32_0 = arith.constant 0 : i32
    %c0_i32_1 = arith.constant 0 : i32
    return %c0_i32, %c0_i32_0 : i32, i32
  }
  func.func @transform_2(%arg0: i32) -> (i32, i32) {
    %c0_i32 = arith.constant 0 : i32
    %c0_i32_0 = arith.constant 0 : i32
    %c0_i32_1 = arith.constant 0 : i32
    return %c0_i32, %c0_i32_0 : i32, i32
  }
  func.func @transform_3(%arg0: i32) -> (i32, i32) {
    %c0_i32 = arith.constant 0 : i32
    %c0_i32_0 = arith.constant 0 : i32
    return %c0_i32, %arg0 : i32, i32
  }
}

</mosaic_0001>

<sc_bundles>
// kernel: kernel.4.cloned.1.call-start
scs
__scs_entry_jumppad:
0x0: {  	(pc) =	sbr.rel $0x88, $3  }
0x1: {  	(tag) =	ssettag $0x0;
	lr =	simm.s32 $0x1  }
0x2: {  	[smem:$0x3F9E] =	sst lr;
	_ =	strace $0xD0000000  }
0x3: {  	_ = 	snop  }
0x4: {  	_ = 	snop  }
0x5: {  	_ = 	snop  }
0x6: {  	_ = 	snop  }
0x7: {  	_ = 	snop  }
__scs_overlays_trampoline_lowered:
0x8: {  	[smem:$0x3FAD] =	sst s0  }
0x9: {  	[smem:$0x3FAE] =	sst s1  }
0xa: {  	[smem:$0x3FAF] =	sst s2  }
0xb: {  	[smem:$0x3FB0] =	sst s3  }
0xc: {  	[smem:$0x3FB1] =	sst s4  }
0xd: {  	[smem:$0x3FB2] =	sst s5  }
0xe: {  	[smem:$0x3FB3] =	sst s6  }
0xf: {  	[smem:$0x3FB4] =	sst s7  }
0x10: {  	[smem:$0x3FB5] =	sst s8  }
0x11: {  	[smem:$0x3FB6] =	sst s9;
	s0 =	simm.s32 @!p0 $0x0  }
0x12: {  	s1 =	sld [smem:$0x3F9C];
	s0 =	simm.s32 @p0 $0x1  }
0x13: {  	[smem:$0x3FB7] =	sst s0;
	s0 =	simm.s32 @!p1 $0x0  }
0x14: {  	s2 =	sld [smem:$0x3F9B];
	s0 =	simm.s32 @p1 $0x1  }
0x15: {  	[smem:$0x3FB8] =	sst s0;
	s0 =	simm.s32 @!p2 $0x0  }
0x16: {  	s3 =	sld [smem:$0x3FDB];
	s0 =	simm.s32 @p2 $0x1  }
0x17: {  	s4 =	simm.s32 $0x1BF5;
	[smem:$0x3FBA] =	sst s0  }
0x18: {  	s0 =	sld [smem:$0x3F9D];
	_ =	swait.ge [sflag:s4], $0x0  }
0x19: {  	s7 =	sld [smem:$0x3F9E]  }
0x1a: {  	s8 =	sadd.s32 $0xFFFFE003, lr  }
0x1b: {  	s9 =	sadd.s32 $0xFFFFFEF7, lr;
	s5 =	simm.s32 $0xFFFFFFFF;
	p2 =	slt.u32 s8, $0xFFFFF086  }
0x1c: {  	p1 =	slt.u32 s9, $0xF7A;
	s5 =	simm.s32 @!p2 $0x0  }
0x1d: {  	s5 =	simm.s32 @p1 $0x1;
	p0 =	seq.s32 s7, s2  }
0x1e: {  	s7 =	smul.u32 @!p0 $0xF7A, s2;
	p2 =	seq.s32 @!p0 s5, $0x0  }
0x1f: {  	s9 =	smul.u32 $0xF7A, s1;
	s8 =	simm.s32 @!p0 $0x1BF5;
	p2 =	por !p2, p0  }
0x20: {  	[sflag:s8] =	ssyncset.s32 @!p0 $0xFFFFF086;
	s6 =	sadd.s32 @!p0 s3, s7;
	s7 =	simm.s32 @!p0 $0x108  }
0x21: {  	s3 =	sadd.s32 s3, s9;
	s6 =	sadd.s32 @!p0 $0x88, s6;
	s7 =	simm.s32 @p2 $0x1082  }
0x22: {  	[simem:s7], [sflag:s8] =	dma.local @!p0 [hbm:s6], $0xF7A  }
0x23: {  	s9 =	sor.u32 $0xD0000000, s2;
	s6 =	simm.s32 $0x108;
	_ =	swait.ge @!p0 [sflag:s8], $0x0  }
0x24: {  	s3 =	sadd.s32 $0x88, s3;
	s6 =	simm.s32 @!p1 $0x1082;
	[sflag:s4] =	ssyncset.s32 $0xFFFFF086  }
0x25: {  	[simem:s6], [sflag:s4] =	dma.local [hbm:s3], $0xF7A  }
0x26: {  	[smem:$0x3F9E] =	sst s1;
	(tag) =	ssettag s2;
	_ =	strace s9  }
0x27: {  	s1 =	sld [smem:$0x3FAE]  }
0x28: {  	s2 =	sld [smem:$0x3FAF]  }
0x29: {  	s4 =	sld [smem:$0x3FB1]  }
0x2a: {  	p0 =	seq.s32 s5, $0x0;
	s5 =	sld [smem:$0x3FB2]  }
0x2b: {  	s6 =	sld [smem:$0x3FB3]  }
0x2c: {  	s7 =	sld [smem:$0x3FB4]  }
0x2d: {  	s3 =	simm.s32 $0x108;
	s8 =	sld [smem:$0x3FB5]  }
0x2e: {  	s3 =	simm.s32 @!p0 $0x1082;
	s9 =	sld [smem:$0x3FB6]  }
0x2f: {  	lr =	sadd.s32 s0, s3;
	s0 =	sld [smem:$0x3FAD]  }
0x30: {  	s3 =	sld [smem:$0x3FB0]  }
0x31: {  	[smem:$0x3FB9] =	sst s10  }
0x32: {  	s10 =	sld [smem:$0x3FB7];
	_ =	sdelay $0x3  }
0x33: {  	p0 =	seq.s32 s10, $0x1;
	s10 =	sld [smem:$0x3FB9];
	_ =	sdelay $0x3  }
0x34: {  	[smem:$0x3FB9] =	sst s10  }
0x35: {  	s10 =	sld [smem:$0x3FB8];
	_ =	sdelay $0x3  }
0x36: {  	p1 =	seq.s32 s10, $0x1;
	s10 =	sld [smem:$0x3FB9];
	_ =	sdelay $0x3  }
0x37: {  	[smem:$0x3FB9] =	sst s10  }
0x38: {  	s10 =	sld [smem:$0x3FBA]  }
0x39: {  	_ = 	snop;
	(pc) =	sbr.ind lr, $3  }
0x3a: {  	_ = 	snop  }
0x3b: {  	_ = 	snop  }
0x3c: {  	p2 =	seq.s32 s10, $0x1;
	s10 =	sld [smem:$0x3FB9]  }
0x3d: {  	_ =	shalt  }
0x3e: {  	_ =	shalt  }
0x3f: {  	_ =	shalt  }
0x40: {  	_ =	shalt  }
0x41: {  	_ =	shalt  }
0x42: {  	_ =	shalt  }
0x43: {  	_ =	shalt  }
0x44: {  	_ =	shalt  }
0x45: {  	_ =	shalt  }
0x46: {  	_ =	shalt  }
0x47: {  	_ =	shalt  }
0x48: {  	_ =	shalt  }
0x49: {  	_ =	shalt  }
0x4a: {  	_ =	shalt  }
0x4b: {  	_ =	shalt  }
0x4c: {  	_ =	shalt  }
0x4d: {  	_ =	shalt  }
0x4e: {  	_ =	shalt  }
0x4f: {  	_ =	shalt  }
0x50: {  	_ =	shalt  }
0x51: {  	_ =	shalt  }
0x52: {  	_ =	shalt  }
0x53: {  	_ =	shalt  }
0x54: {  	_ =	shalt  }
0x55: {  	_ =	shalt  }
0x56: {  	_ =	shalt  }
0x57: {  	_ =	shalt  }
0x58: {  	_ =	shalt  }
0x59: {  	_ =	shalt  }
0x5a: {  	_ =	shalt  }
0x5b: {  	_ =	shalt  }
0x5c: {  	_ =	shalt  }
0x5d: {  	_ =	shalt  }
0x5e: {  	_ =	shalt  }
0x5f: {  	_ =	shalt  }
0x60: {  	_ =	shalt  }
0x61: {  	_ =	shalt  }
0x62: {  	_ =	shalt  }
0x63: {  	_ =	shalt  }
0x64: {  	_ =	shalt  }
0x65: {  	_ =	shalt  }
0x66: {  	_ =	shalt  }
0x67: {  	_ =	shalt  }
0x68: {  	_ =	shalt  }
0x69: {  	_ =	shalt  }
0x6a: {  	_ =	shalt  }
0x6b: {  	_ =	shalt  }
0x6c: {  	_ =	shalt  }
0x6d: {  	_ =	shalt  }
0x6e: {  	_ =	shalt  }
0x6f: {  	_ =	shalt  }
0x70: {  	_ =	shalt  }
0x71: {  	_ =	shalt  }
0x72: {  	_ =	shalt  }
0x73: {  	_ =	shalt  }
0x74: {  	_ =	shalt  }
0x75: {  	_ =	shalt  }
0x76: {  	_ =	shalt  }
0x77: {  	_ =	shalt  }
0x78: {  	_ =	shalt  }
0x79: {  	_ =	shalt  }
0x7a: {  	_ =	shalt  }
0x7b: {  	_ =	shalt  }
0x7c: {  	_ =	shalt  }
0x7d: {  	_ =	shalt  }
0x7e: {  	_ =	shalt  }
0x7f: {  	_ =	shalt  }
0x80: {  	_ =	shalt  }
0x81: {  	_ =	shalt  }
0x82: {  	_ =	shalt  }
0x83: {  	_ =	shalt  }
0x84: {  	_ =	shalt  }
0x85: {  	_ =	shalt  }
0x86: {  	_ =	shalt  }
0x87: {  	_ =	shalt  }
.Lfunc_end0:
.L_simem_size_0:
called_computation_lowered:
.L_overlay_start_0:
0x88: {  	s2 =	sld [smem:$0x3FD9]  }
0x89: {  	s3 =	sld [smem:$0x3FFE];
	_ =	sdelay $0x1  }
0x8a: {  	s1 =	srdreg.scid  }
0x8b: {  	s0 =	sand.u32 $0x1, s1  }
0x8c: {  	s17 =	sshll.u32 s0, $0xA;
	s2 =	sadd.s32 s3, s2  }
0x8d: {  	s2 =	sadd.s32 s2, s17  }
0x8e: {  	[smem:$0x3FC5] =	sst s2  }
0x8f: {  	_ = 	snop  }
0x90: {  	s2 =	sld [smem:$0x3FD0];
	(tm) =	ssettm $0x1  }
0x91: {  	s18 =	sld [smem:$0x3FFB];
	_ =	sdelay $0x3  }
0x92: {  	_ =	strace s18  }
0x93: {  	s3 =	sld [smem:$0x3FFC];
	_ =	sdelay $0x3  }
0x94: {  	_ =	strace s3  }
0x95: {  	s3 =	sld [smem:$0x3FFD];
	_ =	sdelay $0x3  }
0x96: {  	_ =	strace s3  }
0x97: {  	_ =	strace $0x8FFFFFFF  }
0x98: {  	s19 =	sld [smem:$0x3FDB];
	_ =	sdelay $0x1  }
0x99: {  	s4 =	simm.s32 $_scs_section_size  }
0x9a: {  	s5 =	simm.s32 $_size__tile_overlayer_lowered;
	s6 =	simm.s32 $_tile_overlayer_lowered  }
0x9b: {  	s22 =	simm.s32 $0x1BFF;
	s21 =	sshll.u32 s6, $0x1;
	s3 =	sadd.s32 s4, s19  }
0x9c: {  	s7 =	simm.s32 $0x0;
	s20 =	sshll.u32 s5, $0x1;
	s5 =	sadd.s32 s21, s3  }
0x9d: {  	[timem:s7], [sflag:s22] =	dma.local [hbm:s5], s20  }
0x9e: {  	_ =	swait.ge [sflag:s22], s20  }
0x9f: {  	s4 =	ssub.s32 $0x0, s20;
	[sflag:s22] =	ssyncset.done $0x0  }
0xa0: {  	[sflag:s22] =	ssyncadd.s32 s4;
	_ =	sdelay $0x1  }
0xa1: {  	s23 =	simm.s32 $0x1B8B  }
0xa2: {  	_ =	swait.ge [sflag:s23], $0x1  }
0xa3: {  	[sflag:s23] =	ssyncset.done $0x0  }
0xa4: {  	s25 =	simm.s32 $0x1B8E;
	s24 =	sld [smem:$0x3FFE];
	[sflag:s23] =	ssyncadd.s32 $0xFFFFFFFF  }
0xa5: {  	s26 =	simm.s32 $execute0_lowered;
	[smem:$0x3FD2] =	sst s25  }
0xa6: {  	s5 =	sshll.u32 s26, $0x1;
	_ =	strace $0x80000046;
	[dreg:$0x1] =	wrdreg $0xFFFFFFFF  }
0xa7: {  	s28 =	simm.s32 $_size_execute0_lowered;
	s3 =	sadd.s32 s3, s5;
	[dreg:$0x0] =	wrdreg $0x0  }
0xa8: {  	s5 =	sshll.u32 s28, $0x1;
	[dreg:$0x2] =	wrdreg s3  }
0xa9: {  	[dreg:$0x3] =	wrdreg s5  }
0xaa: {  	[dreg:$0x4] =	wrdreg $0xC0  }
0xab: {  	_ =	task [dreg:s7], $0x5FFFF  }
0xac: {  	[dreg:$0x1] =	wrdreg $0xFFFFFFFF  }
0xad: {  	[dreg:$0x0] =	wrdreg $0x60  }
0xae: {  	[dreg:$0x2] =	wrdreg s2  }
0xaf: {  	[dreg:$0x3] =	wrdreg s24  }
0xb0: {  	[dreg:$0x4] =	wrdreg $0x9  }
0xb1: {  	_ =	task.clear_ibuf [dreg:s7], $0x5FFFF;
	_ =	strace $0x90000046  }
0xb2: {  	s29 =	simm.s32 $0x9;
	_ =	strace $0x80000048  }
0xb3: {  	_ =	swait.ge [sflag:s29], $0x1  }
0xb4: {  	[sflag:s29] =	ssyncadd.s32 $0xFFFFFFFF  }
0xb5: {  	_ =	strace $0x90000048  }
0xb6: {  	_ =	sfence  }
0xb7: {  	s30 =	sld [smem:$0x0];
	_ =	sdelay $0x2  }
0xb8: {  	s31 =	sshll.u32 s1, $0xD;
	s1 =	sshrl.u32 s1, $0x2  }
0xb9: {  	s3 =	sand.u32 $0x4000, s31;
	s1 =	sadd.s32 s1, s30  }
0xba: {  	s0 =	sor.u32 s3, s0;
	s1 =	sshll.u32 s1, $0x11  }
0xbb: {  	s0 =	sor.u32 s1, s0  }
0xbc: {  	s0 =	sadd.s32 $0x8F2B, s0  }
0xbd: {  	[sflag:s0] =	ssyncadd.remote.s32 $0x1  }
0xbe: {  	_ =	sfence.sel $0xFFFF  }
0xbf: {  	[dreg:$0x0] =	wrdreg $0xFFFFFFFF;
	(pc) =	sbr.abs _section_cstart, $3  }
0xc0: {  	[dreg:$0x1] =	wrdreg $0xFFFFFFFF  }
0xc1: {  	_ =	task.clear_ibuf [dreg:s7], $0x2FFFF;
	_ =	strace $0x9FFFFFFF  }
0xc2: {  	(tm) =	ssettm $0x7FFFFFFF  }
0xc3: {  	_ =	shalt  }
tec
execute0_lowered:
.L_overlay_start_1:
0x0: {  	(tag) =	ssettag $0x1  }
0x1: {  	s5 =	rddreg [dreg:$0x0];
	s1 =	srdreg.scid  }
0x2: {  	s0 =	stileid.u32;
	s6 =	rddreg [dreg:$0x1];
	s2 =	simm.s32 $0x0  }
0x3: {  	s10 =	simm.s32 $0x4800;
	s11 =	simm.s32 $0x3000;
	s12 =	simm.s32 $0x0  }
0x4: {  	s4 =	sand.u32 $0x1, s1;
	s3 =	sshll.u32 s0, $0x1;
	s1 =	rddreg [dreg:$0x2]  }
0x5: {  	[smem:$0x7FF] =	sst s2;
	s3 =	sor.u32 s4, s3;
	s8 =	ssub.s32 $0x2, s4  }
0x6: {  	_ =	strace $0x80000047;
	s7 =	smul.u32 $0x180, s3;
	s9 =	sshrl.u32 s8, $0x1  }
0x7: {  	s4 =	sadd.s32 $0xA00, s6;
	s3 =	sadd.s32 $0xC00, s6;
	s8 =	ssub.s32 s8, s9  }
0x8: {  	s9 =	simm.s32 $0x3C00;
	s6 =	sadd.s32 s7, s6;
	s5 =	sadd.s32 s5, s7  }
0x9: {  	v0 =	vimm.f32 $0.0e+00;
	s7 =	smax.u32 s8, $0x1;
	s8 =	simm.s32 $0x1;
	s6 =	sadd.s32 $0xE00, s6  }
.LBB2_1:
0xa: {  	[tilespmem:s2], [sflag:$0x1] =	stream.linear.gather [hbm4b:s5+s2], $0xC00, $0x38;
	[tilespmem:$0x6000] =	vst v63  }
0xb: {  	_ =	swait.ge [sflag:s8], $0xC00  }
0xc: {  	[sflag:s8] =	ssyncset.done $0x0  }
0xd: {  	[sflag:s8] =	ssyncadd.s32 $0xFFFFF400  }
0xe: {  	[tilespmem:s9], [sflag:$0x1] =	stream.linear.gather [hbm4b:s3+s2], $0xC00, $0x38;
	[tilespmem:$0x6000] =	vst v63  }
0xf: {  	_ =	swait.ge [sflag:s8], $0xC00  }
0x10: {  	[sflag:s8] =	ssyncset.done $0x0  }
0x11: {  	[sflag:s8] =	ssyncadd.s32 $0xFFFFF400  }
0x12: {  	[tilespmem:s10], [sflag:$0x1] =	stream.linear.gather [hbm4b:s4+s2], $0xC00, $0x38;
	[tilespmem:$0x6000] =	vst v63  }
0x13: {  	_ =	swait.ge [sflag:s8], $0xC00  }
0x14: {  	[sflag:s8] =	ssyncset.done $0x0  }
0x15: {  	[sflag:s8] =	ssyncadd.s32 $0xFFFFF400  }
0x16: {  	v1 =	vld [tilespmem:$0x4800]  }
0x17: {  	v2 =	vld [tilespmem:$0x3C00]  }
0x18: {  	v3 =	vld [tilespmem:$0x4880]  }
0x19: {  	v4 =	vld [tilespmem:$0x3C80]  }
0x1a: {  	v5 =	vld [tilespmem:$0x4900]  }
0x1b: {  	v6 =	vld [tilespmem:$0x3D00]  }
0x1c: {  	v7 =	vld [tilespmem:$0x4980]  }
0x1d: {  	v8 =	vld [tilespmem:$0x3D80]  }
0x1e: {  	v9 =	vld [tilespmem:$0x4A00]  }
0x1f: {  	v10 =	vld [tilespmem:$0x3E00]  }
0x20: {  	v11 =	vld [tilespmem:$0x4A80]  }
0x21: {  	v12 =	vld [tilespmem:$0x3E80]  }
0x22: {  	v13 =	vld [tilespmem:$0x4B00]  }
0x23: {  	v14 =	vld [tilespmem:$0x3F00]  }
0x24: {  	v15 =	vld [tilespmem:$0x4B80]  }
0x25: {  	v16 =	vld [tilespmem:$0x3F80]  }
0x26: {  	v17 =	vld [tilespmem:$0x4C00]  }
0x27: {  	v18 =	vld [tilespmem:$0x4000]  }
0x28: {  	v19 =	vld [tilespmem:$0x4C80]  }
0x29: {  	v20 =	vld [tilespmem:$0x4080]  }
0x2a: {  	v21 =	vld [tilespmem:$0x4D00]  }
0x2b: {  	v22 =	vld [tilespmem:$0x4100]  }
0x2c: {  	v23 =	vld [tilespmem:$0x4D80]  }
0x2d: {  	v24 =	vld [tilespmem:$0x4180]  }
0x2e: {  	v25 =	vld [tilespmem:$0x4E00]  }
0x2f: {  	v26 =	vld [tilespmem:$0x4200]  }
0x30: {  	v27 =	vld [tilespmem:$0x4E80]  }
0x31: {  	v28 =	vld [tilespmem:$0x4280]  }
0x32: {  	v29 =	vld [tilespmem:$0x4F00];
	v1 =	vsub.f32 $1.000000000e+00, v1  }
0x33: {  	v30 =	vld [tilespmem:$0x4300];
	[tilespmem:$0xC00] =	vst v0;
	v3 =	vsub.f32 $1.000000000e+00, v3  }
0x34: {  	v52 =	vld [tilespmem:$0x4F80];
	[tilespmem:$0x1800] =	vst v0;
	v1 =	vmul.f32 v2, v1;
	v2 =	vsub.f32 $1.000000000e+00, v5  }
0x35: {  	v54 =	vld [tilespmem:$0x4380];
	[tilespmem:$0x2400] =	vst v0;
	v53 =	vsub.f32 $1.000000000e+00, v7;
	v3 =	vmul.f32 v4, v3  }
0x36: {  	v55 =	vld [tilespmem:$0x5000];
	[tilespmem:$0x5400] =	vst v1;
	v1 =	vmul.f32 v6, v2;
	v2 =	vsub.f32 $1.000000000e+00, v9  }
0x37: {  	v57 =	vld [tilespmem:$0x4400];
	v56 =	vsub.f32 $1.000000000e+00, v11;
	[tilespmem:$0x5480] =	vst v3;
	v3 =	vmul.f32 v8, v53  }
0x38: {  	v58 =	vld [tilespmem:$0x5080];
	[tilespmem:$0x5500] =	vst v1;
	v1 =	vmul.f32 v10, v2;
	v2 =	vsub.f32 $1.000000000e+00, v13  }
0x39: {  	v60 =	vld [tilespmem:$0x4480];
	v59 =	vsub.f32 $1.000000000e+00, v15;
	[tilespmem:$0x5580] =	vst v3;
	v3 =	vmul.f32 v12, v56  }
0x3a: {  	v61 =	vld [tilespmem:$0x5100];
	[tilespmem:$0x5600] =	vst v1;
	v1 =	vmul.f32 v14, v2;
	v2 =	vsub.f32 $1.000000000e+00, v17  }
0x3b: {  	v63 =	vld [tilespmem:$0x4500];
	v62 =	vsub.f32 $1.000000000e+00, v19;
	[tilespmem:$0x5680] =	vst v3;
	v3 =	vmul.f32 v16, v59  }
0x3c: {  	v32 =	vld [tilespmem:$0x4580];
	[tilespmem:$0x5700] =	vst v1;
	v1 =	vmul.f32 v18, v2;
	v2 =	vsub.f32 $1.000000000e+00, v21  }
0x3d: {  	v33 =	vld [tilespmem:$0x5200];
	v31 =	vsub.f32 $1.000000000e+00, v23;
	[tilespmem:$0x5780] =	vst v3;
	v3 =	vmul.f32 v20, v62  }
0x3e: {  	v35 =	vld [tilespmem:$0x4600];
	[tilespmem:$0x5800] =	vst v1;
	v1 =	vmul.f32 v22, v2;
	v2 =	vsub.f32 $1.000000000e+00, v25  }
0x3f: {  	v36 =	vld [tilespmem:$0x5280];
	v34 =	vsub.f32 $1.000000000e+00, v27;
	[tilespmem:$0x5880] =	vst v3;
	v3 =	vmul.f32 v24, v31  }
0x40: {  	v21 =	vld [tilespmem:$0x5180];
	[tilespmem:$0x5900] =	vst v1;
	v1 =	vmul.f32 v26, v2;
	v2 =	vsub.f32 $1.000000000e+00, v29  }
0x41: {  	v38 =	vld [tilespmem:$0x4680];
	v37 =	vsub.f32 $1.000000000e+00, v52;
	[tilespmem:$0x5980] =	vst v3;
	v3 =	vmul.f32 v28, v34  }
0x42: {  	v39 =	vld [tilespmem:$0x5300];
	[tilespmem:$0x5A00] =	vst v1;
	v1 =	vmul.f32 v30, v2;
	v2 =	vsub.f32 $1.000000000e+00, v55  }
0x43: {  	v41 =	vld [tilespmem:$0x4700];
	v40 =	vsub.f32 $1.000000000e+00, v58;
	[tilespmem:$0x5A80] =	vst v3;
	v3 =	vmul.f32 v54, v37  }
0x44: {  	v42 =	vld [tilespmem:$0x5380];
	[tilespmem:$0x5B00] =	vst v1;
	v1 =	vmul.f32 v57, v2;
	v2 =	vsub.f32 $1.000000000e+00, v61  }
0x45: {  	v44 =	vld [tilespmem:$0x0];
	v43 =	vsub.f32 $1.000000000e+00, v21;
	[tilespmem:$0x5B80] =	vst v3;
	v3 =	vmul.f32 v60, v40  }
0x46: {  	v45 =	vld [tilespmem:$0x4780];
	[tilespmem:$0x5C00] =	vst v1;
	v1 =	vmul.f32 v63, v2;
	v2 =	vsub.f32 $1.000000000e+00, v33  }
0x47: {  	v47 =	vld [tilespmem:$0x80];
	v46 =	vsub.f32 $1.000000000e+00, v36;
	[tilespmem:$0x5C80] =	vst v3;
	v3 =	vmul.f32 v32, v43  }
0x48: {  	[tilespmem:$0x5D00] =	vst v1;
	v1 =	vmul.f32 v35, v2;
	v2 =	vsub.f32 $1.000000000e+00, v39  }
0x49: {  	v49 =	vld [tilespmem:$0x100];
	v48 =	vsub.f32 $1.000000000e+00, v42;
	[tilespmem:$0x5D80] =	vst v3;
	v3 =	vmul.f32 v38, v46  }
0x4a: {  	[tilespmem:$0x5E00] =	vst v1;
	v1 =	vmul.f32 v41, v2;
	v2 =	vadd.f32 v44, v44  }
0x4b: {  	v51 =	vld [tilespmem:$0x180];
	[tilespmem:$0x5E80] =	vst v3;
	v3 =	vmul.f32 v45, v48  }
0x4c: {  	[tilespmem:$0x5F00] =	vst v1;
	v1 =	vsub.f32 $1.000000000e+00, v2;
	v2 =	vadd.f32 v47, v47  }
0x4d: {  	[tilespmem:$0x5F80] =	vst v3;
	v3 =	vld [tilespmem:$0x200]  }
0x4e: {  	[tilespmem:$0x0] =	vst v1;
	v1 =	vsub.f32 $1.000000000e+00, v2;
	v2 =	vadd.f32 v49, v49  }
0x4f: {  	[tilespmem:$0xC80] =	vst v0;
	v54 =	vld [tilespmem:$0x280]  }
0x50: {  	[tilespmem:$0x80] =	vst v1;
	v1 =	vsub.f32 $1.000000000e+00, v2;
	v2 =	vadd.f32 v51, v51  }
0x51: {  	[tilespmem:$0x1880] =	vst v0;
	v56 =	vld [tilespmem:$0x300]  }
0x52: {  	[tilespmem:$0x100] =	vst v1;
	v1 =	vsub.f32 $1.000000000e+00, v2;
	v2 =	vadd.f32 v3, v3;
	v3 =	vld [tilespmem:$0x3E00]  }
0x53: {  	[tilespmem:$0x2480] =	vst v0;
	v57 =	vld [tilespmem:$0x380]  }
0x54: {  	[tilespmem:$0x180] =	vst v1;
	v1 =	vsub.f32 $1.000000000e+00, v2;
	v2 =	vadd.f32 v54, v54  }
0x55: {  	[tilespmem:$0xD00] =	vst v0;
	v59 =	vld [tilespmem:$0x400]  }
0x56: {  	[tilespmem:$0x200] =	vst v1;
	v1 =	vsub.f32 $1.000000000e+00, v2;
	v2 =	vadd.f32 v56, v56  }
0x57: {  	[tilespmem:$0x3200] =	vst v3;
	v3 =	vld [tilespmem:$0x480]  }
0x58: {  	[tilespmem:$0x280] =	vst v1;
	v1 =	vsub.f32 $1.000000000e+00, v2;
	v2 =	vadd.f32 v57, v57  }
0x59: {  	[tilespmem:$0x1900] =	vst v0  }
0x5a: {  	[tilespmem:$0x300] =	vst v1;
	v1 =	vsub.f32 $1.000000000e+00, v2;
	v2 =	vadd.f32 v59, v59  }
0x5b: {  	[tilespmem:$0x2500] =	vst v0;
	v63 =	vld [tilespmem:$0x500]  }
0x5c: {  	[tilespmem:$0x380] =	vst v1;
	v1 =	vsub.f32 $1.000000000e+00, v2;
	v2 =	vadd.f32 v3, v3  }
0x5d: {  	[tilespmem:$0xD80] =	vst v0  }
0x5e: {  	[tilespmem:$0x400] =	vst v1;
	v1 =	vsub.f32 $1.000000000e+00, v2;
	v2 =	vld [tilespmem:$0x4080]  }
0x5f: {  	[tilespmem:$0x1980] =	vst v0  }
0x60: {  	[tilespmem:$0x480] =	vst v1;
	v1 =	vadd.f32 v63, v63  }
0x61: {  	[tilespmem:$0x2580] =	vst v0  }
0x62: {  	[tilespmem:$0xE00] =	vst v0;
	v1 =	vsub.f32 $1.000000000e+00, v1  }
0x63: {  	[tilespmem:$0x3480] =	vst v2;
	v2 =	vld [tilespmem:$0x580]  }
0x64: {  	[tilespmem:$0x500] =	vst v1;
	v1 =	vld [tilespmem:$0x4100]  }
0x65: {  	[tilespmem:$0x1A00] =	vst v0  }
0x66: {  	[tilespmem:$0x2600] =	vst v0  }
0x67: {  	[tilespmem:$0xE80] =	vst v0  }
0x68: {  	[tilespmem:$0x1A80] =	vst v0;
	v2 =	vadd.f32 v2, v2  }
0x69: {  	[tilespmem:$0x3500] =	vst v1;
	v1 =	vld [tilespmem:$0x600]  }
0x6a: {  	[tilespmem:$0x2680] =	vst v0;
	v2 =	vsub.f32 $1.000000000e+00, v2  }
0x6b: {  	[tilespmem:$0xF00] =	vst v0  }
0x6c: {  	[tilespmem:$0x580] =	vst v2;
	v2 =	vld [tilespmem:$0x4180]  }
0x6d: {  	[tilespmem:$0x1B00] =	vst v0  }
0x6e: {  	[tilespmem:$0x2700] =	vst v0;
	v1 =	vadd.f32 v1, v1  }
0x6f: {  	[tilespmem:$0xF80] =	vst v0  }
0x70: {  	[tilespmem:$0x1B80] =	vst v0;
	v1 =	vsub.f32 $1.000000000e+00, v1  }
0x71: {  	[tilespmem:$0x3580] =	vst v2;
	v2 =	vld [tilespmem:$0x680]  }
0x72: {  	[tilespmem:$0x600] =	vst v1;
	v1 =	vld [tilespmem:$0x4200]  }
0x73: {  	[tilespmem:$0x2780] =	vst v0  }
0x74: {  	[tilespmem:$0x1000] =	vst v0  }
0x75: {  	[tilespmem:$0x1C00] =	vst v0  }
0x76: {  	[tilespmem:$0x2800] =	vst v0;
	v2 =	vadd.f32 v2, v2  }
0x77: {  	[tilespmem:$0x3600] =	vst v1;
	v1 =	vld [tilespmem:$0x700]  }
0x78: {  	[tilespmem:$0x1080] =	vst v0;
	v2 =	vsub.f32 $1.000000000e+00, v2  }
0x79: {  	[tilespmem:$0x1C80] =	vst v0  }
0x7a: {  	[tilespmem:$0x680] =	vst v2;
	v2 =	vld [tilespmem:$0x4280]  }
0x7b: {  	[tilespmem:$0x2880] =	vst v0  }
0x7c: {  	[tilespmem:$0x1100] =	vst v0;
	v1 =	vadd.f32 v1, v1  }
0x7d: {  	[tilespmem:$0x1D00] =	vst v0  }
0x7e: {  	[tilespmem:$0x2900] =	vst v0;
	v1 =	vsub.f32 $1.000000000e+00, v1  }
0x7f: {  	[tilespmem:$0x3680] =	vst v2;
	v2 =	vld [tilespmem:$0x780]  }
0x80: {  	[tilespmem:$0x700] =	vst v1;
	v1 =	vld [tilespmem:$0x4300]  }
0x81: {  	[tilespmem:$0x1180] =	vst v0  }
0x82: {  	[tilespmem:$0x1D80] =	vst v0  }
0x83: {  	[tilespmem:$0x2980] =	vst v0  }
0x84: {  	[tilespmem:$0x1200] =	vst v0;
	v2 =	vadd.f32 v2, v2  }
0x85: {  	[tilespmem:$0x3700] =	vst v1;
	v1 =	vld [tilespmem:$0x800]  }
0x86: {  	[tilespmem:$0x1E00] =	vst v0;
	v2 =	vsub.f32 $1.000000000e+00, v2  }
0x87: {  	[tilespmem:$0x2A00] =	vst v0  }
0x88: {  	[tilespmem:$0x780] =	vst v2;
	v2 =	vld [tilespmem:$0x4380]  }
0x89: {  	[tilespmem:$0x1280] =	vst v0  }
0x8a: {  	[tilespmem:$0x1E80] =	vst v0;
	v1 =	vadd.f32 v1, v1  }
0x8b: {  	[tilespmem:$0x2A80] =	vst v0  }
0x8c: {  	[tilespmem:$0x1300] =	vst v0;
	v1 =	vsub.f32 $1.000000000e+00, v1  }
0x8d: {  	[tilespmem:$0x3780] =	vst v2;
	v2 =	vld [tilespmem:$0x880]  }
0x8e: {  	[tilespmem:$0x800] =	vst v1;
	v1 =	vld [tilespmem:$0x4400]  }
0x8f: {  	[tilespmem:$0x1F00] =	vst v0  }
0x90: {  	[tilespmem:$0x2B00] =	vst v0  }
0x91: {  	[tilespmem:$0x1380] =	vst v0  }
0x92: {  	[tilespmem:$0x1F80] =	vst v0;
	v2 =	vadd.f32 v2, v2  }
0x93: {  	[tilespmem:$0x3800] =	vst v1;
	v1 =	vld [tilespmem:$0x900]  }
0x94: {  	[tilespmem:$0x2B80] =	vst v0;
	v2 =	vsub.f32 $1.000000000e+00, v2  }
0x95: {  	[tilespmem:$0x1400] =	vst v0  }
0x96: {  	[tilespmem:$0x880] =	vst v2;
	v2 =	vld [tilespmem:$0x4480]  }
0x97: {  	[tilespmem:$0x2000] =	vst v0  }
0x98: {  	[tilespmem:$0x2C00] =	vst v0;
	v1 =	vadd.f32 v1, v1  }
0x99: {  	[tilespmem:$0x1480] =	vst v0  }
0x9a: {  	[tilespmem:$0x2080] =	vst v0;
	v1 =	vsub.f32 $1.000000000e+00, v1  }
0x9b: {  	[tilespmem:$0x3880] =	vst v2;
	v2 =	vld [tilespmem:$0x980]  }
0x9c: {  	[tilespmem:$0x900] =	vst v1;
	v1 =	vld [tilespmem:$0x4500]  }
0x9d: {  	[tilespmem:$0x2C80] =	vst v0  }
0x9e: {  	[tilespmem:$0x1500] =	vst v0  }
0x9f: {  	[tilespmem:$0x2100] =	vst v0  }
0xa0: {  	[tilespmem:$0x2D00] =	vst v0;
	v2 =	vadd.f32 v2, v2  }
0xa1: {  	[tilespmem:$0x3900] =	vst v1;
	v1 =	vld [tilespmem:$0xA00]  }
0xa2: {  	[tilespmem:$0x1580] =	vst v0;
	v2 =	vsub.f32 $1.000000000e+00, v2  }
0xa3: {  	[tilespmem:$0x2180] =	vst v0  }
0xa4: {  	[tilespmem:$0x980] =	vst v2;
	v2 =	vld [tilespmem:$0x4580]  }
0xa5: {  	[tilespmem:$0x2D80] =	vst v0  }
0xa6: {  	[tilespmem:$0x1600] =	vst v0;
	v1 =	vadd.f32 v1, v1  }
0xa7: {  	[tilespmem:$0x2200] =	vst v0  }
0xa8: {  	[tilespmem:$0x2E00] =	vst v0;
	v1 =	vsub.f32 $1.000000000e+00, v1  }
0xa9: {  	[tilespmem:$0x3980] =	vst v2;
	v2 =	vld [tilespmem:$0xA80]  }
0xaa: {  	[tilespmem:$0xA00] =	vst v1;
	v1 =	vld [tilespmem:$0x4600]  }
0xab: {  	[tilespmem:$0x1680] =	vst v0  }
0xac: {  	[tilespmem:$0x2280] =	vst v0  }
0xad: {  	[tilespmem:$0x2E80] =	vst v0  }
0xae: {  	[tilespmem:$0x1700] =	vst v0;
	v2 =	vadd.f32 v2, v2  }
0xaf: {  	[tilespmem:$0x3A00] =	vst v1;
	v1 =	vld [tilespmem:$0xB00]  }
0xb0: {  	[tilespmem:$0x2300] =	vst v0;
	v2 =	vsub.f32 $1.000000000e+00, v2  }
0xb1: {  	v50 =	vld [tilespmem:$0x3C00];
	[tilespmem:$0x2F00] =	vst v0  }
0xb2: {  	[tilespmem:$0xA80] =	vst v2;
	v2 =	vld [tilespmem:$0x4680]  }
0xb3: {  	[tilespmem:$0x1780] =	vst v0;
	v52 =	vld [tilespmem:$0x3C80]  }
0xb4: {  	[tilespmem:$0x2380] =	vst v0;
	v58 =	vld [tilespmem:$0x3E80];
	v1 =	vadd.f32 v1, v1  }
0xb5: {  	[tilespmem:$0x2F80] =	vst v0;
	v53 =	vld [tilespmem:$0x3D00]  }
0xb6: {  	[tilespmem:$0x3000] =	vst v50;
	v62 =	vld [tilespmem:$0x4000];
	v1 =	vsub.f32 $1.000000000e+00, v1  }
0xb7: {  	[tilespmem:$0x3A80] =	vst v2;
	v2 =	vld [tilespmem:$0x4700]  }
0xb8: {  	[tilespmem:$0xB00] =	vst v1;
	v1 =	vld [tilespmem:$0xB80]  }
0xb9: {  	[tilespmem:$0x3080] =	vst v52;
	v55 =	vld [tilespmem:$0x3D80]  }
0xba: {  	[tilespmem:$0x3280] =	vst v58;
	v60 =	vld [tilespmem:$0x3F00]  }
0xbb: {  	[tilespmem:$0x3100] =	vst v53;
	v61 =	vld [tilespmem:$0x3F80]  }
0xbc: {  	[tilespmem:$0x3400] =	vst v62  }
0xbd: {  	[tilespmem:$0x3B00] =	vst v2;
	v2 =	vld [tilespmem:$0x4780];
	v1 =	vadd.f32 v1, v1  }
0xbe: {  	[tilespmem:$0x3180] =	vst v55  }
0xbf: {  	[tilespmem:$0x3300] =	vst v60;
	v1 =	vsub.f32 $1.000000000e+00, v1  }
0xc0: {  	[tilespmem:$0x3380] =	vst v61  }
0xc1: {  	[tilespmem:$0xB80] =	vst v1  }
0xc2: {  	s13 =	simm.s32 $0x0;
	[tilespmem:$0x3B80] =	vst v2  }
.LBB2_2:
0xc3: {  	s14 =	simm.s32 $0x80  }
0xc4: {  	p0 =	por $0x0, $0x0;
	s16 =	simm.s32 $0x7FFFED;
	v1 =	vld [tilespmem:s14+$0x2F80]  }
0xc5: {  	s15 =	simm.s32 $0x200;
	p1 =	por $0x0, $0x0;
	s16 =	simm.s32 @!p0 $0x5;
	v3 =	vld [tilespmem:s14+$0xB80]  }
0xc6: {  	s15 =	simm.s32 @p1 $0x0;
	v2 =	vld [tilespmem:s14+$0x2380];
	s16 =	sadd.s32 $0x0, s16  }
0xc7: {  	v5 =	vld [tilespmem:s14+$0x1780];
	s15 =	sshra.s32 s15, $0x2;
	s16 =	sshll.u32 s16, $0x9  }
0xc8: {  	v4 =	vld [tilespmem:s15+$0x3000];
	s31 =	sshra.s32 s16, $0x2  }
0xc9: {  	v6 =	vld [tilespmem:s31+$0x3000]  }
0xca: {  	v3 =	vsub.f32 v1, v3;
	_ =	sdelay $0x1  }
0xcb: {  	v1 =	vand.u32 $0x7FFFFFFF, v3  }
0xcc: {  	v8 =	vsub.f32 v4, v5;
	v4 =	vmul.f32 $-2.000000000e+02, v1  }
0xcd: {  	v2 =	vsub.f32 v6, v2  }
0xce: {  	v5 =	vand.u32 $0x7FFFFFFF, v8;
	v4 =	vmul.f32 $1.442695020e+00, v4  }
0xcf: {  	v6 =	vmul.f32 $-2.000000000e+02, v5;
	v7 =	vand.u32 $0x7FFFFFFF, v2  }
0xd0: {  	v9 =	vmul.f32 $-2.000000000e+02, v7;
	(erf) = vpow2.f32 v4  }
0xd1: {  	v10 =	vmin.f32 v5, v7;
	v11 =	vmax.f32 v5, v7;
	v6 =	vmul.f32 $1.442695020e+00, v6  }
0xd2: {  	v12 =	vsub.f32 v10, v11;
	v4 =	vmul.f32 $1.442695020e+00, v9  }
0xd3: {  	v9 =	vmin.f32 v1, v5;
	v5 =	vmax.f32 v1, v5;
	(erf) = vpow2.f32 v6  }
0xd4: {  	v12 =	vmul.f32 $1.000000000e+02, v12;
	v6 =	vsub.f32 v9, v5  }
0xd5: {  	(erf) = vpow2.f32 v4;
	v4 =	vmin.f32 v1, v7  }
0xd6: {  	v7 =	vmax.f32 v1, v7;
	v1 =	vmul.f32 $1.442695020e+00, v12;
	v6 =	vmul.f32 $1.000000000e+02, v6  }
0xd7: {  	v58 =	vsub.f32 v4, v7  }
0xd8: {  	(erf) = vpow2.f32 v1;
	v6 =	vmul.f32 $1.442695020e+00, v6  }
0xd9: {  	v1 =	vmul.f32 $1.000000000e+02, v58;
	v59 =	vpop (erf)  }
0xda: {  	(erf) = vpow2.f32 v6;
	v6 =	vadd.f32 $1.000000000e+00, v59  }
0xdb: {  	v1 =	vmul.f32 $1.442695020e+00, v1  }
0xdc: {  	v13 =	vpop (erf)  }
0xdd: {  	(erf) = vpow2.f32 v1;
	v1 =	vadd.f32 $1.000000000e+00, v13  }
0xde: {  	(erf) = vrcp.f32 v6;
	v6 =	vpop (erf)  }
0xdf: {  	v14 =	vadd.f32 $1.000000000e+00, v6  }
0xe0: {  	(erf) = vrcp.f32 v1  }
0xe1: {  	v1 =	vpop (erf);
	(erf) = vrcp.f32 v14  }
0xe2: {  	v60 =	vadd.f32 $1.000000000e+00, v1;
	_ =	sdelay $0x1  }
0xe3: {  	v61 =	vpop (erf);
	(erf) = vrcp.f32 v60  }
0xe4: {  	v1 =	vmul.f32 v1, v11;
	v14 =	vadd.f32 $1.000000000e+00, v61  }
0xe5: {  	v11 =	vsub.f32 $1.000000000e+00, v59;
	v5 =	vmul.f32 v61, v5;
	v62 =	vpop (erf)  }
0xe6: {  	vm0 =	vge.f32 v2, $0.0e+00;
	v2 =	vadd.f32 v1, v10;
	v15 =	vpop (erf);
	(erf) = vrcp.f32 v14  }
0xe7: {  	v1 =	vadd.f32 v5, v9;
	v12 =	vadd.f32 $1.000000000e+00, v62;
	v5 =	vmul.f32 v15, v11  }
0xe8: {  	v10 =	vsub.f32 $1.000000000e+00, v6;
	v9 =	vsub.f32 $1.000000000e+00, v13;
	v6 =	vpop (erf)  }
0xe9: {  	v11 =	vmul.f32 v62, v7;
	(erf) = vrcp.f32 v12;
	v63 =	vsub.f32 $0.0e+00, v5;
	v7 =	vpop (erf)  }
0xea: {  	vm1 =	vge.f32 v3, $0.0e+00;
	v6 =	vmul.f32 v6, v9;
	v7 =	vmul.f32 v7, v10  }
0xeb: {  	s17 =	simm.s32 $0x600;
	v3 =	vadd.f32 v11, v4;
	v5 =	vsel vm1, v5, v63  }
0xec: {  	p1 =	por $0x0, $0x0;
	s15 =	simm.s32 $0x400;
	s16 =	simm.s32 $0x1;
	v4 =	vld [tilespmem:s14+$0xFFFFFF80];
	v9 =	vsub.f32 $0.0e+00, v6;
	vm1 =	vge.f32 v8, $0.0e+00;
	v8 =	vpop (erf);
	v10 =	vsub.f32 $0.0e+00, v7  }
.LBB2_3:
0xed: {  	p0 =	sne.s32 s17, $0x3000;
	s18 =	simm.s32 $0x7FFFED  }
0xee: {  	v6 =	vsel vm1, v6, v9;
	s19 =	smov.u32 s17;
	s17 =	sadd.s32 $0x200, s17;
	s18 =	simm.s32 @!p1 $0x5  }
0xef: {  	v2 =	vmul.f32 v8, v2;
	v7 =	vsel vm0, v7, v10;
	v8 =	vmul.f32 v6, v5;
	s18 =	sadd.s32 s16, s18;
	v9 =	vpop (erf)  }
0xf0: {  	v6 =	vmul.f32 v7, v6;
	v10 =	vmul.f32 v7, v5;
	s18 =	sshll.u32 s18, $0x9  }
0xf1: {  	v7 =	vmul.f32 v8, v4;
	v1 =	vmul.f32 v9, v1;
	s18 =	sshra.s32 s18, $0x2  }
0xf2: {  	v6 =	vmul.f32 v6, v4;
	v4 =	vmul.f32 v10, v4;
	v5 =	vpop (erf)  }
0xf3: {  	v1 =	vmul.f32 v7, v1;
	v3 =	vmul.f32 v5, v3  }
0xf4: {  	s20 =	sshra.s32 s15, $0x2;
	s21 =	smov.u32 s15;
	p1 =	seq.s32 s15, $0x3000;
	v2 =	vmul.f32 v6, v2  }
0xf5: {  	s15 =	smov.u32 s19;
	s21 =	simm.s32 @p1 $0x0;
	v5 =	vld [tilespmem:s20+$0x2F80];
	v3 =	vmul.f32 v4, v3;
	[tilespmem:s14+$0x2380] =	vst v1  }
0xf6: {  	s19 =	sshra.s32 s21, $0x2;
	v1 =	vld [tilespmem:s20+$0x2380];
	[tilespmem:s14+$0xB80] =	vst v2  }
0xf7: {  	v2 =	vld [tilespmem:s20+$0xB80];
	[tilespmem:s14+$0x1780] =	vst v3;
	s14 =	smov.u32 s20  }
0xf8: {  	v3 =	vld [tilespmem:s19+$0x3000]  }
0xf9: {  	v4 =	vld [tilespmem:s14+$0x1780]  }
0xfa: {  	v6 =	vld [tilespmem:s18+$0x3000];
	_ =	sdelay $0x1  }
0xfb: {  	v5 =	vsub.f32 v5, v2;
	_ =	sdelay $0x1  }
0xfc: {  	v8 =	vsub.f32 v3, v4;
	v2 =	vand.u32 $0x7FFFFFFF, v5  }
0xfd: {  	v1 =	vsub.f32 v6, v1;
	v3 =	vmul.f32 $-2.000000000e+02, v2  }
0xfe: {  	v4 =	vand.u32 $0x7FFFFFFF, v8  }
0xff: {  	v3 =	vmul.f32 $1.442695020e+00, v3;
	v6 =	vmul.f32 $-2.000000000e+02, v4;
	v7 =	vand.u32 $0x7FFFFFFF, v1  }
0x100: {  	v9 =	vmul.f32 $-2.000000000e+02, v7;
	v10 =	vmin.f32 v4, v7;
	v11 =	vmax.f32 v4, v7  }
0x101: {  	v6 =	vmul.f32 $1.442695020e+00, v6;
	v12 =	vsub.f32 v10, v11;
	(erf) = vpow2.f32 v3  }
0x102: {  	v3 =	vmul.f32 $1.442695020e+00, v9;
	v9 =	vmin.f32 v2, v4;
	v4 =	vmax.f32 v2, v4  }
0x103: {  	v12 =	vmul.f32 $1.000000000e+02, v12;
	v13 =	vsub.f32 v9, v4;
	(erf) = vpow2.f32 v6  }
0x104: {  	v6 =	vmin.f32 v2, v7;
	v7 =	vmax.f32 v2, v7;
	(erf) = vpow2.f32 v3  }
0x105: {  	v3 =	vsub.f32 v6, v7;
	v2 =	vmul.f32 $1.442695020e+00, v12;
	v12 =	vmul.f32 $1.000000000e+02, v13  }
0x106: {  	vm0 =	vge.f32 v1, $0.0e+00  }
0x107: {  	v1 =	vmul.f32 $1.442695020e+00, v12;
	(erf) = vpow2.f32 v2  }
0x108: {  	v2 =	vmul.f32 $1.000000000e+02, v3  }
0x109: {  	(erf) = vpow2.f32 v1  }
0x10a: {  	v1 =	vmul.f32 $1.442695020e+00, v2;
	v3 =	vpop (erf)  }
0x10b: {  	v2 =	vadd.f32 $1.000000000e+00, v3  }
0x10c: {  	v12 =	vpop (erf);
	(erf) = vpow2.f32 v1  }
0x10d: {  	v14 =	vadd.f32 $1.000000000e+00, v12;
	(erf) = vrcp.f32 v2;
	v13 =	vpop (erf)  }
0x10e: {  	v2 =	vadd.f32 $1.000000000e+00, v13  }
0x10f: {  	(erf) = vrcp.f32 v14  }
0x110: {  	(erf) = vrcp.f32 v2;
	v1 =	vpop (erf)  }
0x111: {  	v2 =	vmul.f32 v1, v11;
	v1 =	vadd.f32 $1.000000000e+00, v1  }
0x112: {  	v11 =	vpop (erf)  }
0x113: {  	v14 =	vmul.f32 v11, v4;
	v11 =	vadd.f32 $1.000000000e+00, v11;
	(erf) = vrcp.f32 v1  }
0x114: {  	v2 =	vadd.f32 v2, v10  }
0x115: {  	v3 =	vsub.f32 $1.000000000e+00, v3;
	v1 =	vadd.f32 v14, v9;
	v4 =	vpop (erf);
	(erf) = vrcp.f32 v11  }
0x116: {  	v7 =	vmul.f32 v4, v7;
	v14 =	vadd.f32 $1.000000000e+00, v4;
	v9 =	vpop (erf)  }
0x117: {  	v10 =	vsub.f32 $1.000000000e+00, v12;
	v9 =	vmul.f32 v9, v3  }
.Ltmp0:
0x118: {  	v11 =	vsub.f32 $1.000000000e+00, v13;
	v3 =	vadd.f32 v7, v6;
	v6 =	vpop (erf);
	(erf) = vrcp.f32 v14;
	(pc) =	sbr.rel @p0 .LBB2_3-.Ltmp0, $4  }
0x119: {  	v12 =	vsub.f32 $0.0e+00, v9;
	v6 =	vmul.f32 v6, v10;
	v4 =	vpop (erf)  }
0x11a: {  	vm1 =	vge.f32 v5, $0.0e+00;
	v7 =	vmul.f32 v4, v11  }
0x11b: {  	s16 =	sadd.s32 $0x1, s16;
	v4 =	vld [tilespmem:s14+$0xFFFFFF80];
	v5 =	vsel vm1, v9, v12;
	v9 =	vsub.f32 $0.0e+00, v6  }
0x11c: {  	p1 =	sgt.u32 s16, $0x12;
	vm1 =	vge.f32 v8, $0.0e+00;
	v10 =	vsub.f32 $0.0e+00, v7;
	v8 =	vpop (erf)  }
0x11d: {  	_ = 	snop  }
0x11e: {  	v6 =	vsel vm1, v6, v9;
	v7 =	vsel vm0, v7, v10  }
0x11f: {  	v9 =	vmul.f32 v6, v5;
	v5 =	vmul.f32 v7, v5;
	_ =	sdelay $0x1  }
0x120: {  	v2 =	vmul.f32 v8, v2;
	v14 =	vpop (erf);
	v6 =	vmul.f32 v7, v6  }
0x121: {  	v1 =	vmul.f32 v14, v1;
	v9 =	vmul.f32 v9, v4  }
0x122: {  	v6 =	vmul.f32 v6, v4;
	v4 =	vmul.f32 v5, v4;
	v5 =	vpop (erf)  }
0x123: {  	v1 =	vmul.f32 v9, v1;
	v3 =	vmul.f32 v5, v3  }
0x124: {  	s17 =	sshra.s32 s15, $0x2;
	v2 =	vmul.f32 v6, v2  }
0x125: {  	s18 =	simm.s32 $0x7FFFED;
	p0 =	seq.s32 s15, $0x3000;
	v15 =	vld [tilespmem:s17+$0x2F80];
	[tilespmem:s14+$0x2380] =	vst v1;
	v3 =	vmul.f32 v4, v3  }
0x126: {  	s18 =	simm.s32 @!p1 $0x5;
	s15 =	simm.s32 @p0 $0x0;
	v1 =	vld [tilespmem:s17+$0x2380];
	[tilespmem:s14+$0xB80] =	vst v2  }
0x127: {  	s16 =	sadd.s32 s16, s18;
	s15 =	sshra.s32 s15, $0x2;
	v2 =	vld [tilespmem:s17+$0xB80];
	[tilespmem:s14+$0x1780] =	vst v3  }
0x128: {  	s31 =	sshll.u32 s16, $0x9;
	v3 =	vld [tilespmem:s15+$0x3000]  }
0x129: {  	s14 =	sshra.s32 s31, $0x2;
	v4 =	vld [tilespmem:s17+$0x1780]  }
0x12a: {  	v5 =	vld [tilespmem:s14+$0x3000];
	_ =	sdelay $0x2  }
0x12b: {  	v2 =	vsub.f32 v15, v2  }
0x12c: {  	v3 =	vsub.f32 v3, v4  }
0x12d: {  	v4 =	vand.u32 $0x7FFFFFFF, v2;
	v1 =	vsub.f32 v5, v1  }
0x12e: {  	v5 =	vmul.f32 $-2.000000000e+02, v4;
	v16 =	vand.u32 $0x7FFFFFFF, v3  }
0x12f: {  	v18 =	vand.u32 $0x7FFFFFFF, v1;
	v17 =	vmul.f32 $-2.000000000e+02, v16  }
0x130: {  	v5 =	vmul.f32 $1.442695020e+00, v5;
	v19 =	vmul.f32 $-2.000000000e+02, v18  }
0x131: {  	v7 =	vmul.f32 $1.442695020e+00, v17  }
0x132: {  	(erf) = vpow2.f32 v5;
	v5 =	vmul.f32 $1.442695020e+00, v19  }
0x133: {  	(erf) = vpow2.f32 v7  }
0x134: {  	v20 =	vmin.f32 v16, v18;
	v11 =	vmax.f32 v16, v18;
	(erf) = vpow2.f32 v5  }
0x135: {  	v21 =	vmin.f32 v4, v16;
	v6 =	vmax.f32 v4, v16;
	v12 =	vsub.f32 v20, v11  }
0x136: {  	v13 =	vsub.f32 v21, v6;
	v5 =	vmin.f32 v4, v18;
	v4 =	vmax.f32 v4, v18  }
0x137: {  	v22 =	vmul.f32 $1.000000000e+02, v12;
	v24 =	vsub.f32 v5, v4  }
0x138: {  	v23 =	vmul.f32 $1.000000000e+02, v13  }
0x139: {  	v7 =	vmul.f32 $1.442695020e+00, v22;
	v25 =	vmul.f32 $1.000000000e+02, v24  }
0x13a: {  	v8 =	vmul.f32 $1.442695020e+00, v23  }
0x13b: {  	(erf) = vpow2.f32 v7;
	v7 =	vmul.f32 $1.442695020e+00, v25;
	v26 =	vpop (erf)  }
0x13c: {  	(erf) = vpow2.f32 v8;
	v27 =	vadd.f32 $1.000000000e+00, v26;
	v28 =	vpop (erf)  }
0x13d: {  	(erf) = vpow2.f32 v7;
	v29 =	vadd.f32 $1.000000000e+00, v28;
	v14 =	vpop (erf)  }
0x13e: {  	(erf) = vrcp.f32 v27;
	v30 =	vadd.f32 $1.000000000e+00, v14  }
0x13f: {  	(erf) = vrcp.f32 v29  }
0x140: {  	(erf) = vrcp.f32 v30;
	_ =	sdelay $0x3  }
0x141: {  	v31 =	vpop (erf)  }
0x142: {  	v32 =	vadd.f32 $1.000000000e+00, v31;
	v15 =	vpop (erf)  }
0x143: {  	vm13 =	vge.f32 v1, $0.0e+00;
	v8 =	vsub.f32 $1.000000000e+00, v26;
	v16 =	vadd.f32 $1.000000000e+00, v15;
	v33 =	vpop (erf)  }
0x144: {  	v13 =	vsub.f32 $1.000000000e+00, v28;
	v14 =	vsub.f32 $1.000000000e+00, v14;
	(erf) = vrcp.f32 v32;
	v17 =	vpop (erf)  }
0x145: {  	v1 =	vmul.f32 v31, v11;
	(erf) = vrcp.f32 v16;
	v34 =	vadd.f32 $1.000000000e+00, v33;
	v35 =	vpop (erf)  }
0x146: {  	v8 =	vmul.f32 v17, v8;
	v36 =	vmul.f32 v35, v13;
	v37 =	vpop (erf)  }
0x147: {  	(erf) = vrcp.f32 v34;
	v11 =	vmul.f32 v37, v14  }
0x148: {  	v38 =	vsub.f32 $0.0e+00, v8;
	v39 =	vsub.f32 $0.0e+00, v36  }
0x149: {  	vm14 =	vge.f32 v2, $0.0e+00;
	vm15 =	vge.f32 v3, $0.0e+00;
	v3 =	vsub.f32 $0.0e+00, v11  }
0x14a: {  	v2 =	vld [tilespmem:s17+$0xFFFFFF80];
	v8 =	vsel vm14, v8, v38;
	v7 =	vsel vm15, v36, v39  }
0x14b: {  	v6 =	vmul.f32 v15, v6;
	v3 =	vsel vm13, v11, v3;
	v41 =	vmul.f32 v7, v8  }
0x14c: {  	v1 =	vadd.f32 v1, v20;
	v7 =	vmul.f32 v3, v7;
	v3 =	vmul.f32 v3, v8  }
0x14d: {  	v6 =	vadd.f32 v6, v21;
	v4 =	vmul.f32 v33, v4;
	v40 =	vpop (erf)  }
0x14e: {  	v1 =	vmul.f32 v40, v1;
	v42 =	vpop (erf)  }
0x14f: {  	v4 =	vadd.f32 v4, v5;
	v6 =	vmul.f32 v42, v6;
	v7 =	vmul.f32 v7, v2  }
0x150: {  	v5 =	vmul.f32 v41, v2;
	v2 =	vmul.f32 v3, v2;
	v3 =	vpop (erf)  }
0x151: {  	v1 =	vmul.f32 v7, v1;
	v3 =	vmul.f32 v3, v4  }
0x152: {  	v4 =	vmul.f32 v5, v6  }
0x153: {  	[tilespmem:s17+$0xB80] =	vst v1;
	v2 =	vmul.f32 v2, v3  }
0x154: {  	[tilespmem:s17+$0x2380] =	vst v4  }
0x155: {  	[tilespmem:s17+$0x1780] =	vst v2  }
0x156: {  	v1 =	vld [tilespmem:$0xC00]  }
0x157: {  	v2 =	vld [tilespmem:$0x2380]  }
0x158: {  	v3 =	vld [tilespmem:$0x2D80]  }
0x159: {  	v4 =	vld [tilespmem:$0x5400]  }
0x15a: {  	v5 =	vld [tilespmem:$0x4800]  }
0x15b: {  	v43 =	vld [tilespmem:$0x3000]  }
0x15c: {  	v44 =	vld [tilespmem:$0xC80]  }
0x15d: {  	v45 =	vld [tilespmem:$0x1800]  }
0x15e: {  	v46 =	vld [tilespmem:$0x2E00]  }
0x15f: {  	v47 =	vld [tilespmem:$0x5480]  }
0x160: {  	v48 =	vld [tilespmem:$0x4880]  }
0x161: {  	v49 =	vld [tilespmem:$0x3080]  }
0x162: {  	v50 =	vld [tilespmem:$0xD00]  }
0x163: {  	v51 =	vld [tilespmem:$0x1880]  }
0x164: {  	v52 =	vld [tilespmem:$0x2E80]  }
0x165: {  	v53 =	vld [tilespmem:$0x5500]  }
0x166: {  	v54 =	vld [tilespmem:$0x4900]  }
0x167: {  	v18 =	vld [tilespmem:$0x3100]  }
0x168: {  	v19 =	vld [tilespmem:$0xD80]  }
0x169: {  	v20 =	vld [tilespmem:$0x1900]  }
0x16a: {  	v21 =	vld [tilespmem:$0x2F00]  }
0x16b: {  	v22 =	vld [tilespmem:$0x5580]  }
0x16c: {  	v23 =	vld [tilespmem:$0x3180];
	v1 =	vadd.f32 v2, v1  }
0x16d: {  	v24 =	vld [tilespmem:$0x1980]  }
0x16e: {  	v56 =	vld [tilespmem:$0x5600];
	v1 =	vadd.f32 v3, v1  }
0x16f: {  	v3 =	vld [tilespmem:$0xE00]  }
0x170: {  	v2 =	vld [tilespmem:$0x4980];
	v1 =	vadd.f32 v4, v1;
	v4 =	vmul.f32 v43, v5  }
0x171: {  	v58 =	vadd.f32 v20, v19;
	v5 =	vld [tilespmem:$0x2F80]  }
0x172: {  	v57 =	vld [tilespmem:$0x4A00];
	v1 =	vadd.f32 v4, v1;
	v4 =	vadd.f32 v51, v50  }
0x173: {  	v59 =	vld [tilespmem:$0x3200];
	v55 =	vadd.f32 v45, v44;
	v9 =	vadd.f32 v21, v58  }
0x174: {  	v3 =	vadd.f32 v24, v3;
	v4 =	vadd.f32 v52, v4  }
0x175: {  	v6 =	vadd.f32 v46, v55;
	v62 =	vadd.f32 v22, v9;
	v2 =	vmul.f32 v23, v2  }
0x176: {  	v61 =	vmul.f32 v18, v54;
	v3 =	vadd.f32 v5, v3;
	v4 =	vadd.f32 v53, v4  }
0x177: {  	v60 =	vmul.f32 v49, v48;
	v6 =	vadd.f32 v47, v6;
	v2 =	vadd.f32 v2, v62  }
0x178: {  	[tilespmem:$0x3000] =	vst v1;
	v3 =	vadd.f32 v56, v3;
	v1 =	vadd.f32 v61, v4;
	v4 =	vmul.f32 v59, v57  }
0x179: {  	v5 =	vadd.f32 v60, v6;
	[tilespmem:$0x3180] =	vst v2  }
0x17a: {  	[tilespmem:$0x3100] =	vst v1;
	v1 =	vadd.f32 v4, v3  }
0x17b: {  	[tilespmem:$0x3080] =	vst v5  }
0x17c: {  	s14 =	simm.s32 $0x0;
	[tilespmem:$0x3200] =	vst v1  }
0x17d: {  	v1 =	vld [tilespmem:s14+$0xE80]  }
0x17e: {  	v2 =	vld [tilespmem:s14+$0x1A00]  }
0x17f: {  	v63 =	vld [tilespmem:s14+$0x3280]  }
0x180: {  	v4 =	vld [tilespmem:s14+$0x2400]  }
0x181: {  	v3 =	vld [tilespmem:s14+$0x5680]  }
0x182: {  	v5 =	vld [tilespmem:s14+$0x4A80]  }
0x183: {  	v1 =	vadd.f32 v2, v1;
	_ =	sdelay $0x1  }
0x184: {  	v2 =	vadd.f32 v4, v1  }
0x185: {  	s15 =	simm.s32 $0x80  }
0x186: {  	s16 =	simm.s32 $0x400;
	v1 =	vld [tilespmem:s15+$0xE80];
	v2 =	vadd.f32 v3, v2;
	v3 =	vmul.f32 v63, v5  }
.LBB2_5:
0x187: {  	p0 =	sne.s32 s16, $0x2400;
	v4 =	vld [tilespmem:s15+$0x1A00]  }
0x188: {  	v5 =	vld [tilespmem:s15+$0x5680];
	v2 =	vadd.f32 v3, v2  }
0x189: {  	v3 =	vld [tilespmem:s15+$0x2400]  }
0x18a: {  	v6 =	vld [tilespmem:s15+$0x4A80];
	[tilespmem:s14+$0x3280] =	vst v2;
	s14 =	smov.u32 s15  }
0x18b: {  	v7 =	vld [tilespmem:s14+$0x3280]  }
.Ltmp1:
0x18c: {  	v1 =	vadd.f32 v4, v1;
	(pc) =	sbr.rel @p0 .LBB2_5-.Ltmp1, $4  }
0x18d: {  	_ = 	snop  }
0x18e: {  	v2 =	vadd.f32 v3, v1  }
0x18f: {  	s15 =	sshra.s32 s16, $0x2  }
0x190: {  	s16 =	sadd.s32 $0x200, s16;
	v1 =	vld [tilespmem:s15+$0xE80];
	v2 =	vadd.f32 v5, v2;
	v3 =	vmul.f32 v7, v6  }
0x191: {  	v4 =	vld [tilespmem:s15+$0x1A00]  }
0x192: {  	v5 =	vld [tilespmem:s15+$0x5680];
	v2 =	vadd.f32 v3, v2  }
0x193: {  	v3 =	vld [tilespmem:s15+$0x2400]  }
0x194: {  	v6 =	vld [tilespmem:s15+$0x4A80];
	[tilespmem:s14+$0x3280] =	vst v2  }
0x195: {  	v2 =	vld [tilespmem:s15+$0x3280]  }
0x196: {  	v1 =	vadd.f32 v4, v1;
	_ =	sdelay $0x1  }
0x197: {  	s13 =	sadd.s32 $0x1, s13;
	v1 =	vadd.f32 v3, v1  }
0x198: {  	p0 =	sne.s32 s13, $0xA  }
.Ltmp2:
0x199: {  	v1 =	vadd.f32 v5, v1;
	v2 =	vmul.f32 v2, v6;
	(pc) =	sbr.rel @p0 .LBB2_2-.Ltmp2, $3  }
0x19a: {  	_ = 	snop  }
0x19b: {  	v1 =	vadd.f32 v2, v1;
	_ =	sdelay $0x1  }
0x19c: {  	[tilespmem:s15+$0x3280] =	vst v1  }
0x19d: {  	s12 =	sadd.s32 $0x1, s12  }
0x19e: {  	p0 =	sne.s32 s12, s7  }
.Ltmp3:
0x19f: {  	_ = 	snop;
	(pc) =	sbr.rel @p0 .LBB2_1-.Ltmp3, $4  }
0x1a0: {  	[hbm4b:s6+s2] =	stream.linear.scatter [tilespmem:s11], [sflag:$0x1], $0xC00, $0x38;
	[tilespmem:$0x6000] =	vst v63  }
0x1a1: {  	_ =	swait.ge [sflag:s8], $0xC00  }
0x1a2: {  	[sflag:s8] =	ssyncset.done $0x0  }
0x1a3: {  	[sflag:s8] =	ssyncadd.s32 $0xFFFFF400  }
0x1a4: {  	_ =	sfence.sel $0x180000  }
0x1a5: {  	[bflag:$0x0] =	sbarrier.arrive $0xFFFF  }
0x1a6: {  	p0 =	sne.s32 s0, $0x0;
	_ =	strace $0x90000047  }
0x1a7: {  	s0 =	sadd.s32 @!p0 $0x100000, s1;
	[bflag:$0x2] =	sbarrier.arrive $0xFFFF  }
0x1a8: {  	[sflag:s0] =	ssyncadd.tile.s32 @!p0 $0x1;
	_ =	shalt  }
.Lfunc_end2:
_tile_overlayer_lowered:
.L_overlay_start_2:
0x1a9: {  	(tag) =	ssettag $0x2  }
0x1aa: {  	s0 =	rddreg [dreg:$0x0];
	s2 =	stileid.u32  }
0x1ab: {  	s1 =	rddreg [dreg:$0x1];
	p0 =	sne.s32 s2, $0x0  }
0x1ac: {  	s3 =	rddreg [dreg:$0x2];
	[bflag:$0x3] =	sbarrier.arrive $0xFFFF;
	s2 =	simm.s32 @!p0 $0x1C01  }
0x1ad: {  	[timem:s3], [sflag:s2] =	dma.local @!p0 [hbm:s0], s1  }
0x1ae: {  	s0 =	simm.s32 @!p0 $0x1  }
0x1af: {  	_ =	swait.ge @!p0 [sflag:s0], s1  }
0x1b0: {  	s1 =	ssub.s32 @!p0 $0x0, s1;
	[sflag:s0] =	ssyncset.done @!p0 $0x0  }
0x1b1: {  	[sflag:s0] =	ssyncadd.s32 @!p0 s1  }
0x1b2: {  	[bflag:$0x3] =	sbarrier.arrive $0xFFFF  }
0x1b3: {  	_ =	shalt  }

</sc_bundles>
